<compile_context>
chip_gen: v7x
topology: tpu7x:2x2x1
jax: 0.10.2.dev20260603
libtpu: 0.0.44.dev20260713+nightly
codegen_flags: <defaults>
</compile_context>

<pallas_src>
import functools

import jax
import jax.numpy as jnp
from jax import lax
from jax.experimental import pallas as pl
from jax.experimental.pallas import tpu as pltpu
from jax.experimental.pallas import tpu_sc as plsc

N = 10000
D = 128
H = 128
NC = 2
NS = 16
NW = NC * NS
CH = 128
NPAD = 10240
PADROWS = NPAD - N
ROWS_PER_SUB = NPAD // NS


def _mesh():
    return plsc.VectorSubcoreMesh(core_axis_name="c", subcore_axis_name="s",
                                  num_cores=NC, num_subcores=NS)



def _sc_degrees(nch):

    @functools.partial(
        pl.kernel,
        out_type=jax.ShapeDtypeStruct((NW, 2, NPAD), jnp.float32),
        mesh=_mesh(),
        scratch_types=[
            pltpu.VMEM((2 * nch, CH), jnp.int32),
            pltpu.VMEM((NPAD,), jnp.float32),
            pltpu.VMEM((NPAD,), jnp.float32),
        ],
        compiler_params=pltpu.CompilerParams(needs_layout_passes=False),
    )
    def deg_kernel(eidx_hbm, zeros_hbm, out_hbm, cidx, dsrc_v, ddst_v):
        cid = lax.axis_index("c")
        sid = lax.axis_index("s")
        wid = sid * NC + cid
        pltpu.sync_copy(zeros_hbm, dsrc_v)
        pltpu.sync_copy(zeros_hbm, ddst_v)
        pltpu.sync_copy(eidx_hbm.at[wid], cidx)

        @pl.loop(0, nch)
        def _(j):
            for v in range(CH // 16):
                sv = cidx[2 * j, pl.ds(v * 16, 16)]
                cnt, last = plsc.scan_count(sv)
                plsc.addupdate_scatter(dsrc_v, [sv],
                                       cnt.astype(jnp.float32), mask=last)
                dv = cidx[2 * j + 1, pl.ds(v * 16, 16)]
                cnt2, last2 = plsc.scan_count(dv)
                plsc.addupdate_scatter(ddst_v, [dv],
                                       cnt2.astype(jnp.float32), mask=last2)

        pltpu.sync_copy(dsrc_v, out_hbm.at[wid, 0])
        pltpu.sync_copy(ddst_v, out_hbm.at[wid, 1])

    return deg_kernel


def _sc_aggregate(nch, nblk, blk):
    assert blk % 2 == 0

    @functools.partial(
        pl.kernel,
        out_type=jax.ShapeDtypeStruct((NC, NPAD, D), jnp.float32),
        mesh=_mesh(),
        scratch_types=[
            pltpu.VMEM((2 * blk, CH), jnp.int32),
            pltpu.VMEM((CH, D), jnp.float32),
            pltpu.VMEM((CH, D), jnp.float32),
            pltpu.VMEM_SHARED((NPAD, D), jnp.float32),
            pltpu.SemaphoreType.DMA,
            pltpu.SemaphoreType.DMA,
            pltpu.SemaphoreType.DMA,
            pltpu.SemaphoreType.DMA,
            pltpu.SemaphoreType.DMA,
        ],
    )
    def agg_kernel(t_hbm, eidx_hbm, zeros_hbm, out_hbm,
                   cidx, rows0, rows1, agg_sh, semg0, semg1, sems0, sems1,
                   semz):
        cid = lax.axis_index("c")
        sid = lax.axis_index("s")
        wid = sid * NC + cid
        rbase = sid * ROWS_PER_SUB
        pltpu.async_copy(zeros_hbm.at[pl.ds(rbase, ROWS_PER_SUB)],
                        agg_sh.at[pl.ds(rbase, ROWS_PER_SUB)], semz)

        rows = (rows0, rows1)
        semg = (semg0, semg1)
        sems = (sems0, sems1)

        def g_start(k):
            pltpu.async_copy(t_hbm.at[cidx.at[2 * k]], rows[k % 2],
                             semg[k % 2])

        def g_wait(k):
            pltpu.make_async_copy(t_hbm.at[cidx.at[2 * k]], rows[k % 2],
                                  semg[k % 2]).wait()

        def s_start(k):
            pltpu.async_copy(rows[k % 2], agg_sh.at[cidx.at[2 * k + 1]],
                             sems[k % 2], add=True)

        def s_wait(k):
            pltpu.make_async_copy(rows[k % 2], agg_sh.at[cidx.at[2 * k + 1]],
                                  sems[k % 2]).wait()

        @pl.loop(0, nblk)
        def _(b):
            off = pl.multiple_of(2 * b * blk, 16)
            pltpu.sync_copy(eidx_hbm.at[wid, pl.ds(off, 2 * blk)], cidx)
            g_start(0)
            for k in range(blk):
                if k == 0:
                    @pl.when(b == 0)
                    def _():
                        pltpu.make_async_copy(
                            zeros_hbm.at[pl.ds(rbase, ROWS_PER_SUB)],
                            agg_sh.at[pl.ds(rbase, ROWS_PER_SUB)],
                            semz).wait()
                        plsc.subcore_barrier()

                    @pl.when(b > 0)
                    def _():
                        s_wait(blk - 1)
                g_wait(k)
                s_start(k)
                if k >= 1:
                    s_wait(k - 1)
                if k + 1 < blk:
                    g_start(k + 1)

        s_wait(blk - 1)
        plsc.subcore_barrier()
        pltpu.sync_copy(agg_sh.at[pl.ds(rbase, ROWS_PER_SUB)],
                        out_hbm.at[cid, pl.ds(rbase, ROWS_PER_SUB)])

    return agg_kernel



def _tc_prep(degp_ref, x_ref, xs_ref, ns_ref, nd_ref):
    dsrc = jnp.sum(degp_ref[:, 0, :], axis=0)[:, None]
    ddst = jnp.sum(degp_ref[:, 1, :], axis=0)[:, None]
    ns = lax.rsqrt(jnp.maximum(dsrc, 1.0))
    nd = lax.rsqrt(jnp.maximum(ddst, 1.0))
    ns_ref[...] = ns
    nd_ref[...] = nd
    xs_ref[pl.ds(0, N), :] = x_ref[...] * ns[:N]
    xs_ref[pl.ds(N, PADROWS), :] = jnp.zeros((PADROWS, D), jnp.float32)


def _layer_body(p_ref, h, nd_ref, w_ref, b_ref, wr_ref, br_ref):
    agg = (p_ref[0] + p_ref[1]) * nd_ref[...]
    conv = jnp.maximum(
        jnp.dot(agg, w_ref[...], preferred_element_type=jnp.float32)
        + b_ref[...], 0.0)
    res = jnp.maximum(
        jnp.dot(h, wr_ref[...], preferred_element_type=jnp.float32)
        + br_ref[...], 0.0)
    h = conv + res
    rid = lax.broadcasted_iota(jnp.int32, (NPAD, 1), 0)
    return jnp.where(rid < N, h, 0.0)


def _tc_layer(p_ref, x_ref, ns_ref, nd_ref, w_ref, b_ref, wr_ref, br_ref,
              out_h_ref, hs_ref):
    x = jnp.concatenate([x_ref[...], jnp.zeros((PADROWS, D), jnp.float32)])
    h = _layer_body(p_ref, x, nd_ref, w_ref, b_ref, wr_ref, br_ref)
    out_h_ref[...] = h
    hs_ref[...] = h * ns_ref[...]


def _tc_final(p_ref, h_ref, nd_ref, w_ref, b_ref, wr_ref, br_ref,
              wg_ref, bg_ref, gamma_ref, beta_ref, wc1_ref, bc1_ref,
              wc2_ref, bc2_ref, out_ref):
    h = _layer_body(p_ref, h_ref[...], nd_ref, w_ref, b_ref, wr_ref, br_ref)
    logit = jnp.dot(h, wg_ref[...], preferred_element_type=jnp.float32) \
        + bg_ref[...]
    w = 1.0 / (1.0 + jnp.exp(-logit))
    gsum = jnp.sum(h * w, axis=0)
    gmax = jnp.max(h, axis=0)
    g = jnp.concatenate([gsum, gmax])[None, :]
    z = jnp.maximum(
        jnp.dot(g, wc1_ref[...], preferred_element_type=jnp.float32)
        + bc1_ref[...], 0.0)
    z = (z * float(1.0 / (1.0 + 1e-5) ** 0.5)) * gamma_ref[...] + beta_ref[...]
    zo = jnp.dot(z, wc2_ref[...], preferred_element_type=jnp.float32) \
        + bc2_ref[...]
    out_ref[...] = 1.0 / (1.0 + jnp.exp(-zo))


def _tc_call(fn, out_shapes):
    return pl.pallas_call(fn, out_shape=out_shapes)



def kernel(x, edge_index, W0, b0, Wres0, bres0, W1, b1, Wres1, bres1,
           Wg, bg, gamma, beta, Wc1, bc1, Wc2, bc2):
    e = edge_index.shape[1]
    blk = 8
    step = NW * CH
    nch = (e + step - 1) // step
    nch = ((nch + 2 * blk - 1) // (2 * blk)) * (2 * blk)
    nblk = nch // blk
    epad = nch * step

    src = edge_index[0].astype(jnp.int32)
    dst = edge_index[1].astype(jnp.int32)
    pad_idx = (N + jnp.arange(epad - e, dtype=jnp.int32) % PADROWS)
    src3 = jnp.concatenate([src, pad_idx]).reshape(NW, nch, CH)
    dst3 = jnp.concatenate([dst, pad_idx]).reshape(NW, nch, CH)
    eidx = jnp.stack([src3, dst3], axis=2).reshape(NW, 2 * nch, CH)

    zeros_nd = jnp.zeros((NPAD, D), jnp.float32)
    zeros_flat = jnp.zeros((NPAD,), jnp.float32)

    degp = _sc_degrees(nch)(eidx, zeros_flat)

    f32 = jnp.float32
    xs, ns, nd = _tc_call(_tc_prep, [
        jax.ShapeDtypeStruct((NPAD, D), f32),
        jax.ShapeDtypeStruct((NPAD, 1), f32),
        jax.ShapeDtypeStruct((NPAD, 1), f32),
    ])(degp, x)

    agg_fn = _sc_aggregate(nch, nblk, blk)
    p0 = agg_fn(xs, eidx, zeros_nd)

    h1, h1s = _tc_call(_tc_layer, [
        jax.ShapeDtypeStruct((NPAD, H), f32),
        jax.ShapeDtypeStruct((NPAD, H), f32),
    ])(p0, x, ns, nd, W0, b0[None, :], Wres0, bres0[None, :])

    p1 = agg_fn(h1s, eidx, zeros_nd)

    (out,) = _tc_call(_tc_final, [jax.ShapeDtypeStruct((1, 1), f32)])(
        p1, h1, nd, W1, b1[None, :], Wres1, bres1[None, :],
        Wg, bg[None, :], gamma[None, :], beta[None, :],
        Wc1, bc1[None, :], Wc2, bc2[None, :])
    return out

# --- scband reference (transcript-rebuilt; emitter-appended) ---
"""Pipeline reference for scband-simple-gcn-67645734912987 (READ-ONLY COPY).

The authoritative reference and input builder live on the scoring server;
editing this copy changes nothing except your own understanding.
"""

import jax, jax.numpy as jnp
import numpy as np

N = 10000
E = 320000
D_IN = 128
H = 128


def setup_inputs(seed: int = 0) -> dict:
    key = jax.random.key(seed)
    ks = jax.random.split(key, 20)
    s = 0.05
    x = jax.random.normal(ks[0], (N, D_IN), dtype=jnp.float32)
    edge_index = jax.random.randint(ks[1], (2, E), 0, N)
    # GCN layer 0 (in=D_IN, out=H): graph conv weight + residual linear
    W0 = jax.random.normal(ks[2], (D_IN, H), dtype=jnp.float32) * s
    b0 = jnp.zeros((H,), dtype=jnp.float32)
    Wres0 = jax.random.normal(ks[3], (D_IN, H), dtype=jnp.float32) * s
    bres0 = jnp.zeros((H,), dtype=jnp.float32)
    # GCN layer 1 (in=H, out=H)
    W1 = jax.random.normal(ks[4], (H, H), dtype=jnp.float32) * s
    b1 = jnp.zeros((H,), dtype=jnp.float32)
    Wres1 = jax.random.normal(ks[5], (H, H), dtype=jnp.float32) * s
    bres1 = jnp.zeros((H,), dtype=jnp.float32)
    # WeightedSumAndMax readout: atom weighting linear
    Wg = jax.random.normal(ks[6], (H, 1), dtype=jnp.float32) * s
    bg = jnp.zeros((1,), dtype=jnp.float32)
    # MLP classifier: Linear(2H, H) -> ReLU -> BatchNorm1d(H, eval) -> Linear(H, 1)
    gamma = jnp.ones((H,), dtype=jnp.float32)
    beta = jnp.zeros((H,), dtype=jnp.float32)
    Wc1 = jax.random.normal(ks[7], (2 * H, H), dtype=jnp.float32) * s
    bc1 = jnp.zeros((H,), dtype=jnp.float32)
    Wc2 = jax.random.normal(ks[8], (H, 1), dtype=jnp.float32) * s
    bc2 = jnp.zeros((1,), dtype=jnp.float32)
    return {"x": x, "edge_index": edge_index, "W0": W0, "b0": b0,
            "Wres0": Wres0, "bres0": bres0, "W1": W1, "b1": b1,
            "Wres1": Wres1, "bres1": bres1, "Wg": Wg, "bg": bg,
            "gamma": gamma, "beta": beta, "Wc1": Wc1, "bc1": bc1,
            "Wc2": Wc2, "bc2": bc2}


def _gcn_layer(h, src, dst, norm_src, norm_dst, W, b, Wr, br):
    # DGL GraphConv with norm='both': D^{-1/2} A D^{-1/2} h W, then activation;
    # dgllife GCNLayer adds a residual linear path with the same activation.
    msg = h[src] * norm_src[src][:, None]               # gather (SparseCore)
    agg = jnp.zeros(h.shape, dtype=h.dtype).at[dst].add(msg)  # scatter-add
    agg = agg * norm_dst[:, None]
    h_new = jax.nn.relu(agg @ W + b)
    res = jax.nn.relu(h @ Wr + br)
    return h_new + res  # dropout is identity in eval mode


def reference(x, edge_index, W0, b0, Wres0, bres0, W1, b1, Wres1, bres1,
              Wg, bg, gamma, beta, Wc1, bc1, Wc2, bc2):
    src = edge_index[0]
    dst = edge_index[1]
    n = x.shape[0]
    deg_out = jnp.clip(jnp.zeros((n,), jnp.float32).at[src].add(1.0), 1.0)
    deg_in = jnp.clip(jnp.zeros((n,), jnp.float32).at[dst].add(1.0), 1.0)
    norm_src = deg_out ** -0.5
    norm_dst = deg_in ** -0.5
    h = _gcn_layer(x, src, dst, norm_src, norm_dst, W0, b0, Wres0, bres0)
    h = _gcn_layer(h, src, dst, norm_src, norm_dst, W1, b1, Wres1, bres1)
    # WeightedSumAndMax readout over the (single batched) graph
    w = jax.nn.sigmoid(h @ Wg + bg)
    g_feat = jnp.concatenate([jnp.sum(h * w, axis=0), jnp.max(h, axis=0)])[None, :]
    # MLP predictor (eval mode: dropout=identity, BN uses running stats 0/1)
    z = jax.nn.relu(g_feat @ Wc1 + bc1)
    z = (z / jnp.sqrt(1.0 + 1e-5)) * gamma + beta
    out = jax.nn.sigmoid(z @ Wc2 + bc2)
    return out

if __name__ == "__main__":
    import jax
    _d = setup_inputs()
    print(jax.jit(kernel)(*tuple(_d.values())))

</pallas_src>

<mosaic_0001>
#map = affine_map<(d0, d1) -> (0, 0, 0)>
#map1 = affine_map<(d0, d1) -> (0)>
module attributes {stable_mosaic.version = 14 : i64} {
  func.func @deg_kernel(%arg0: i32, %arg1: i32, %arg2: memref<32x160x128xi32, #tpu.memory_space<hbm>>, %arg3: memref<10240xf32, #tpu.memory_space<hbm>>, %arg4: memref<32x2x10240xf32, #tpu.memory_space<hbm>>, %arg5: memref<160x128xi32, #tpu.memory_space<vmem>>, %arg6: memref<10240xf32, #tpu.memory_space<vmem>>, %arg7: memref<10240xf32, #tpu.memory_space<vmem>>) attributes {dimension_semantics = [#tpu.dimension_semantics<core_parallel>, #tpu.dimension_semantics<subcore_parallel>], iteration_bounds = array<i64: 2, 16>, scalar_prefetch = 0 : i64, scratch_operands = 3 : i64, tpu.core_type = #tpu.core_type<sc_vector_subcore>, window_params = [{transform_indices = #map}, {transform_indices = #map1}, {transform_indices = #map}]} {
    %mul3A = arith.constant 2 : i32
    %mul3A_0 = arith.muli %arg1, %mul3A : i32
    %add3A = arith.addi %mul3A_0, %arg0 : i32
    "tpu.region"() ({
      %run_scoped3A_6 = tpu.sem_alloc : memref<!tpu.dma_semaphore, #tpu.memory_space<semaphore_mem>>
      tpu.enqueue_dma source(%arg3 : memref<10240xf32, #tpu.memory_space<hbm>>) target(%arg6 : memref<10240xf32, #tpu.memory_space<vmem>>) target_semaphore(%run_scoped3A_6 : memref<!tpu.dma_semaphore, #tpu.memory_space<semaphore_mem>>)
      tpu.wait_dma2 semaphore(%run_scoped3A_6 : memref<!tpu.dma_semaphore, #tpu.memory_space<semaphore_mem>>) src(%arg3 : memref<10240xf32, #tpu.memory_space<hbm>>) dst(%arg6 : memref<10240xf32, #tpu.memory_space<vmem>>)
      tpu.yield
    }) : () -> ()
    "tpu.region"() ({
      %run_scoped3A_6 = tpu.sem_alloc : memref<!tpu.dma_semaphore, #tpu.memory_space<semaphore_mem>>
      tpu.enqueue_dma source(%arg3 : memref<10240xf32, #tpu.memory_space<hbm>>) target(%arg7 : memref<10240xf32, #tpu.memory_space<vmem>>) target_semaphore(%run_scoped3A_6 : memref<!tpu.dma_semaphore, #tpu.memory_space<semaphore_mem>>)
      tpu.wait_dma2 semaphore(%run_scoped3A_6 : memref<!tpu.dma_semaphore, #tpu.memory_space<semaphore_mem>>) src(%arg3 : memref<10240xf32, #tpu.memory_space<hbm>>) dst(%arg7 : memref<10240xf32, #tpu.memory_space<vmem>>)
      tpu.yield
    }) : () -> ()
    "tpu.region"() ({
      %run_scoped3A_6 = tpu.sem_alloc : memref<!tpu.dma_semaphore, #tpu.memory_space<semaphore_mem>>
      %dma_start3A = arith.constant 0 : i32
      %dma_start3A_7 = arith.constant 0 : i32
      %dma_start3A_8 = tpu.memref_slice %arg2[%add3A, %dma_start3A, %dma_start3A_7] : memref<32x160x128xi32, #tpu.memory_space<hbm>> -> memref<1x160x128xi32, #tpu.memory_space<hbm>>
      %dma_start3A_9 = tpu.memref_squeeze %dma_start3A_8 : memref<1x160x128xi32, #tpu.memory_space<hbm>> -> memref<160x128xi32, #tpu.memory_space<hbm>>
      %dma_start3A_10 = arith.constant 0 : i32
      %dma_start3A_11 = arith.constant 0 : i32
      %dma_start3A_12 = tpu.memref_slice %arg2[%add3A, %dma_start3A_10, %dma_start3A_11] : memref<32x160x128xi32, #tpu.memory_space<hbm>> -> memref<1x160x128xi32, #tpu.memory_space<hbm>>
      %dma_start3A_13 = tpu.memref_squeeze %dma_start3A_12 : memref<1x160x128xi32, #tpu.memory_space<hbm>> -> memref<160x128xi32, #tpu.memory_space<hbm>>
      tpu.enqueue_dma source(%dma_start3A_13 : memref<160x128xi32, #tpu.memory_space<hbm>>) target(%arg5 : memref<160x128xi32, #tpu.memory_space<vmem>>) target_semaphore(%run_scoped3A_6 : memref<!tpu.dma_semaphore, #tpu.memory_space<semaphore_mem>>)
      %dma_wait3A = arith.constant 0 : i32
      %dma_wait3A_14 = arith.constant 0 : i32
      %dma_wait3A_15 = tpu.memref_slice %arg2[%add3A, %dma_wait3A, %dma_wait3A_14] : memref<32x160x128xi32, #tpu.memory_space<hbm>> -> memref<1x160x128xi32, #tpu.memory_space<hbm>>
      %dma_wait3A_16 = tpu.memref_squeeze %dma_wait3A_15 : memref<1x160x128xi32, #tpu.memory_space<hbm>> -> memref<160x128xi32, #tpu.memory_space<hbm>>
      %dma_wait3A_17 = arith.constant 0 : i32
      %dma_wait3A_18 = arith.constant 0 : i32
      %dma_wait3A_19 = tpu.memref_slice %arg2[%add3A, %dma_wait3A_17, %dma_wait3A_18] : memref<32x160x128xi32, #tpu.memory_space<hbm>> -> memref<1x160x128xi32, #tpu.memory_space<hbm>>
      %dma_wait3A_20 = tpu.memref_squeeze %dma_wait3A_19 : memref<1x160x128xi32, #tpu.memory_space<hbm>> -> memref<160x128xi32, #tpu.memory_space<hbm>>
      tpu.wait_dma2 semaphore(%run_scoped3A_6 : memref<!tpu.dma_semaphore, #tpu.memory_space<semaphore_mem>>) src(%dma_wait3A_20 : memref<160x128xi32, #tpu.memory_space<hbm>>) dst(%arg5 : memref<160x128xi32, #tpu.memory_space<vmem>>)
      tpu.yield
    }) : () -> ()
    %scan3A = arith.constant 0 : i32
    %scan3A_1 = arith.constant 80 : i32
    %scan3A_2 = arith.addi %scan3A, %scan3A_1 : i32
    %scan3A_3 = arith.constant 1 : i32
    scf.for %scan3A_6 = %scan3A to %scan3A_2 step %scan3A_3  : i32 {
      %mul3A_7 = arith.constant 1 : i32
      %mul3A_8 = arith.muli %scan3A_6, %mul3A_7 : i32
      %add3A_9 = arith.constant 0 : i32
      %add3A_10 = arith.addi %add3A_9, %mul3A_8 : i32
      %mul3A_11 = arith.constant 2 : i32
      %mul3A_12 = arith.muli %mul3A_11, %add3A_10 : i32
      %get3A = arith.index_cast %mul3A_12 : i32 to index
      %get3A_13 = arith.constant 0 : index
      %get3A_14 = tpu.vector_load %arg5[%get3A, %get3A_13] {strides = array<i32>} : memref<160x128xi32, #tpu.memory_space<vmem>>, vector<16xi32>,
      %broadcast_in_dim3A = arith.constant true
      %broadcast_in_dim3A_15 = vector.broadcast %broadcast_in_dim3A : i1 to vector<16xi1>
      %unique3A, %unique3A_16 = tpu.scan_count mask(%broadcast_in_dim3A_15 : vector<16xi1>) value(%get3A_14 : vector<16xi32>) : vector<16xi1>, vector<16xi32>
      %convert_element_type3A = arith.sitofp %unique3A_16 : vector<16xi32> to vector<16xf32>
      tpu.vector_store_idx %arg6[%get3A_14], %convert_element_type3A masked %unique3A {add = true} : memref<10240xf32, #tpu.memory_space<vmem>>[vector<16xi32>], vector<16xf32>, vector<16xi1>
      %mul3A_17 = arith.constant 2 : i32
      %mul3A_18 = arith.muli %mul3A_17, %add3A_10 : i32
      %add3A_19 = arith.constant 1 : i32
      %add3A_20 = arith.addi %mul3A_18, %add3A_19 : i32
      %get3A_21 = arith.index_cast %add3A_20 : i32 to index
      %get3A_22 = arith.constant 0 : index
      %get3A_23 = tpu.vector_load %arg5[%get3A_21, %get3A_22] {strides = array<i32>} : memref<160x128xi32, #tpu.memory_space<vmem>>, vector<16xi32>,
      %broadcast_in_dim3A_24 = arith.constant true
      %broadcast_in_dim3A_25 = vector.broadcast %broadcast_in_dim3A_24 : i1 to vector<16xi1>
      %unique3A_26, %unique3A_27 = tpu.scan_count mask(%broadcast_in_dim3A_25 : vector<16xi1>) value(%get3A_23 : vector<16xi32>) : vector<16xi1>, vector<16xi32>
      %convert_element_type3A_28 = arith.sitofp %unique3A_27 : vector<16xi32> to vector<16xf32>
      tpu.vector_store_idx %arg7[%get3A_23], %convert_element_type3A_28 masked %unique3A_26 {add = true} : memref<10240xf32, #tpu.memory_space<vmem>>[vector<16xi32>], vector<16xf32>, vector<16xi1>
      %mul3A_29 = arith.constant 2 : i32
      %mul3A_30 = arith.muli %mul3A_29, %add3A_10 : i32
      %get3A_31 = arith.index_cast %mul3A_30 : i32 to index
      %get3A_32 = arith.constant 16 : index
      %get3A_33 = tpu.vector_load %arg5[%get3A_31, %get3A_32] {strides = array<i32>} : memref<160x128xi32, #tpu.memory_space<vmem>>, vector<16xi32>,
      %broadcast_in_dim3A_34 = arith.constant true
      %broadcast_in_dim3A_35 = vector.broadcast %broadcast_in_dim3A_34 : i1 to vector<16xi1>
      %unique3A_36, %unique3A_37 = tpu.scan_count mask(%broadcast_in_dim3A_35 : vector<16xi1>) value(%get3A_33 : vector<16xi32>) : vector<16xi1>, vector<16xi32>
      %convert_element_type3A_38 = arith.sitofp %unique3A_37 : vector<16xi32> to vector<16xf32>
      tpu.vector_store_idx %arg6[%get3A_33], %convert_element_type3A_38 masked %unique3A_36 {add = true} : memref<10240xf32, #tpu.memory_space<vmem>>[vector<16xi32>], vector<16xf32>, vector<16xi1>
      %mul3A_39 = arith.constant 2 : i32
      %mul3A_40 = arith.muli %mul3A_39, %add3A_10 : i32
      %add3A_41 = arith.constant 1 : i32
      %add3A_42 = arith.addi %mul3A_40, %add3A_41 : i32
      %get3A_43 = arith.index_cast %add3A_42 : i32 to index
      %get3A_44 = arith.constant 16 : index
      %get3A_45 = tpu.vector_load %arg5[%get3A_43, %get3A_44] {strides = array<i32>} : memref<160x128xi32, #tpu.memory_space<vmem>>, vector<16xi32>,
      %broadcast_in_dim3A_46 = arith.constant true
      %broadcast_in_dim3A_47 = vector.broadcast %broadcast_in_dim3A_46 : i1 to vector<16xi1>
      %unique3A_48, %unique3A_49 = tpu.scan_count mask(%broadcast_in_dim3A_47 : vector<16xi1>) value(%get3A_45 : vector<16xi32>) : vector<16xi1>, vector<16xi32>
      %convert_element_type3A_50 = arith.sitofp %unique3A_49 : vector<16xi32> to vector<16xf32>
      tpu.vector_store_idx %arg7[%get3A_45], %convert_element_type3A_50 masked %unique3A_48 {add = true} : memref<10240xf32, #tpu.memory_space<vmem>>[vector<16xi32>], vector<16xf32>, vector<16xi1>
      %mul3A_51 = arith.constant 2 : i32
      %mul3A_52 = arith.muli %mul3A_51, %add3A_10 : i32
      %get3A_53 = arith.index_cast %mul3A_52 : i32 to index
      %get3A_54 = arith.constant 32 : index
      %get3A_55 = tpu.vector_load %arg5[%get3A_53, %get3A_54] {strides = array<i32>} : memref<160x128xi32, #tpu.memory_space<vmem>>, vector<16xi32>,
      %broadcast_in_dim3A_56 = arith.constant true
      %broadcast_in_dim3A_57 = vector.broadcast %broadcast_in_dim3A_56 : i1 to vector<16xi1>
      %unique3A_58, %unique3A_59 = tpu.scan_count mask(%broadcast_in_dim3A_57 : vector<16xi1>) value(%get3A_55 : vector<16xi32>) : vector<16xi1>, vector<16xi32>
      %convert_element_type3A_60 = arith.sitofp %unique3A_59 : vector<16xi32> to vector<16xf32>
      tpu.vector_store_idx %arg6[%get3A_55], %convert_element_type3A_60 masked %unique3A_58 {add = true} : memref<10240xf32, #tpu.memory_space<vmem>>[vector<16xi32>], vector<16xf32>, vector<16xi1>
      %mul3A_61 = arith.constant 2 : i32
      %mul3A_62 = arith.muli %mul3A_61, %add3A_10 : i32
      %add3A_63 = arith.constant 1 : i32
      %add3A_64 = arith.addi %mul3A_62, %add3A_63 : i32
      %get3A_65 = arith.index_cast %add3A_64 : i32 to index
      %get3A_66 = arith.constant 32 : index
      %get3A_67 = tpu.vector_load %arg5[%get3A_65, %get3A_66] {strides = array<i32>} : memref<160x128xi32, #tpu.memory_space<vmem>>, vector<16xi32>,
      %broadcast_in_dim3A_68 = arith.constant true
      %broadcast_in_dim3A_69 = vector.broadcast %broadcast_in_dim3A_68 : i1 to vector<16xi1>
      %unique3A_70, %unique3A_71 = tpu.scan_count mask(%broadcast_in_dim3A_69 : vector<16xi1>) value(%get3A_67 : vector<16xi32>) : vector<16xi1>, vector<16xi32>
      %convert_element_type3A_72 = arith.sitofp %unique3A_71 : vector<16xi32> to vector<16xf32>
      tpu.vector_store_idx %arg7[%get3A_67], %convert_element_type3A_72 masked %unique3A_70 {add = true} : memref<10240xf32, #tpu.memory_space<vmem>>[vector<16xi32>], vector<16xf32>, vector<16xi1>
      %mul3A_73 = arith.constant 2 : i32
      %mul3A_74 = arith.muli %mul3A_73, %add3A_10 : i32
      %get3A_75 = arith.index_cast %mul3A_74 : i32 to index
      %get3A_76 = arith.constant 48 : index
      %get3A_77 = tpu.vector_load %arg5[%get3A_75, %get3A_76] {strides = array<i32>} : memref<160x128xi32, #tpu.memory_space<vmem>>, vector<16xi32>,
      %broadcast_in_dim3A_78 = arith.constant true
      %broadcast_in_dim3A_79 = vector.broadcast %broadcast_in_dim3A_78 : i1 to vector<16xi1>
      %unique3A_80, %unique3A_81 = tpu.scan_count mask(%broadcast_in_dim3A_79 : vector<16xi1>) value(%get3A_77 : vector<16xi32>) : vector<16xi1>, vector<16xi32>
      %convert_element_type3A_82 = arith.sitofp %unique3A_81 : vector<16xi32> to vector<16xf32>
      tpu.vector_store_idx %arg6[%get3A_77], %convert_element_type3A_82 masked %unique3A_80 {add = true} : memref<10240xf32, #tpu.memory_space<vmem>>[vector<16xi32>], vector<16xf32>, vector<16xi1>
      %mul3A_83 = arith.constant 2 : i32
      %mul3A_84 = arith.muli %mul3A_83, %add3A_10 : i32
      %add3A_85 = arith.constant 1 : i32
      %add3A_86 = arith.addi %mul3A_84, %add3A_85 : i32
      %get3A_87 = arith.index_cast %add3A_86 : i32 to index
      %get3A_88 = arith.constant 48 : index
      %get3A_89 = tpu.vector_load %arg5[%get3A_87, %get3A_88] {strides = array<i32>} : memref<160x128xi32, #tpu.memory_space<vmem>>, vector<16xi32>,
      %broadcast_in_dim3A_90 = arith.constant true
      %broadcast_in_dim3A_91 = vector.broadcast %broadcast_in_dim3A_90 : i1 to vector<16xi1>
      %unique3A_92, %unique3A_93 = tpu.scan_count mask(%broadcast_in_dim3A_91 : vector<16xi1>) value(%get3A_89 : vector<16xi32>) : vector<16xi1>, vector<16xi32>
      %convert_element_type3A_94 = arith.sitofp %unique3A_93 : vector<16xi32> to vector<16xf32>
      tpu.vector_store_idx %arg7[%get3A_89], %convert_element_type3A_94 masked %unique3A_92 {add = true} : memref<10240xf32, #tpu.memory_space<vmem>>[vector<16xi32>], vector<16xf32>, vector<16xi1>
      %mul3A_95 = arith.constant 2 : i32
      %mul3A_96 = arith.muli %mul3A_95, %add3A_10 : i32
      %get3A_97 = arith.index_cast %mul3A_96 : i32 to index
      %get3A_98 = arith.constant 64 : index
      %get3A_99 = tpu.vector_load %arg5[%get3A_97, %get3A_98] {strides = array<i32>} : memref<160x128xi32, #tpu.memory_space<vmem>>, vector<16xi32>,
      %broadcast_in_dim3A_100 = arith.constant true
      %broadcast_in_dim3A_101 = vector.broadcast %broadcast_in_dim3A_100 : i1 to vector<16xi1>
      %unique3A_102, %unique3A_103 = tpu.scan_count mask(%broadcast_in_dim3A_101 : vector<16xi1>) value(%get3A_99 : vector<16xi32>) : vector<16xi1>, vector<16xi32>
      %convert_element_type3A_104 = arith.sitofp %unique3A_103 : vector<16xi32> to vector<16xf32>
      tpu.vector_store_idx %arg6[%get3A_99], %convert_element_type3A_104 masked %unique3A_102 {add = true} : memref<10240xf32, #tpu.memory_space<vmem>>[vector<16xi32>], vector<16xf32>, vector<16xi1>
      %mul3A_105 = arith.constant 2 : i32
      %mul3A_106 = arith.muli %mul3A_105, %add3A_10 : i32
      %add3A_107 = arith.constant 1 : i32
      %add3A_108 = arith.addi %mul3A_106, %add3A_107 : i32
      %get3A_109 = arith.index_cast %add3A_108 : i32 to index
      %get3A_110 = arith.constant 64 : index
      %get3A_111 = tpu.vector_load %arg5[%get3A_109, %get3A_110] {strides = array<i32>} : memref<160x128xi32, #tpu.memory_space<vmem>>, vector<16xi32>,
      %broadcast_in_dim3A_112 = arith.constant true
      %broadcast_in_dim3A_113 = vector.broadcast %broadcast_in_dim3A_112 : i1 to vector<16xi1>
      %unique3A_114, %unique3A_115 = tpu.scan_count mask(%broadcast_in_dim3A_113 : vector<16xi1>) value(%get3A_111 : vector<16xi32>) : vector<16xi1>, vector<16xi32>
      %convert_element_type3A_116 = arith.sitofp %unique3A_115 : vector<16xi32> to vector<16xf32>
      tpu.vector_store_idx %arg7[%get3A_111], %convert_element_type3A_116 masked %unique3A_114 {add = true} : memref<10240xf32, #tpu.memory_space<vmem>>[vector<16xi32>], vector<16xf32>, vector<16xi1>
      %mul3A_117 = arith.constant 2 : i32
      %mul3A_118 = arith.muli %mul3A_117, %add3A_10 : i32
      %get3A_119 = arith.index_cast %mul3A_118 : i32 to index
      %get3A_120 = arith.constant 80 : index
      %get3A_121 = tpu.vector_load %arg5[%get3A_119, %get3A_120] {strides = array<i32>} : memref<160x128xi32, #tpu.memory_space<vmem>>, vector<16xi32>,
      %broadcast_in_dim3A_122 = arith.constant true
      %broadcast_in_dim3A_123 = vector.broadcast %broadcast_in_dim3A_122 : i1 to vector<16xi1>
      %unique3A_124, %unique3A_125 = tpu.scan_count mask(%broadcast_in_dim3A_123 : vector<16xi1>) value(%get3A_121 : vector<16xi32>) : vector<16xi1>, vector<16xi32>
      %convert_element_type3A_126 = arith.sitofp %unique3A_125 : vector<16xi32> to vector<16xf32>
      tpu.vector_store_idx %arg6[%get3A_121], %convert_element_type3A_126 masked %unique3A_124 {add = true} : memref<10240xf32, #tpu.memory_space<vmem>>[vector<16xi32>], vector<16xf32>, vector<16xi1>
      %mul3A_127 = arith.constant 2 : i32
      %mul3A_128 = arith.muli %mul3A_127, %add3A_10 : i32
      %add3A_129 = arith.constant 1 : i32
      %add3A_130 = arith.addi %mul3A_128, %add3A_129 : i32
      %get3A_131 = arith.index_cast %add3A_130 : i32 to index
      %get3A_132 = arith.constant 80 : index
      %get3A_133 = tpu.vector_load %arg5[%get3A_131, %get3A_132] {strides = array<i32>} : memref<160x128xi32, #tpu.memory_space<vmem>>, vector<16xi32>,
      %broadcast_in_dim3A_134 = arith.constant true
      %broadcast_in_dim3A_135 = vector.broadcast %broadcast_in_dim3A_134 : i1 to vector<16xi1>
      %unique3A_136, %unique3A_137 = tpu.scan_count mask(%broadcast_in_dim3A_135 : vector<16xi1>) value(%get3A_133 : vector<16xi32>) : vector<16xi1>, vector<16xi32>
      %convert_element_type3A_138 = arith.sitofp %unique3A_137 : vector<16xi32> to vector<16xf32>
      tpu.vector_store_idx %arg7[%get3A_133], %convert_element_type3A_138 masked %unique3A_136 {add = true} : memref<10240xf32, #tpu.memory_space<vmem>>[vector<16xi32>], vector<16xf32>, vector<16xi1>
      %mul3A_139 = arith.constant 2 : i32
      %mul3A_140 = arith.muli %mul3A_139, %add3A_10 : i32
      %get3A_141 = arith.index_cast %mul3A_140 : i32 to index
      %get3A_142 = arith.constant 96 : index
      %get3A_143 = tpu.vector_load %arg5[%get3A_141, %get3A_142] {strides = array<i32>} : memref<160x128xi32, #tpu.memory_space<vmem>>, vector<16xi32>,
      %broadcast_in_dim3A_144 = arith.constant true
      %broadcast_in_dim3A_145 = vector.broadcast %broadcast_in_dim3A_144 : i1 to vector<16xi1>
      %unique3A_146, %unique3A_147 = tpu.scan_count mask(%broadcast_in_dim3A_145 : vector<16xi1>) value(%get3A_143 : vector<16xi32>) : vector<16xi1>, vector<16xi32>
      %convert_element_type3A_148 = arith.sitofp %unique3A_147 : vector<16xi32> to vector<16xf32>
      tpu.vector_store_idx %arg6[%get3A_143], %convert_element_type3A_148 masked %unique3A_146 {add = true} : memref<10240xf32, #tpu.memory_space<vmem>>[vector<16xi32>], vector<16xf32>, vector<16xi1>
      %mul3A_149 = arith.constant 2 : i32
      %mul3A_150 = arith.muli %mul3A_149, %add3A_10 : i32
      %add3A_151 = arith.constant 1 : i32
      %add3A_152 = arith.addi %mul3A_150, %add3A_151 : i32
      %get3A_153 = arith.index_cast %add3A_152 : i32 to index
      %get3A_154 = arith.constant 96 : index
      %get3A_155 = tpu.vector_load %arg5[%get3A_153, %get3A_154] {strides = array<i32>} : memref<160x128xi32, #tpu.memory_space<vmem>>, vector<16xi32>,
      %broadcast_in_dim3A_156 = arith.constant true
      %broadcast_in_dim3A_157 = vector.broadcast %broadcast_in_dim3A_156 : i1 to vector<16xi1>
      %unique3A_158, %unique3A_159 = tpu.scan_count mask(%broadcast_in_dim3A_157 : vector<16xi1>) value(%get3A_155 : vector<16xi32>) : vector<16xi1>, vector<16xi32>
      %convert_element_type3A_160 = arith.sitofp %unique3A_159 : vector<16xi32> to vector<16xf32>
      tpu.vector_store_idx %arg7[%get3A_155], %convert_element_type3A_160 masked %unique3A_158 {add = true} : memref<10240xf32, #tpu.memory_space<vmem>>[vector<16xi32>], vector<16xf32>, vector<16xi1>
      %mul3A_161 = arith.constant 2 : i32
      %mul3A_162 = arith.muli %mul3A_161, %add3A_10 : i32
      %get3A_163 = arith.index_cast %mul3A_162 : i32 to index
      %get3A_164 = arith.constant 112 : index
      %get3A_165 = tpu.vector_load %arg5[%get3A_163, %get3A_164] {strides = array<i32>} : memref<160x128xi32, #tpu.memory_space<vmem>>, vector<16xi32>,
      %broadcast_in_dim3A_166 = arith.constant true
      %broadcast_in_dim3A_167 = vector.broadcast %broadcast_in_dim3A_166 : i1 to vector<16xi1>
      %unique3A_168, %unique3A_169 = tpu.scan_count mask(%broadcast_in_dim3A_167 : vector<16xi1>) value(%get3A_165 : vector<16xi32>) : vector<16xi1>, vector<16xi32>
      %convert_element_type3A_170 = arith.sitofp %unique3A_169 : vector<16xi32> to vector<16xf32>
      tpu.vector_store_idx %arg6[%get3A_165], %convert_element_type3A_170 masked %unique3A_168 {add = true} : memref<10240xf32, #tpu.memory_space<vmem>>[vector<16xi32>], vector<16xf32>, vector<16xi1>
      %mul3A_171 = arith.constant 2 : i32
      %mul3A_172 = arith.muli %mul3A_171, %add3A_10 : i32
      %add3A_173 = arith.constant 1 : i32
      %add3A_174 = arith.addi %mul3A_172, %add3A_173 : i32
      %get3A_175 = arith.index_cast %add3A_174 : i32 to index
      %get3A_176 = arith.constant 112 : index
      %get3A_177 = tpu.vector_load %arg5[%get3A_175, %get3A_176] {strides = array<i32>} : memref<160x128xi32, #tpu.memory_space<vmem>>, vector<16xi32>,
      %broadcast_in_dim3A_178 = arith.constant true
      %broadcast_in_dim3A_179 = vector.broadcast %broadcast_in_dim3A_178 : i1 to vector<16xi1>
      %unique3A_180, %unique3A_181 = tpu.scan_count mask(%broadcast_in_dim3A_179 : vector<16xi1>) value(%get3A_177 : vector<16xi32>) : vector<16xi1>, vector<16xi32>
      %convert_element_type3A_182 = arith.sitofp %unique3A_181 : vector<16xi32> to vector<16xf32>
      tpu.vector_store_idx %arg7[%get3A_177], %convert_element_type3A_182 masked %unique3A_180 {add = true} : memref<10240xf32, #tpu.memory_space<vmem>>[vector<16xi32>], vector<16xf32>, vector<16xi1>
    }
    %scan3A_4 = arith.constant 80 : i32
    %run_scoped3A = arith.constant 0 : i32
    "tpu.region"() ({
      %run_scoped3A_6 = tpu.sem_alloc : memref<!tpu.dma_semaphore, #tpu.memory_space<semaphore_mem>>
      %dma_start3A = arith.constant 0 : i32
      %dma_start3A_7 = tpu.memref_slice %arg4[%add3A, %run_scoped3A, %dma_start3A] : memref<32x2x10240xf32, #tpu.memory_space<hbm>> -> memref<1x1x10240xf32, #tpu.memory_space<hbm>>
      %dma_start3A_8 = tpu.memref_squeeze %dma_start3A_7 : memref<1x1x10240xf32, #tpu.memory_space<hbm>> -> memref<10240xf32, #tpu.memory_space<hbm>>
      %dma_start3A_9 = arith.constant 0 : i32
      %dma_start3A_10 = tpu.memref_slice %arg4[%add3A, %run_scoped3A, %dma_start3A_9] : memref<32x2x10240xf32, #tpu.memory_space<hbm>> -> memref<1x1x10240xf32, #tpu.memory_space<hbm>>
      %dma_start3A_11 = tpu.memref_squeeze %dma_start3A_10 : memref<1x1x10240xf32, #tpu.memory_space<hbm>> -> memref<10240xf32, #tpu.memory_space<hbm>>
      tpu.enqueue_dma source(%arg6 : memref<10240xf32, #tpu.memory_space<vmem>>) target(%dma_start3A_11 : memref<10240xf32, #tpu.memory_space<hbm>>) target_semaphore(%run_scoped3A_6 : memref<!tpu.dma_semaphore, #tpu.memory_space<semaphore_mem>>)
      %dma_wait3A = arith.constant 0 : i32
      %dma_wait3A_12 = tpu.memref_slice %arg4[%add3A, %run_scoped3A, %dma_wait3A] : memref<32x2x10240xf32, #tpu.memory_space<hbm>> -> memref<1x1x10240xf32, #tpu.memory_space<hbm>>
      %dma_wait3A_13 = tpu.memref_squeeze %dma_wait3A_12 : memref<1x1x10240xf32, #tpu.memory_space<hbm>> -> memref<10240xf32, #tpu.memory_space<hbm>>
      %dma_wait3A_14 = arith.constant 0 : i32
      %dma_wait3A_15 = tpu.memref_slice %arg4[%add3A, %run_scoped3A, %dma_wait3A_14] : memref<32x2x10240xf32, #tpu.memory_space<hbm>> -> memref<1x1x10240xf32, #tpu.memory_space<hbm>>
      %dma_wait3A_16 = tpu.memref_squeeze %dma_wait3A_15 : memref<1x1x10240xf32, #tpu.memory_space<hbm>> -> memref<10240xf32, #tpu.memory_space<hbm>>
      tpu.wait_dma2 semaphore(%run_scoped3A_6 : memref<!tpu.dma_semaphore, #tpu.memory_space<semaphore_mem>>) src(%arg6 : memref<10240xf32, #tpu.memory_space<vmem>>) dst(%dma_wait3A_16 : memref<10240xf32, #tpu.memory_space<hbm>>)
      tpu.yield
    }) : () -> ()
    %run_scoped3A_5 = arith.constant 1 : i32
    "tpu.region"() ({
      %run_scoped3A_6 = tpu.sem_alloc : memref<!tpu.dma_semaphore, #tpu.memory_space<semaphore_mem>>
      %dma_start3A = arith.constant 0 : i32
      %dma_start3A_7 = tpu.memref_slice %arg4[%add3A, %run_scoped3A_5, %dma_start3A] : memref<32x2x10240xf32, #tpu.memory_space<hbm>> -> memref<1x1x10240xf32, #tpu.memory_space<hbm>>
      %dma_start3A_8 = tpu.memref_squeeze %dma_start3A_7 : memref<1x1x10240xf32, #tpu.memory_space<hbm>> -> memref<10240xf32, #tpu.memory_space<hbm>>
      %dma_start3A_9 = arith.constant 0 : i32
      %dma_start3A_10 = tpu.memref_slice %arg4[%add3A, %run_scoped3A_5, %dma_start3A_9] : memref<32x2x10240xf32, #tpu.memory_space<hbm>> -> memref<1x1x10240xf32, #tpu.memory_space<hbm>>
      %dma_start3A_11 = tpu.memref_squeeze %dma_start3A_10 : memref<1x1x10240xf32, #tpu.memory_space<hbm>> -> memref<10240xf32, #tpu.memory_space<hbm>>
      tpu.enqueue_dma source(%arg7 : memref<10240xf32, #tpu.memory_space<vmem>>) target(%dma_start3A_11 : memref<10240xf32, #tpu.memory_space<hbm>>) target_semaphore(%run_scoped3A_6 : memref<!tpu.dma_semaphore, #tpu.memory_space<semaphore_mem>>)
      %dma_wait3A = arith.constant 0 : i32
      %dma_wait3A_12 = tpu.memref_slice %arg4[%add3A, %run_scoped3A_5, %dma_wait3A] : memref<32x2x10240xf32, #tpu.memory_space<hbm>> -> memref<1x1x10240xf32, #tpu.memory_space<hbm>>
      %dma_wait3A_13 = tpu.memref_squeeze %dma_wait3A_12 : memref<1x1x10240xf32, #tpu.memory_space<hbm>> -> memref<10240xf32, #tpu.memory_space<hbm>>
      %dma_wait3A_14 = arith.constant 0 : i32
      %dma_wait3A_15 = tpu.memref_slice %arg4[%add3A, %run_scoped3A_5, %dma_wait3A_14] : memref<32x2x10240xf32, #tpu.memory_space<hbm>> -> memref<1x1x10240xf32, #tpu.memory_space<hbm>>
      %dma_wait3A_16 = tpu.memref_squeeze %dma_wait3A_15 : memref<1x1x10240xf32, #tpu.memory_space<hbm>> -> memref<10240xf32, #tpu.memory_space<hbm>>
      tpu.wait_dma2 semaphore(%run_scoped3A_6 : memref<!tpu.dma_semaphore, #tpu.memory_space<semaphore_mem>>) src(%arg7 : memref<10240xf32, #tpu.memory_space<vmem>>) dst(%dma_wait3A_16 : memref<10240xf32, #tpu.memory_space<hbm>>)
      tpu.yield
    }) : () -> ()
    return
  }
}

#map = affine_map<(d0, d1) -> (0, 0)>
#map1 = affine_map<(d0, d1) -> (0, 0, 0)>
module attributes {stable_mosaic.version = 14 : i64} {
  func.func @agg_kernel(%arg0: i32, %arg1: i32, %arg2: memref<10240x128xf32, #tpu.memory_space<hbm>>, %arg3: memref<32x160x128xi32, #tpu.memory_space<hbm>>, %arg4: memref<10240x128xf32, #tpu.memory_space<hbm>>, %arg5: memref<2x10240x128xf32, #tpu.memory_space<hbm>>, %arg6: memref<16x128xi32, #tpu.memory_space<vmem>>, %arg7: memref<128x128xf32, #tpu.memory_space<vmem>>, %arg8: memref<128x128xf32, #tpu.memory_space<vmem>>, %arg9: memref<10240x128xf32, #tpu.memory_space<vmem_shared>>, %arg10: memref<!tpu.dma_semaphore, #tpu.memory_space<semaphore_mem>>, %arg11: memref<!tpu.dma_semaphore, #tpu.memory_space<semaphore_mem>>, %arg12: memref<!tpu.dma_semaphore, #tpu.memory_space<semaphore_mem>>, %arg13: memref<!tpu.dma_semaphore, #tpu.memory_space<semaphore_mem>>, %arg14: memref<!tpu.dma_semaphore, #tpu.memory_space<semaphore_mem>>) attributes {dimension_semantics = [#tpu.dimension_semantics<core_parallel>, #tpu.dimension_semantics<subcore_parallel>], iteration_bounds = array<i64: 2, 16>, scalar_prefetch = 0 : i64, scratch_operands = 9 : i64, tpu.core_type = #tpu.core_type<sc_vector_subcore>, window_params = [{transform_indices = #map}, {transform_indices = #map1}, {transform_indices = #map}, {transform_indices = #map1}]} {
    %mul3A = arith.constant 2 : i32
    %mul3A_0 = arith.muli %arg1, %mul3A : i32
    %add3A = arith.addi %mul3A_0, %arg0 : i32
    %mul3A_1 = arith.constant 640 : i32
    %mul3A_2 = arith.muli %arg1, %mul3A_1 : i32
    %dma_start3A = arith.constant 0 : i32
    %dma_start3A_3 = tpu.memref_slice %arg9[%mul3A_2, %dma_start3A] : memref<10240x128xf32, #tpu.memory_space<vmem_shared>> -> memref<640x128xf32, #tpu.memory_space<vmem_shared>>
    %dma_start3A_4 = arith.constant 0 : i32
    %dma_start3A_5 = tpu.memref_slice %arg4[%mul3A_2, %dma_start3A_4] : memref<10240x128xf32, #tpu.memory_space<hbm>> -> memref<640x128xf32, #tpu.memory_space<hbm>>
    tpu.enqueue_dma source(%dma_start3A_5 : memref<640x128xf32, #tpu.memory_space<hbm>>) target(%dma_start3A_3 : memref<640x128xf32, #tpu.memory_space<vmem_shared>>) target_semaphore(%arg14 : memref<!tpu.dma_semaphore, #tpu.memory_space<semaphore_mem>>)
    %scan3A = arith.constant 0 : i32
    %scan3A_6 = arith.constant 10 : i32
    %scan3A_7 = arith.addi %scan3A, %scan3A_6 : i32
    %scan3A_8 = arith.constant 1 : i32
    scf.for %scan3A_16 = %scan3A to %scan3A_7 step %scan3A_8  : i32 {
      %mul3A_17 = arith.constant 1 : i32
      %mul3A_18 = arith.muli %scan3A_16, %mul3A_17 : i32
      %add3A_19 = arith.constant 0 : i32
      %add3A_20 = arith.addi %add3A_19, %mul3A_18 : i32
      %mul3A_21 = arith.constant 2 : i32
      %mul3A_22 = arith.muli %mul3A_21, %add3A_20 : i32
      %mul3A_23 = arith.constant 8 : i32
      %mul3A_24 = arith.muli %mul3A_22, %mul3A_23 : i32
      %multiple_of3A = tpu.assume_multiple %mul3A_24, 16 : i32
      "tpu.region"() ({
        %run_scoped3A = tpu.sem_alloc : memref<!tpu.dma_semaphore, #tpu.memory_space<semaphore_mem>>
        %dma_start3A_248 = arith.constant 0 : i32
        %dma_start3A_249 = tpu.memref_slice %arg3[%add3A, %multiple_of3A, %dma_start3A_248] : memref<32x160x128xi32, #tpu.memory_space<hbm>> -> memref<1x16x128xi32, #tpu.memory_space<hbm>>
        %dma_start3A_250 = tpu.memref_squeeze %dma_start3A_249 : memref<1x16x128xi32, #tpu.memory_space<hbm>> -> memref<16x128xi32, #tpu.memory_space<hbm>>
        %dma_start3A_251 = arith.constant 0 : i32
        %dma_start3A_252 = tpu.memref_slice %arg3[%add3A, %multiple_of3A, %dma_start3A_251] : memref<32x160x128xi32, #tpu.memory_space<hbm>> -> memref<1x16x128xi32, #tpu.memory_space<hbm>>
        %dma_start3A_253 = tpu.memref_squeeze %dma_start3A_252 : memref<1x16x128xi32, #tpu.memory_space<hbm>> -> memref<16x128xi32, #tpu.memory_space<hbm>>
        tpu.enqueue_dma source(%dma_start3A_253 : memref<16x128xi32, #tpu.memory_space<hbm>>) target(%arg6 : memref<16x128xi32, #tpu.memory_space<vmem>>) target_semaphore(%run_scoped3A : memref<!tpu.dma_semaphore, #tpu.memory_space<semaphore_mem>>)
        %dma_wait3A_254 = arith.constant 0 : i32
        %dma_wait3A_255 = tpu.memref_slice %arg3[%add3A, %multiple_of3A, %dma_wait3A_254] : memref<32x160x128xi32, #tpu.memory_space<hbm>> -> memref<1x16x128xi32, #tpu.memory_space<hbm>>
        %dma_wait3A_256 = tpu.memref_squeeze %dma_wait3A_255 : memref<1x16x128xi32, #tpu.memory_space<hbm>> -> memref<16x128xi32, #tpu.memory_space<hbm>>
        %dma_wait3A_257 = arith.constant 0 : i32
        %dma_wait3A_258 = tpu.memref_slice %arg3[%add3A, %multiple_of3A, %dma_wait3A_257] : memref<32x160x128xi32, #tpu.memory_space<hbm>> -> memref<1x16x128xi32, #tpu.memory_space<hbm>>
        %dma_wait3A_259 = tpu.memref_squeeze %dma_wait3A_258 : memref<1x16x128xi32, #tpu.memory_space<hbm>> -> memref<16x128xi32, #tpu.memory_space<hbm>>
        tpu.wait_dma2 semaphore(%run_scoped3A : memref<!tpu.dma_semaphore, #tpu.memory_space<semaphore_mem>>) src(%dma_wait3A_259 : memref<16x128xi32, #tpu.memory_space<hbm>>) dst(%arg6 : memref<16x128xi32, #tpu.memory_space<vmem>>)
        tpu.yield
      }) : () -> ()
      %dma_start3A_25 = arith.constant 0 : i32
      %dma_start3A_26 = arith.constant 0 : i32
      %dma_start3A_27 = tpu.memref_slice %arg6[%dma_start3A_25, %dma_start3A_26] : memref<16x128xi32, #tpu.memory_space<vmem>> -> memref<1x128xi32, #tpu.memory_space<vmem>>
      %dma_start3A_28 = tpu.memref_squeeze %dma_start3A_27 : memref<1x128xi32, #tpu.memory_space<vmem>> -> memref<128xi32, #tpu.memory_space<vmem>>
      %dma_start3A_29 = arith.constant 0 : i32
      %dma_start3A_30 = arith.constant 0 : i32
      %dma_start3A_31 = tpu.memref_slice %arg2[%dma_start3A_29, %dma_start3A_30] : memref<10240x128xf32, #tpu.memory_space<hbm>> -> memref<10240x128xf32, #tpu.memory_space<hbm>>
      tpu.enqueue_indirect_dma source(%dma_start3A_31 : memref<10240x128xf32, #tpu.memory_space<hbm>>) target(%arg7 : memref<128x128xf32, #tpu.memory_space<vmem>>) offsets(%dma_start3A_28 : memref<128xi32, #tpu.memory_space<vmem>>) semaphore(%arg10 : memref<!tpu.dma_semaphore, #tpu.memory_space<semaphore_mem>>)
      %eq3A = arith.constant 0 : i32
      %eq3A_32 = arith.cmpi eq, %add3A_20, %eq3A : i32
      %convert_element_type3A = arith.extui %eq3A_32 : i1 to i32
      %cond3A = arith.constant 0 : i32
      %cond3A_33 = arith.cmpi ne, %convert_element_type3A, %cond3A : i32
      scf.if %cond3A_33 {
        %dma_wait3A_248 = arith.constant 0 : i32
        %dma_wait3A_249 = tpu.memref_slice %arg9[%mul3A_2, %dma_wait3A_248] : memref<10240x128xf32, #tpu.memory_space<vmem_shared>> -> memref<640x128xf32, #tpu.memory_space<vmem_shared>>
        %dma_wait3A_250 = arith.constant 0 : i32
        %dma_wait3A_251 = tpu.memref_slice %arg4[%mul3A_2, %dma_wait3A_250] : memref<10240x128xf32, #tpu.memory_space<hbm>> -> memref<640x128xf32, #tpu.memory_space<hbm>>
        tpu.wait_dma2 semaphore(%arg14 : memref<!tpu.dma_semaphore, #tpu.memory_space<semaphore_mem>>) src(%dma_wait3A_251 : memref<640x128xf32, #tpu.memory_space<hbm>>) dst(%dma_wait3A_249 : memref<640x128xf32, #tpu.memory_space<vmem_shared>>)
        %barrier3A_252 = arith.constant 0 : index
        tpu.barrier barrier_id(%barrier3A_252)
      } else {
      }
      %gt3A = arith.constant 0 : i32
      %gt3A_34 = arith.cmpi sgt, %add3A_20, %gt3A : i32
      %convert_element_type3A_35 = arith.extui %gt3A_34 : i1 to i32
      %cond3A_36 = arith.constant 0 : i32
      %cond3A_37 = arith.cmpi ne, %convert_element_type3A_35, %cond3A_36 : i32
      scf.if %cond3A_37 {
        %dma_wait3A_248 = arith.constant 15 : i32
        %dma_wait3A_249 = arith.constant 0 : i32
        %dma_wait3A_250 = tpu.memref_slice %arg6[%dma_wait3A_248, %dma_wait3A_249] : memref<16x128xi32, #tpu.memory_space<vmem>> -> memref<1x128xi32, #tpu.memory_space<vmem>>
        %dma_wait3A_251 = tpu.memref_squeeze %dma_wait3A_250 : memref<1x128xi32, #tpu.memory_space<vmem>> -> memref<128xi32, #tpu.memory_space<vmem>>
        %dma_wait3A_252 = arith.constant 0 : i32
        %dma_wait3A_253 = arith.constant 0 : i32
        %dma_wait3A_254 = tpu.memref_slice %arg9[%dma_wait3A_252, %dma_wait3A_253] : memref<10240x128xf32, #tpu.memory_space<vmem_shared>> -> memref<10240x128xf32, #tpu.memory_space<vmem_shared>>
        tpu.wait_indirect_dma semaphore(%arg13 : memref<!tpu.dma_semaphore, #tpu.memory_space<semaphore_mem>>) src(%arg8 : memref<128x128xf32, #tpu.memory_space<vmem>>) dst(%dma_wait3A_254 : memref<10240x128xf32, #tpu.memory_space<vmem_shared>>)
      } else {
      }
      %dma_wait3A_38 = arith.constant 0 : i32
      %dma_wait3A_39 = arith.constant 0 : i32
      %dma_wait3A_40 = tpu.memref_slice %arg6[%dma_wait3A_38, %dma_wait3A_39] : memref<16x128xi32, #tpu.memory_space<vmem>> -> memref<1x128xi32, #tpu.memory_space<vmem>>
      %dma_wait3A_41 = tpu.memref_squeeze %dma_wait3A_40 : memref<1x128xi32, #tpu.memory_space<vmem>> -> memref<128xi32, #tpu.memory_space<vmem>>
      %dma_wait3A_42 = arith.constant 0 : i32
      %dma_wait3A_43 = arith.constant 0 : i32
      %dma_wait3A_44 = tpu.memref_slice %arg2[%dma_wait3A_42, %dma_wait3A_43] : memref<10240x128xf32, #tpu.memory_space<hbm>> -> memref<10240x128xf32, #tpu.memory_space<hbm>>
      tpu.wait_indirect_dma semaphore(%arg10 : memref<!tpu.dma_semaphore, #tpu.memory_space<semaphore_mem>>) src(%dma_wait3A_44 : memref<10240x128xf32, #tpu.memory_space<hbm>>) dst(%arg7 : memref<128x128xf32, #tpu.memory_space<vmem>>)
      %dma_start3A_45 = arith.constant 1 : i32
      %dma_start3A_46 = arith.constant 0 : i32
      %dma_start3A_47 = tpu.memref_slice %arg6[%dma_start3A_45, %dma_start3A_46] : memref<16x128xi32, #tpu.memory_space<vmem>> -> memref<1x128xi32, #tpu.memory_space<vmem>>
      %dma_start3A_48 = tpu.memref_squeeze %dma_start3A_47 : memref<1x128xi32, #tpu.memory_space<vmem>> -> memref<128xi32, #tpu.memory_space<vmem>>
      %dma_start3A_49 = arith.constant 0 : i32
      %dma_start3A_50 = arith.constant 0 : i32
      %dma_start3A_51 = tpu.memref_slice %arg9[%dma_start3A_49, %dma_start3A_50] : memref<10240x128xf32, #tpu.memory_space<vmem_shared>> -> memref<10240x128xf32, #tpu.memory_space<vmem_shared>>
      tpu.enqueue_indirect_dma source(%arg7 : memref<128x128xf32, #tpu.memory_space<vmem>>) target(%dma_start3A_51 : memref<10240x128xf32, #tpu.memory_space<vmem_shared>>) offsets(%dma_start3A_48 : memref<128xi32, #tpu.memory_space<vmem>>) semaphore(%arg12 : memref<!tpu.dma_semaphore, #tpu.memory_space<semaphore_mem>>) {add = true}
      %dma_start3A_52 = arith.constant 2 : i32
      %dma_start3A_53 = arith.constant 0 : i32
      %dma_start3A_54 = tpu.memref_slice %arg6[%dma_start3A_52, %dma_start3A_53] : memref<16x128xi32, #tpu.memory_space<vmem>> -> memref<1x128xi32, #tpu.memory_space<vmem>>
      %dma_start3A_55 = tpu.memref_squeeze %dma_start3A_54 : memref<1x128xi32, #tpu.memory_space<vmem>> -> memref<128xi32, #tpu.memory_space<vmem>>
      %dma_start3A_56 = arith.constant 0 : i32
      %dma_start3A_57 = arith.constant 0 : i32
      %dma_start3A_58 = tpu.memref_slice %arg2[%dma_start3A_56, %dma_start3A_57] : memref<10240x128xf32, #tpu.memory_space<hbm>> -> memref<10240x128xf32, #tpu.memory_space<hbm>>
      tpu.enqueue_indirect_dma source(%dma_start3A_58 : memref<10240x128xf32, #tpu.memory_space<hbm>>) target(%arg8 : memref<128x128xf32, #tpu.memory_space<vmem>>) offsets(%dma_start3A_55 : memref<128xi32, #tpu.memory_space<vmem>>) semaphore(%arg11 : memref<!tpu.dma_semaphore, #tpu.memory_space<semaphore_mem>>)
      %dma_wait3A_59 = arith.constant 2 : i32
      %dma_wait3A_60 = arith.constant 0 : i32
      %dma_wait3A_61 = tpu.memref_slice %arg6[%dma_wait3A_59, %dma_wait3A_60] : memref<16x128xi32, #tpu.memory_space<vmem>> -> memref<1x128xi32, #tpu.memory_space<vmem>>
      %dma_wait3A_62 = tpu.memref_squeeze %dma_wait3A_61 : memref<1x128xi32, #tpu.memory_space<vmem>> -> memref<128xi32, #tpu.memory_space<vmem>>
      %dma_wait3A_63 = arith.constant 0 : i32
      %dma_wait3A_64 = arith.constant 0 : i32
      %dma_wait3A_65 = tpu.memref_slice %arg2[%dma_wait3A_63, %dma_wait3A_64] : memref<10240x128xf32, #tpu.memory_space<hbm>> -> memref<10240x128xf32, #tpu.memory_space<hbm>>
      tpu.wait_indirect_dma semaphore(%arg11 : memref<!tpu.dma_semaphore, #tpu.memory_space<semaphore_mem>>) src(%dma_wait3A_65 : memref<10240x128xf32, #tpu.memory_space<hbm>>) dst(%arg8 : memref<128x128xf32, #tpu.memory_space<vmem>>)
      %dma_start3A_66 = arith.constant 3 : i32
      %dma_start3A_67 = arith.constant 0 : i32
      %dma_start3A_68 = tpu.memref_slice %arg6[%dma_start3A_66, %dma_start3A_67] : memref<16x128xi32, #tpu.memory_space<vmem>> -> memref<1x128xi32, #tpu.memory_space<vmem>>
      %dma_start3A_69 = tpu.memref_squeeze %dma_start3A_68 : memref<1x128xi32, #tpu.memory_space<vmem>> -> memref<128xi32, #tpu.memory_space<vmem>>
      %dma_start3A_70 = arith.constant 0 : i32
      %dma_start3A_71 = arith.constant 0 : i32
      %dma_start3A_72 = tpu.memref_slice %arg9[%dma_start3A_70, %dma_start3A_71] : memref<10240x128xf32, #tpu.memory_space<vmem_shared>> -> memref<10240x128xf32, #tpu.memory_space<vmem_shared>>
      tpu.enqueue_indirect_dma source(%arg8 : memref<128x128xf32, #tpu.memory_space<vmem>>) target(%dma_start3A_72 : memref<10240x128xf32, #tpu.memory_space<vmem_shared>>) offsets(%dma_start3A_69 : memref<128xi32, #tpu.memory_space<vmem>>) semaphore(%arg13 : memref<!tpu.dma_semaphore, #tpu.memory_space<semaphore_mem>>) {add = true}
      %dma_wait3A_73 = arith.constant 1 : i32
      %dma_wait3A_74 = arith.constant 0 : i32
      %dma_wait3A_75 = tpu.memref_slice %arg6[%dma_wait3A_73, %dma_wait3A_74] : memref<16x128xi32, #tpu.memory_space<vmem>> -> memref<1x128xi32, #tpu.memory_space<vmem>>
      %dma_wait3A_76 = tpu.memref_squeeze %dma_wait3A_75 : memref<1x128xi32, #tpu.memory_space<vmem>> -> memref<128xi32, #tpu.memory_space<vmem>>
      %dma_wait3A_77 = arith.constant 0 : i32
      %dma_wait3A_78 = arith.constant 0 : i32
      %dma_wait3A_79 = tpu.memref_slice %arg9[%dma_wait3A_77, %dma_wait3A_78] : memref<10240x128xf32, #tpu.memory_space<vmem_shared>> -> memref<10240x128xf32, #tpu.memory_space<vmem_shared>>
      tpu.wait_indirect_dma semaphore(%arg12 : memref<!tpu.dma_semaphore, #tpu.memory_space<semaphore_mem>>) src(%arg7 : memref<128x128xf32, #tpu.memory_space<vmem>>) dst(%dma_wait3A_79 : memref<10240x128xf32, #tpu.memory_space<vmem_shared>>)
      %dma_start3A_80 = arith.constant 4 : i32
      %dma_start3A_81 = arith.constant 0 : i32
      %dma_start3A_82 = tpu.memref_slice %arg6[%dma_start3A_80, %dma_start3A_81] : memref<16x128xi32, #tpu.memory_space<vmem>> -> memref<1x128xi32, #tpu.memory_space<vmem>>
      %dma_start3A_83 = tpu.memref_squeeze %dma_start3A_82 : memref<1x128xi32, #tpu.memory_space<vmem>> -> memref<128xi32, #tpu.memory_space<vmem>>
      %dma_start3A_84 = arith.constant 0 : i32
      %dma_start3A_85 = arith.constant 0 : i32
      %dma_start3A_86 = tpu.memref_slice %arg2[%dma_start3A_84, %dma_start3A_85] : memref<10240x128xf32, #tpu.memory_space<hbm>> -> memref<10240x128xf32, #tpu.memory_space<hbm>>
      tpu.enqueue_indirect_dma source(%dma_start3A_86 : memref<10240x128xf32, #tpu.memory_space<hbm>>) target(%arg7 : memref<128x128xf32, #tpu.memory_space<vmem>>) offsets(%dma_start3A_83 : memref<128xi32, #tpu.memory_space<vmem>>) semaphore(%arg10 : memref<!tpu.dma_semaphore, #tpu.memory_space<semaphore_mem>>)
      %dma_wait3A_87 = arith.constant 4 : i32
      %dma_wait3A_88 = arith.constant 0 : i32
      %dma_wait3A_89 = tpu.memref_slice %arg6[%dma_wait3A_87, %dma_wait3A_88] : memref<16x128xi32, #tpu.memory_space<vmem>> -> memref<1x128xi32, #tpu.memory_space<vmem>>
      %dma_wait3A_90 = tpu.memref_squeeze %dma_wait3A_89 : memref<1x128xi32, #tpu.memory_space<vmem>> -> memref<128xi32, #tpu.memory_space<vmem>>
      %dma_wait3A_91 = arith.constant 0 : i32
      %dma_wait3A_92 = arith.constant 0 : i32
      %dma_wait3A_93 = tpu.memref_slice %arg2[%dma_wait3A_91, %dma_wait3A_92] : memref<10240x128xf32, #tpu.memory_space<hbm>> -> memref<10240x128xf32, #tpu.memory_space<hbm>>
      tpu.wait_indirect_dma semaphore(%arg10 : memref<!tpu.dma_semaphore, #tpu.memory_space<semaphore_mem>>) src(%dma_wait3A_93 : memref<10240x128xf32, #tpu.memory_space<hbm>>) dst(%arg7 : memref<128x128xf32, #tpu.memory_space<vmem>>)
      %dma_start3A_94 = arith.constant 5 : i32
      %dma_start3A_95 = arith.constant 0 : i32
      %dma_start3A_96 = tpu.memref_slice %arg6[%dma_start3A_94, %dma_start3A_95] : memref<16x128xi32, #tpu.memory_space<vmem>> -> memref<1x128xi32, #tpu.memory_space<vmem>>
      %dma_start3A_97 = tpu.memref_squeeze %dma_start3A_96 : memref<1x128xi32, #tpu.memory_space<vmem>> -> memref<128xi32, #tpu.memory_space<vmem>>
      %dma_start3A_98 = arith.constant 0 : i32
      %dma_start3A_99 = arith.constant 0 : i32
      %dma_start3A_100 = tpu.memref_slice %arg9[%dma_start3A_98, %dma_start3A_99] : memref<10240x128xf32, #tpu.memory_space<vmem_shared>> -> memref<10240x128xf32, #tpu.memory_space<vmem_shared>>
      tpu.enqueue_indirect_dma source(%arg7 : memref<128x128xf32, #tpu.memory_space<vmem>>) target(%dma_start3A_100 : memref<10240x128xf32, #tpu.memory_space<vmem_shared>>) offsets(%dma_start3A_97 : memref<128xi32, #tpu.memory_space<vmem>>) semaphore(%arg12 : memref<!tpu.dma_semaphore, #tpu.memory_space<semaphore_mem>>) {add = true}
      %dma_wait3A_101 = arith.constant 3 : i32
      %dma_wait3A_102 = arith.constant 0 : i32
      %dma_wait3A_103 = tpu.memref_slice %arg6[%dma_wait3A_101, %dma_wait3A_102] : memref<16x128xi32, #tpu.memory_space<vmem>> -> memref<1x128xi32, #tpu.memory_space<vmem>>
      %dma_wait3A_104 = tpu.memref_squeeze %dma_wait3A_103 : memref<1x128xi32, #tpu.memory_space<vmem>> -> memref<128xi32, #tpu.memory_space<vmem>>
      %dma_wait3A_105 = arith.constant 0 : i32
      %dma_wait3A_106 = arith.constant 0 : i32
      %dma_wait3A_107 = tpu.memref_slice %arg9[%dma_wait3A_105, %dma_wait3A_106] : memref<10240x128xf32, #tpu.memory_space<vmem_shared>> -> memref<10240x128xf32, #tpu.memory_space<vmem_shared>>
      tpu.wait_indirect_dma semaphore(%arg13 : memref<!tpu.dma_semaphore, #tpu.memory_space<semaphore_mem>>) src(%arg8 : memref<128x128xf32, #tpu.memory_space<vmem>>) dst(%dma_wait3A_107 : memref<10240x128xf32, #tpu.memory_space<vmem_shared>>)
      %dma_start3A_108 = arith.constant 6 : i32
      %dma_start3A_109 = arith.constant 0 : i32
      %dma_start3A_110 = tpu.memref_slice %arg6[%dma_start3A_108, %dma_start3A_109] : memref<16x128xi32, #tpu.memory_space<vmem>> -> memref<1x128xi32, #tpu.memory_space<vmem>>
      %dma_start3A_111 = tpu.memref_squeeze %dma_start3A_110 : memref<1x128xi32, #tpu.memory_space<vmem>> -> memref<128xi32, #tpu.memory_space<vmem>>
      %dma_start3A_112 = arith.constant 0 : i32
      %dma_start3A_113 = arith.constant 0 : i32
      %dma_start3A_114 = tpu.memref_slice %arg2[%dma_start3A_112, %dma_start3A_113] : memref<10240x128xf32, #tpu.memory_space<hbm>> -> memref<10240x128xf32, #tpu.memory_space<hbm>>
      tpu.enqueue_indirect_dma source(%dma_start3A_114 : memref<10240x128xf32, #tpu.memory_space<hbm>>) target(%arg8 : memref<128x128xf32, #tpu.memory_space<vmem>>) offsets(%dma_start3A_111 : memref<128xi32, #tpu.memory_space<vmem>>) semaphore(%arg11 : memref<!tpu.dma_semaphore, #tpu.memory_space<semaphore_mem>>)
      %dma_wait3A_115 = arith.constant 6 : i32
      %dma_wait3A_116 = arith.constant 0 : i32
      %dma_wait3A_117 = tpu.memref_slice %arg6[%dma_wait3A_115, %dma_wait3A_116] : memref<16x128xi32, #tpu.memory_space<vmem>> -> memref<1x128xi32, #tpu.memory_space<vmem>>
      %dma_wait3A_118 = tpu.memref_squeeze %dma_wait3A_117 : memref<1x128xi32, #tpu.memory_space<vmem>> -> memref<128xi32, #tpu.memory_space<vmem>>
      %dma_wait3A_119 = arith.constant 0 : i32
      %dma_wait3A_120 = arith.constant 0 : i32
      %dma_wait3A_121 = tpu.memref_slice %arg2[%dma_wait3A_119, %dma_wait3A_120] : memref<10240x128xf32, #tpu.memory_space<hbm>> -> memref<10240x128xf32, #tpu.memory_space<hbm>>
      tpu.wait_indirect_dma semaphore(%arg11 : memref<!tpu.dma_semaphore, #tpu.memory_space<semaphore_mem>>) src(%dma_wait3A_121 : memref<10240x128xf32, #tpu.memory_space<hbm>>) dst(%arg8 : memref<128x128xf32, #tpu.memory_space<vmem>>)
      %dma_start3A_122 = arith.constant 7 : i32
      %dma_start3A_123 = arith.constant 0 : i32
      %dma_start3A_124 = tpu.memref_slice %arg6[%dma_start3A_122, %dma_start3A_123] : memref<16x128xi32, #tpu.memory_space<vmem>> -> memref<1x128xi32, #tpu.memory_space<vmem>>
      %dma_start3A_125 = tpu.memref_squeeze %dma_start3A_124 : memref<1x128xi32, #tpu.memory_space<vmem>> -> memref<128xi32, #tpu.memory_space<vmem>>
      %dma_start3A_126 = arith.constant 0 : i32
      %dma_start3A_127 = arith.constant 0 : i32
      %dma_start3A_128 = tpu.memref_slice %arg9[%dma_start3A_126, %dma_start3A_127] : memref<10240x128xf32, #tpu.memory_space<vmem_shared>> -> memref<10240x128xf32, #tpu.memory_space<vmem_shared>>
      tpu.enqueue_indirect_dma source(%arg8 : memref<128x128xf32, #tpu.memory_space<vmem>>) target(%dma_start3A_128 : memref<10240x128xf32, #tpu.memory_space<vmem_shared>>) offsets(%dma_start3A_125 : memref<128xi32, #tpu.memory_space<vmem>>) semaphore(%arg13 : memref<!tpu.dma_semaphore, #tpu.memory_space<semaphore_mem>>) {add = true}
      %dma_wait3A_129 = arith.constant 5 : i32
      %dma_wait3A_130 = arith.constant 0 : i32
      %dma_wait3A_131 = tpu.memref_slice %arg6[%dma_wait3A_129, %dma_wait3A_130] : memref<16x128xi32, #tpu.memory_space<vmem>> -> memref<1x128xi32, #tpu.memory_space<vmem>>
      %dma_wait3A_132 = tpu.memref_squeeze %dma_wait3A_131 : memref<1x128xi32, #tpu.memory_space<vmem>> -> memref<128xi32, #tpu.memory_space<vmem>>
      %dma_wait3A_133 = arith.constant 0 : i32
      %dma_wait3A_134 = arith.constant 0 : i32
      %dma_wait3A_135 = tpu.memref_slice %arg9[%dma_wait3A_133, %dma_wait3A_134] : memref<10240x128xf32, #tpu.memory_space<vmem_shared>> -> memref<10240x128xf32, #tpu.memory_space<vmem_shared>>
      tpu.wait_indirect_dma semaphore(%arg12 : memref<!tpu.dma_semaphore, #tpu.memory_space<semaphore_mem>>) src(%arg7 : memref<128x128xf32, #tpu.memory_space<vmem>>) dst(%dma_wait3A_135 : memref<10240x128xf32, #tpu.memory_space<vmem_shared>>)
      %dma_start3A_136 = arith.constant 8 : i32
      %dma_start3A_137 = arith.constant 0 : i32
      %dma_start3A_138 = tpu.memref_slice %arg6[%dma_start3A_136, %dma_start3A_137] : memref<16x128xi32, #tpu.memory_space<vmem>> -> memref<1x128xi32, #tpu.memory_space<vmem>>
      %dma_start3A_139 = tpu.memref_squeeze %dma_start3A_138 : memref<1x128xi32, #tpu.memory_space<vmem>> -> memref<128xi32, #tpu.memory_space<vmem>>
      %dma_start3A_140 = arith.constant 0 : i32
      %dma_start3A_141 = arith.constant 0 : i32
      %dma_start3A_142 = tpu.memref_slice %arg2[%dma_start3A_140, %dma_start3A_141] : memref<10240x128xf32, #tpu.memory_space<hbm>> -> memref<10240x128xf32, #tpu.memory_space<hbm>>
      tpu.enqueue_indirect_dma source(%dma_start3A_142 : memref<10240x128xf32, #tpu.memory_space<hbm>>) target(%arg7 : memref<128x128xf32, #tpu.memory_space<vmem>>) offsets(%dma_start3A_139 : memref<128xi32, #tpu.memory_space<vmem>>) semaphore(%arg10 : memref<!tpu.dma_semaphore, #tpu.memory_space<semaphore_mem>>)
      %dma_wait3A_143 = arith.constant 8 : i32
      %dma_wait3A_144 = arith.constant 0 : i32
      %dma_wait3A_145 = tpu.memref_slice %arg6[%dma_wait3A_143, %dma_wait3A_144] : memref<16x128xi32, #tpu.memory_space<vmem>> -> memref<1x128xi32, #tpu.memory_space<vmem>>
      %dma_wait3A_146 = tpu.memref_squeeze %dma_wait3A_145 : memref<1x128xi32, #tpu.memory_space<vmem>> -> memref<128xi32, #tpu.memory_space<vmem>>
      %dma_wait3A_147 = arith.constant 0 : i32
      %dma_wait3A_148 = arith.constant 0 : i32
      %dma_wait3A_149 = tpu.memref_slice %arg2[%dma_wait3A_147, %dma_wait3A_148] : memref<10240x128xf32, #tpu.memory_space<hbm>> -> memref<10240x128xf32, #tpu.memory_space<hbm>>
      tpu.wait_indirect_dma semaphore(%arg10 : memref<!tpu.dma_semaphore, #tpu.memory_space<semaphore_mem>>) src(%dma_wait3A_149 : memref<10240x128xf32, #tpu.memory_space<hbm>>) dst(%arg7 : memref<128x128xf32, #tpu.memory_space<vmem>>)
      %dma_start3A_150 = arith.constant 9 : i32
      %dma_start3A_151 = arith.constant 0 : i32
      %dma_start3A_152 = tpu.memref_slice %arg6[%dma_start3A_150, %dma_start3A_151] : memref<16x128xi32, #tpu.memory_space<vmem>> -> memref<1x128xi32, #tpu.memory_space<vmem>>
      %dma_start3A_153 = tpu.memref_squeeze %dma_start3A_152 : memref<1x128xi32, #tpu.memory_space<vmem>> -> memref<128xi32, #tpu.memory_space<vmem>>
      %dma_start3A_154 = arith.constant 0 : i32
      %dma_start3A_155 = arith.constant 0 : i32
      %dma_start3A_156 = tpu.memref_slice %arg9[%dma_start3A_154, %dma_start3A_155] : memref<10240x128xf32, #tpu.memory_space<vmem_shared>> -> memref<10240x128xf32, #tpu.memory_space<vmem_shared>>
      tpu.enqueue_indirect_dma source(%arg7 : memref<128x128xf32, #tpu.memory_space<vmem>>) target(%dma_start3A_156 : memref<10240x128xf32, #tpu.memory_space<vmem_shared>>) offsets(%dma_start3A_153 : memref<128xi32, #tpu.memory_space<vmem>>) semaphore(%arg12 : memref<!tpu.dma_semaphore, #tpu.memory_space<semaphore_mem>>) {add = true}
      %dma_wait3A_157 = arith.constant 7 : i32
      %dma_wait3A_158 = arith.constant 0 : i32
      %dma_wait3A_159 = tpu.memref_slice %arg6[%dma_wait3A_157, %dma_wait3A_158] : memref<16x128xi32, #tpu.memory_space<vmem>> -> memref<1x128xi32, #tpu.memory_space<vmem>>
      %dma_wait3A_160 = tpu.memref_squeeze %dma_wait3A_159 : memref<1x128xi32, #tpu.memory_space<vmem>> -> memref<128xi32, #tpu.memory_space<vmem>>
      %dma_wait3A_161 = arith.constant 0 : i32
      %dma_wait3A_162 = arith.constant 0 : i32
      %dma_wait3A_163 = tpu.memref_slice %arg9[%dma_wait3A_161, %dma_wait3A_162] : memref<10240x128xf32, #tpu.memory_space<vmem_shared>> -> memref<10240x128xf32, #tpu.memory_space<vmem_shared>>
      tpu.wait_indirect_dma semaphore(%arg13 : memref<!tpu.dma_semaphore, #tpu.memory_space<semaphore_mem>>) src(%arg8 : memref<128x128xf32, #tpu.memory_space<vmem>>) dst(%dma_wait3A_163 : memref<10240x128xf32, #tpu.memory_space<vmem_shared>>)
      %dma_start3A_164 = arith.constant 10 : i32
      %dma_start3A_165 = arith.constant 0 : i32
      %dma_start3A_166 = tpu.memref_slice %arg6[%dma_start3A_164, %dma_start3A_165] : memref<16x128xi32, #tpu.memory_space<vmem>> -> memref<1x128xi32, #tpu.memory_space<vmem>>
      %dma_start3A_167 = tpu.memref_squeeze %dma_start3A_166 : memref<1x128xi32, #tpu.memory_space<vmem>> -> memref<128xi32, #tpu.memory_space<vmem>>
      %dma_start3A_168 = arith.constant 0 : i32
      %dma_start3A_169 = arith.constant 0 : i32
      %dma_start3A_170 = tpu.memref_slice %arg2[%dma_start3A_168, %dma_start3A_169] : memref<10240x128xf32, #tpu.memory_space<hbm>> -> memref<10240x128xf32, #tpu.memory_space<hbm>>
      tpu.enqueue_indirect_dma source(%dma_start3A_170 : memref<10240x128xf32, #tpu.memory_space<hbm>>) target(%arg8 : memref<128x128xf32, #tpu.memory_space<vmem>>) offsets(%dma_start3A_167 : memref<128xi32, #tpu.memory_space<vmem>>) semaphore(%arg11 : memref<!tpu.dma_semaphore, #tpu.memory_space<semaphore_mem>>)
      %dma_wait3A_171 = arith.constant 10 : i32
      %dma_wait3A_172 = arith.constant 0 : i32
      %dma_wait3A_173 = tpu.memref_slice %arg6[%dma_wait3A_171, %dma_wait3A_172] : memref<16x128xi32, #tpu.memory_space<vmem>> -> memref<1x128xi32, #tpu.memory_space<vmem>>
      %dma_wait3A_174 = tpu.memref_squeeze %dma_wait3A_173 : memref<1x128xi32, #tpu.memory_space<vmem>> -> memref<128xi32, #tpu.memory_space<vmem>>
      %dma_wait3A_175 = arith.constant 0 : i32
      %dma_wait3A_176 = arith.constant 0 : i32
      %dma_wait3A_177 = tpu.memref_slice %arg2[%dma_wait3A_175, %dma_wait3A_176] : memref<10240x128xf32, #tpu.memory_space<hbm>> -> memref<10240x128xf32, #tpu.memory_space<hbm>>
      tpu.wait_indirect_dma semaphore(%arg11 : memref<!tpu.dma_semaphore, #tpu.memory_space<semaphore_mem>>) src(%dma_wait3A_177 : memref<10240x128xf32, #tpu.memory_space<hbm>>) dst(%arg8 : memref<128x128xf32, #tpu.memory_space<vmem>>)
      %dma_start3A_178 = arith.constant 11 : i32
      %dma_start3A_179 = arith.constant 0 : i32
      %dma_start3A_180 = tpu.memref_slice %arg6[%dma_start3A_178, %dma_start3A_179] : memref<16x128xi32, #tpu.memory_space<vmem>> -> memref<1x128xi32, #tpu.memory_space<vmem>>
      %dma_start3A_181 = tpu.memref_squeeze %dma_start3A_180 : memref<1x128xi32, #tpu.memory_space<vmem>> -> memref<128xi32, #tpu.memory_space<vmem>>
      %dma_start3A_182 = arith.constant 0 : i32
      %dma_start3A_183 = arith.constant 0 : i32
      %dma_start3A_184 = tpu.memref_slice %arg9[%dma_start3A_182, %dma_start3A_183] : memref<10240x128xf32, #tpu.memory_space<vmem_shared>> -> memref<10240x128xf32, #tpu.memory_space<vmem_shared>>
      tpu.enqueue_indirect_dma source(%arg8 : memref<128x128xf32, #tpu.memory_space<vmem>>) target(%dma_start3A_184 : memref<10240x128xf32, #tpu.memory_space<vmem_shared>>) offsets(%dma_start3A_181 : memref<128xi32, #tpu.memory_space<vmem>>) semaphore(%arg13 : memref<!tpu.dma_semaphore, #tpu.memory_space<semaphore_mem>>) {add = true}
      %dma_wait3A_185 = arith.constant 9 : i32
      %dma_wait3A_186 = arith.constant 0 : i32
      %dma_wait3A_187 = tpu.memref_slice %arg6[%dma_wait3A_185, %dma_wait3A_186] : memref<16x128xi32, #tpu.memory_space<vmem>> -> memref<1x128xi32, #tpu.memory_space<vmem>>
      %dma_wait3A_188 = tpu.memref_squeeze %dma_wait3A_187 : memref<1x128xi32, #tpu.memory_space<vmem>> -> memref<128xi32, #tpu.memory_space<vmem>>
      %dma_wait3A_189 = arith.constant 0 : i32
      %dma_wait3A_190 = arith.constant 0 : i32
      %dma_wait3A_191 = tpu.memref_slice %arg9[%dma_wait3A_189, %dma_wait3A_190] : memref<10240x128xf32, #tpu.memory_space<vmem_shared>> -> memref<10240x128xf32, #tpu.memory_space<vmem_shared>>
      tpu.wait_indirect_dma semaphore(%arg12 : memref<!tpu.dma_semaphore, #tpu.memory_space<semaphore_mem>>) src(%arg7 : memref<128x128xf32, #tpu.memory_space<vmem>>) dst(%dma_wait3A_191 : memref<10240x128xf32, #tpu.memory_space<vmem_shared>>)
      %dma_start3A_192 = arith.constant 12 : i32
      %dma_start3A_193 = arith.constant 0 : i32
      %dma_start3A_194 = tpu.memref_slice %arg6[%dma_start3A_192, %dma_start3A_193] : memref<16x128xi32, #tpu.memory_space<vmem>> -> memref<1x128xi32, #tpu.memory_space<vmem>>
      %dma_start3A_195 = tpu.memref_squeeze %dma_start3A_194 : memref<1x128xi32, #tpu.memory_space<vmem>> -> memref<128xi32, #tpu.memory_space<vmem>>
      %dma_start3A_196 = arith.constant 0 : i32
      %dma_start3A_197 = arith.constant 0 : i32
      %dma_start3A_198 = tpu.memref_slice %arg2[%dma_start3A_196, %dma_start3A_197] : memref<10240x128xf32, #tpu.memory_space<hbm>> -> memref<10240x128xf32, #tpu.memory_space<hbm>>
      tpu.enqueue_indirect_dma source(%dma_start3A_198 : memref<10240x128xf32, #tpu.memory_space<hbm>>) target(%arg7 : memref<128x128xf32, #tpu.memory_space<vmem>>) offsets(%dma_start3A_195 : memref<128xi32, #tpu.memory_space<vmem>>) semaphore(%arg10 : memref<!tpu.dma_semaphore, #tpu.memory_space<semaphore_mem>>)
      %dma_wait3A_199 = arith.constant 12 : i32
      %dma_wait3A_200 = arith.constant 0 : i32
      %dma_wait3A_201 = tpu.memref_slice %arg6[%dma_wait3A_199, %dma_wait3A_200] : memref<16x128xi32, #tpu.memory_space<vmem>> -> memref<1x128xi32, #tpu.memory_space<vmem>>
      %dma_wait3A_202 = tpu.memref_squeeze %dma_wait3A_201 : memref<1x128xi32, #tpu.memory_space<vmem>> -> memref<128xi32, #tpu.memory_space<vmem>>
      %dma_wait3A_203 = arith.constant 0 : i32
      %dma_wait3A_204 = arith.constant 0 : i32
      %dma_wait3A_205 = tpu.memref_slice %arg2[%dma_wait3A_203, %dma_wait3A_204] : memref<10240x128xf32, #tpu.memory_space<hbm>> -> memref<10240x128xf32, #tpu.memory_space<hbm>>
      tpu.wait_indirect_dma semaphore(%arg10 : memref<!tpu.dma_semaphore, #tpu.memory_space<semaphore_mem>>) src(%dma_wait3A_205 : memref<10240x128xf32, #tpu.memory_space<hbm>>) dst(%arg7 : memref<128x128xf32, #tpu.memory_space<vmem>>)
      %dma_start3A_206 = arith.constant 13 : i32
      %dma_start3A_207 = arith.constant 0 : i32
      %dma_start3A_208 = tpu.memref_slice %arg6[%dma_start3A_206, %dma_start3A_207] : memref<16x128xi32, #tpu.memory_space<vmem>> -> memref<1x128xi32, #tpu.memory_space<vmem>>
      %dma_start3A_209 = tpu.memref_squeeze %dma_start3A_208 : memref<1x128xi32, #tpu.memory_space<vmem>> -> memref<128xi32, #tpu.memory_space<vmem>>
      %dma_start3A_210 = arith.constant 0 : i32
      %dma_start3A_211 = arith.constant 0 : i32
      %dma_start3A_212 = tpu.memref_slice %arg9[%dma_start3A_210, %dma_start3A_211] : memref<10240x128xf32, #tpu.memory_space<vmem_shared>> -> memref<10240x128xf32, #tpu.memory_space<vmem_shared>>
      tpu.enqueue_indirect_dma source(%arg7 : memref<128x128xf32, #tpu.memory_space<vmem>>) target(%dma_start3A_212 : memref<10240x128xf32, #tpu.memory_space<vmem_shared>>) offsets(%dma_start3A_209 : memref<128xi32, #tpu.memory_space<vmem>>) semaphore(%arg12 : memref<!tpu.dma_semaphore, #tpu.memory_space<semaphore_mem>>) {add = true}
      %dma_wait3A_213 = arith.constant 11 : i32
      %dma_wait3A_214 = arith.constant 0 : i32
      %dma_wait3A_215 = tpu.memref_slice %arg6[%dma_wait3A_213, %dma_wait3A_214] : memref<16x128xi32, #tpu.memory_space<vmem>> -> memref<1x128xi32, #tpu.memory_space<vmem>>
      %dma_wait3A_216 = tpu.memref_squeeze %dma_wait3A_215 : memref<1x128xi32, #tpu.memory_space<vmem>> -> memref<128xi32, #tpu.memory_space<vmem>>
      %dma_wait3A_217 = arith.constant 0 : i32
      %dma_wait3A_218 = arith.constant 0 : i32
      %dma_wait3A_219 = tpu.memref_slice %arg9[%dma_wait3A_217, %dma_wait3A_218] : memref<10240x128xf32, #tpu.memory_space<vmem_shared>> -> memref<10240x128xf32, #tpu.memory_space<vmem_shared>>
      tpu.wait_indirect_dma semaphore(%arg13 : memref<!tpu.dma_semaphore, #tpu.memory_space<semaphore_mem>>) src(%arg8 : memref<128x128xf32, #tpu.memory_space<vmem>>) dst(%dma_wait3A_219 : memref<10240x128xf32, #tpu.memory_space<vmem_shared>>)
      %dma_start3A_220 = arith.constant 14 : i32
      %dma_start3A_221 = arith.constant 0 : i32
      %dma_start3A_222 = tpu.memref_slice %arg6[%dma_start3A_220, %dma_start3A_221] : memref<16x128xi32, #tpu.memory_space<vmem>> -> memref<1x128xi32, #tpu.memory_space<vmem>>
      %dma_start3A_223 = tpu.memref_squeeze %dma_start3A_222 : memref<1x128xi32, #tpu.memory_space<vmem>> -> memref<128xi32, #tpu.memory_space<vmem>>
      %dma_start3A_224 = arith.constant 0 : i32
      %dma_start3A_225 = arith.constant 0 : i32
      %dma_start3A_226 = tpu.memref_slice %arg2[%dma_start3A_224, %dma_start3A_225] : memref<10240x128xf32, #tpu.memory_space<hbm>> -> memref<10240x128xf32, #tpu.memory_space<hbm>>
      tpu.enqueue_indirect_dma source(%dma_start3A_226 : memref<10240x128xf32, #tpu.memory_space<hbm>>) target(%arg8 : memref<128x128xf32, #tpu.memory_space<vmem>>) offsets(%dma_start3A_223 : memref<128xi32, #tpu.memory_space<vmem>>) semaphore(%arg11 : memref<!tpu.dma_semaphore, #tpu.memory_space<semaphore_mem>>)
      %dma_wait3A_227 = arith.constant 14 : i32
      %dma_wait3A_228 = arith.constant 0 : i32
      %dma_wait3A_229 = tpu.memref_slice %arg6[%dma_wait3A_227, %dma_wait3A_228] : memref<16x128xi32, #tpu.memory_space<vmem>> -> memref<1x128xi32, #tpu.memory_space<vmem>>
      %dma_wait3A_230 = tpu.memref_squeeze %dma_wait3A_229 : memref<1x128xi32, #tpu.memory_space<vmem>> -> memref<128xi32, #tpu.memory_space<vmem>>
      %dma_wait3A_231 = arith.constant 0 : i32
      %dma_wait3A_232 = arith.constant 0 : i32
      %dma_wait3A_233 = tpu.memref_slice %arg2[%dma_wait3A_231, %dma_wait3A_232] : memref<10240x128xf32, #tpu.memory_space<hbm>> -> memref<10240x128xf32, #tpu.memory_space<hbm>>
      tpu.wait_indirect_dma semaphore(%arg11 : memref<!tpu.dma_semaphore, #tpu.memory_space<semaphore_mem>>) src(%dma_wait3A_233 : memref<10240x128xf32, #tpu.memory_space<hbm>>) dst(%arg8 : memref<128x128xf32, #tpu.memory_space<vmem>>)
      %dma_start3A_234 = arith.constant 15 : i32
      %dma_start3A_235 = arith.constant 0 : i32
      %dma_start3A_236 = tpu.memref_slice %arg6[%dma_start3A_234, %dma_start3A_235] : memref<16x128xi32, #tpu.memory_space<vmem>> -> memref<1x128xi32, #tpu.memory_space<vmem>>
      %dma_start3A_237 = tpu.memref_squeeze %dma_start3A_236 : memref<1x128xi32, #tpu.memory_space<vmem>> -> memref<128xi32, #tpu.memory_space<vmem>>
      %dma_start3A_238 = arith.constant 0 : i32
      %dma_start3A_239 = arith.constant 0 : i32
      %dma_start3A_240 = tpu.memref_slice %arg9[%dma_start3A_238, %dma_start3A_239] : memref<10240x128xf32, #tpu.memory_space<vmem_shared>> -> memref<10240x128xf32, #tpu.memory_space<vmem_shared>>
      tpu.enqueue_indirect_dma source(%arg8 : memref<128x128xf32, #tpu.memory_space<vmem>>) target(%dma_start3A_240 : memref<10240x128xf32, #tpu.memory_space<vmem_shared>>) offsets(%dma_start3A_237 : memref<128xi32, #tpu.memory_space<vmem>>) semaphore(%arg13 : memref<!tpu.dma_semaphore, #tpu.memory_space<semaphore_mem>>) {add = true}
      %dma_wait3A_241 = arith.constant 13 : i32
      %dma_wait3A_242 = arith.constant 0 : i32
      %dma_wait3A_243 = tpu.memref_slice %arg6[%dma_wait3A_241, %dma_wait3A_242] : memref<16x128xi32, #tpu.memory_space<vmem>> -> memref<1x128xi32, #tpu.memory_space<vmem>>
      %dma_wait3A_244 = tpu.memref_squeeze %dma_wait3A_243 : memref<1x128xi32, #tpu.memory_space<vmem>> -> memref<128xi32, #tpu.memory_space<vmem>>
      %dma_wait3A_245 = arith.constant 0 : i32
      %dma_wait3A_246 = arith.constant 0 : i32
      %dma_wait3A_247 = tpu.memref_slice %arg9[%dma_wait3A_245, %dma_wait3A_246] : memref<10240x128xf32, #tpu.memory_space<vmem_shared>> -> memref<10240x128xf32, #tpu.memory_space<vmem_shared>>
      tpu.wait_indirect_dma semaphore(%arg12 : memref<!tpu.dma_semaphore, #tpu.memory_space<semaphore_mem>>) src(%arg7 : memref<128x128xf32, #tpu.memory_space<vmem>>) dst(%dma_wait3A_247 : memref<10240x128xf32, #tpu.memory_space<vmem_shared>>)
    }
    %scan3A_9 = arith.constant 10 : i32
    %dma_wait3A = arith.constant 15 : i32
    %dma_wait3A_10 = arith.constant 0 : i32
    %dma_wait3A_11 = tpu.memref_slice %arg6[%dma_wait3A, %dma_wait3A_10] : memref<16x128xi32, #tpu.memory_space<vmem>> -> memref<1x128xi32, #tpu.memory_space<vmem>>
    %dma_wait3A_12 = tpu.memref_squeeze %dma_wait3A_11 : memref<1x128xi32, #tpu.memory_space<vmem>> -> memref<128xi32, #tpu.memory_space<vmem>>
    %dma_wait3A_13 = arith.constant 0 : i32
    %dma_wait3A_14 = arith.constant 0 : i32
    %dma_wait3A_15 = tpu.memref_slice %arg9[%dma_wait3A_13, %dma_wait3A_14] : memref<10240x128xf32, #tpu.memory_space<vmem_shared>> -> memref<10240x128xf32, #tpu.memory_space<vmem_shared>>
    tpu.wait_indirect_dma semaphore(%arg13 : memref<!tpu.dma_semaphore, #tpu.memory_space<semaphore_mem>>) src(%arg8 : memref<128x128xf32, #tpu.memory_space<vmem>>) dst(%dma_wait3A_15 : memref<10240x128xf32, #tpu.memory_space<vmem_shared>>)
    %barrier3A = arith.constant 0 : index
    tpu.barrier barrier_id(%barrier3A)
    "tpu.region"() ({
      %run_scoped3A = tpu.sem_alloc : memref<!tpu.dma_semaphore, #tpu.memory_space<semaphore_mem>>
      %dma_start3A_16 = arith.constant 0 : i32
      %dma_start3A_17 = tpu.memref_slice %arg5[%arg0, %mul3A_2, %dma_start3A_16] : memref<2x10240x128xf32, #tpu.memory_space<hbm>> -> memref<1x640x128xf32, #tpu.memory_space<hbm>>
      %dma_start3A_18 = tpu.memref_squeeze %dma_start3A_17 : memref<1x640x128xf32, #tpu.memory_space<hbm>> -> memref<640x128xf32, #tpu.memory_space<hbm>>
      %dma_start3A_19 = arith.constant 0 : i32
      %dma_start3A_20 = tpu.memref_slice %arg9[%mul3A_2, %dma_start3A_19] : memref<10240x128xf32, #tpu.memory_space<vmem_shared>> -> memref<640x128xf32, #tpu.memory_space<vmem_shared>>
      tpu.enqueue_dma source(%dma_start3A_20 : memref<640x128xf32, #tpu.memory_space<vmem_shared>>) target(%dma_start3A_18 : memref<640x128xf32, #tpu.memory_space<hbm>>) target_semaphore(%run_scoped3A : memref<!tpu.dma_semaphore, #tpu.memory_space<semaphore_mem>>)
      %dma_wait3A_21 = arith.constant 0 : i32
      %dma_wait3A_22 = tpu.memref_slice %arg5[%arg0, %mul3A_2, %dma_wait3A_21] : memref<2x10240x128xf32, #tpu.memory_space<hbm>> -> memref<1x640x128xf32, #tpu.memory_space<hbm>>
      %dma_wait3A_23 = tpu.memref_squeeze %dma_wait3A_22 : memref<1x640x128xf32, #tpu.memory_space<hbm>> -> memref<640x128xf32, #tpu.memory_space<hbm>>
      %dma_wait3A_24 = arith.constant 0 : i32
      %dma_wait3A_25 = tpu.memref_slice %arg9[%mul3A_2, %dma_wait3A_24] : memref<10240x128xf32, #tpu.memory_space<vmem_shared>> -> memref<640x128xf32, #tpu.memory_space<vmem_shared>>
      tpu.wait_dma2 semaphore(%run_scoped3A : memref<!tpu.dma_semaphore, #tpu.memory_space<semaphore_mem>>) src(%dma_wait3A_25 : memref<640x128xf32, #tpu.memory_space<vmem_shared>>) dst(%dma_wait3A_23 : memref<640x128xf32, #tpu.memory_space<hbm>>)
      tpu.yield
    }) : () -> ()
    return
  }
}

#map = affine_map<(d0, d1) -> (0, 0)>
#map1 = affine_map<(d0, d1) -> (0, 0, 0)>
module attributes {stable_mosaic.version = 14 : i64} {
  func.func @agg_kernel(%arg0: i32, %arg1: i32, %arg2: memref<10240x128xf32, #tpu.memory_space<hbm>>, %arg3: memref<32x160x128xi32, #tpu.memory_space<hbm>>, %arg4: memref<10240x128xf32, #tpu.memory_space<hbm>>, %arg5: memref<2x10240x128xf32, #tpu.memory_space<hbm>>, %arg6: memref<16x128xi32, #tpu.memory_space<vmem>>, %arg7: memref<128x128xf32, #tpu.memory_space<vmem>>, %arg8: memref<128x128xf32, #tpu.memory_space<vmem>>, %arg9: memref<10240x128xf32, #tpu.memory_space<vmem_shared>>, %arg10: memref<!tpu.dma_semaphore, #tpu.memory_space<semaphore_mem>>, %arg11: memref<!tpu.dma_semaphore, #tpu.memory_space<semaphore_mem>>, %arg12: memref<!tpu.dma_semaphore, #tpu.memory_space<semaphore_mem>>, %arg13: memref<!tpu.dma_semaphore, #tpu.memory_space<semaphore_mem>>, %arg14: memref<!tpu.dma_semaphore, #tpu.memory_space<semaphore_mem>>) attributes {dimension_semantics = [#tpu.dimension_semantics<core_parallel>, #tpu.dimension_semantics<subcore_parallel>], iteration_bounds = array<i64: 2, 16>, scalar_prefetch = 0 : i64, scratch_operands = 9 : i64, tpu.core_type = #tpu.core_type<sc_vector_subcore>, window_params = [{transform_indices = #map}, {transform_indices = #map1}, {transform_indices = #map}, {transform_indices = #map1}]} {
    %mul3A = arith.constant 2 : i32
    %mul3A_0 = arith.muli %arg1, %mul3A : i32
    %add3A = arith.addi %mul3A_0, %arg0 : i32
    %mul3A_1 = arith.constant 640 : i32
    %mul3A_2 = arith.muli %arg1, %mul3A_1 : i32
    %dma_start3A = arith.constant 0 : i32
    %dma_start3A_3 = tpu.memref_slice %arg9[%mul3A_2, %dma_start3A] : memref<10240x128xf32, #tpu.memory_space<vmem_shared>> -> memref<640x128xf32, #tpu.memory_space<vmem_shared>>
    %dma_start3A_4 = arith.constant 0 : i32
    %dma_start3A_5 = tpu.memref_slice %arg4[%mul3A_2, %dma_start3A_4] : memref<10240x128xf32, #tpu.memory_space<hbm>> -> memref<640x128xf32, #tpu.memory_space<hbm>>
    tpu.enqueue_dma source(%dma_start3A_5 : memref<640x128xf32, #tpu.memory_space<hbm>>) target(%dma_start3A_3 : memref<640x128xf32, #tpu.memory_space<vmem_shared>>) target_semaphore(%arg14 : memref<!tpu.dma_semaphore, #tpu.memory_space<semaphore_mem>>)
    %scan3A = arith.constant 0 : i32
    %scan3A_6 = arith.constant 10 : i32
    %scan3A_7 = arith.addi %scan3A, %scan3A_6 : i32
    %scan3A_8 = arith.constant 1 : i32
    scf.for %scan3A_16 = %scan3A to %scan3A_7 step %scan3A_8  : i32 {
      %mul3A_17 = arith.constant 1 : i32
      %mul3A_18 = arith.muli %scan3A_16, %mul3A_17 : i32
      %add3A_19 = arith.constant 0 : i32
      %add3A_20 = arith.addi %add3A_19, %mul3A_18 : i32
      %mul3A_21 = arith.constant 2 : i32
      %mul3A_22 = arith.muli %mul3A_21, %add3A_20 : i32
      %mul3A_23 = arith.constant 8 : i32
      %mul3A_24 = arith.muli %mul3A_22, %mul3A_23 : i32
      %multiple_of3A = tpu.assume_multiple %mul3A_24, 16 : i32
      "tpu.region"() ({
        %run_scoped3A = tpu.sem_alloc : memref<!tpu.dma_semaphore, #tpu.memory_space<semaphore_mem>>
        %dma_start3A_248 = arith.constant 0 : i32
        %dma_start3A_249 = tpu.memref_slice %arg3[%add3A, %multiple_of3A, %dma_start3A_248] : memref<32x160x128xi32, #tpu.memory_space<hbm>> -> memref<1x16x128xi32, #tpu.memory_space<hbm>>
        %dma_start3A_250 = tpu.memref_squeeze %dma_start3A_249 : memref<1x16x128xi32, #tpu.memory_space<hbm>> -> memref<16x128xi32, #tpu.memory_space<hbm>>
        %dma_start3A_251 = arith.constant 0 : i32
        %dma_start3A_252 = tpu.memref_slice %arg3[%add3A, %multiple_of3A, %dma_start3A_251] : memref<32x160x128xi32, #tpu.memory_space<hbm>> -> memref<1x16x128xi32, #tpu.memory_space<hbm>>
        %dma_start3A_253 = tpu.memref_squeeze %dma_start3A_252 : memref<1x16x128xi32, #tpu.memory_space<hbm>> -> memref<16x128xi32, #tpu.memory_space<hbm>>
        tpu.enqueue_dma source(%dma_start3A_253 : memref<16x128xi32, #tpu.memory_space<hbm>>) target(%arg6 : memref<16x128xi32, #tpu.memory_space<vmem>>) target_semaphore(%run_scoped3A : memref<!tpu.dma_semaphore, #tpu.memory_space<semaphore_mem>>)
        %dma_wait3A_254 = arith.constant 0 : i32
        %dma_wait3A_255 = tpu.memref_slice %arg3[%add3A, %multiple_of3A, %dma_wait3A_254] : memref<32x160x128xi32, #tpu.memory_space<hbm>> -> memref<1x16x128xi32, #tpu.memory_space<hbm>>
        %dma_wait3A_256 = tpu.memref_squeeze %dma_wait3A_255 : memref<1x16x128xi32, #tpu.memory_space<hbm>> -> memref<16x128xi32, #tpu.memory_space<hbm>>
        %dma_wait3A_257 = arith.constant 0 : i32
        %dma_wait3A_258 = tpu.memref_slice %arg3[%add3A, %multiple_of3A, %dma_wait3A_257] : memref<32x160x128xi32, #tpu.memory_space<hbm>> -> memref<1x16x128xi32, #tpu.memory_space<hbm>>
        %dma_wait3A_259 = tpu.memref_squeeze %dma_wait3A_258 : memref<1x16x128xi32, #tpu.memory_space<hbm>> -> memref<16x128xi32, #tpu.memory_space<hbm>>
        tpu.wait_dma2 semaphore(%run_scoped3A : memref<!tpu.dma_semaphore, #tpu.memory_space<semaphore_mem>>) src(%dma_wait3A_259 : memref<16x128xi32, #tpu.memory_space<hbm>>) dst(%arg6 : memref<16x128xi32, #tpu.memory_space<vmem>>)
        tpu.yield
      }) : () -> ()
      %dma_start3A_25 = arith.constant 0 : i32
      %dma_start3A_26 = arith.constant 0 : i32
      %dma_start3A_27 = tpu.memref_slice %arg6[%dma_start3A_25, %dma_start3A_26] : memref<16x128xi32, #tpu.memory_space<vmem>> -> memref<1x128xi32, #tpu.memory_space<vmem>>
      %dma_start3A_28 = tpu.memref_squeeze %dma_start3A_27 : memref<1x128xi32, #tpu.memory_space<vmem>> -> memref<128xi32, #tpu.memory_space<vmem>>
      %dma_start3A_29 = arith.constant 0 : i32
      %dma_start3A_30 = arith.constant 0 : i32
      %dma_start3A_31 = tpu.memref_slice %arg2[%dma_start3A_29, %dma_start3A_30] : memref<10240x128xf32, #tpu.memory_space<hbm>> -> memref<10240x128xf32, #tpu.memory_space<hbm>>
      tpu.enqueue_indirect_dma source(%dma_start3A_31 : memref<10240x128xf32, #tpu.memory_space<hbm>>) target(%arg7 : memref<128x128xf32, #tpu.memory_space<vmem>>) offsets(%dma_start3A_28 : memref<128xi32, #tpu.memory_space<vmem>>) semaphore(%arg10 : memref<!tpu.dma_semaphore, #tpu.memory_space<semaphore_mem>>)
      %eq3A = arith.constant 0 : i32
      %eq3A_32 = arith.cmpi eq, %add3A_20, %eq3A : i32
      %convert_element_type3A = arith.extui %eq3A_32 : i1 to i32
      %cond3A = arith.constant 0 : i32
      %cond3A_33 = arith.cmpi ne, %convert_element_type3A, %cond3A : i32
      scf.if %cond3A_33 {
        %dma_wait3A_248 = arith.constant 0 : i32
        %dma_wait3A_249 = tpu.memref_slice %arg9[%mul3A_2, %dma_wait3A_248] : memref<10240x128xf32, #tpu.memory_space<vmem_shared>> -> memref<640x128xf32, #tpu.memory_space<vmem_shared>>
        %dma_wait3A_250 = arith.constant 0 : i32
        %dma_wait3A_251 = tpu.memref_slice %arg4[%mul3A_2, %dma_wait3A_250] : memref<10240x128xf32, #tpu.memory_space<hbm>> -> memref<640x128xf32, #tpu.memory_space<hbm>>
        tpu.wait_dma2 semaphore(%arg14 : memref<!tpu.dma_semaphore, #tpu.memory_space<semaphore_mem>>) src(%dma_wait3A_251 : memref<640x128xf32, #tpu.memory_space<hbm>>) dst(%dma_wait3A_249 : memref<640x128xf32, #tpu.memory_space<vmem_shared>>)
        %barrier3A_252 = arith.constant 0 : index
        tpu.barrier barrier_id(%barrier3A_252)
      } else {
      }
      %gt3A = arith.constant 0 : i32
      %gt3A_34 = arith.cmpi sgt, %add3A_20, %gt3A : i32
      %convert_element_type3A_35 = arith.extui %gt3A_34 : i1 to i32
      %cond3A_36 = arith.constant 0 : i32
      %cond3A_37 = arith.cmpi ne, %convert_element_type3A_35, %cond3A_36 : i32
      scf.if %cond3A_37 {
        %dma_wait3A_248 = arith.constant 15 : i32
        %dma_wait3A_249 = arith.constant 0 : i32
        %dma_wait3A_250 = tpu.memref_slice %arg6[%dma_wait3A_248, %dma_wait3A_249] : memref<16x128xi32, #tpu.memory_space<vmem>> -> memref<1x128xi32, #tpu.memory_space<vmem>>
        %dma_wait3A_251 = tpu.memref_squeeze %dma_wait3A_250 : memref<1x128xi32, #tpu.memory_space<vmem>> -> memref<128xi32, #tpu.memory_space<vmem>>
        %dma_wait3A_252 = arith.constant 0 : i32
        %dma_wait3A_253 = arith.constant 0 : i32
        %dma_wait3A_254 = tpu.memref_slice %arg9[%dma_wait3A_252, %dma_wait3A_253] : memref<10240x128xf32, #tpu.memory_space<vmem_shared>> -> memref<10240x128xf32, #tpu.memory_space<vmem_shared>>
        tpu.wait_indirect_dma semaphore(%arg13 : memref<!tpu.dma_semaphore, #tpu.memory_space<semaphore_mem>>) src(%arg8 : memref<128x128xf32, #tpu.memory_space<vmem>>) dst(%dma_wait3A_254 : memref<10240x128xf32, #tpu.memory_space<vmem_shared>>)
      } else {
      }
      %dma_wait3A_38 = arith.constant 0 : i32
      %dma_wait3A_39 = arith.constant 0 : i32
      %dma_wait3A_40 = tpu.memref_slice %arg6[%dma_wait3A_38, %dma_wait3A_39] : memref<16x128xi32, #tpu.memory_space<vmem>> -> memref<1x128xi32, #tpu.memory_space<vmem>>
      %dma_wait3A_41 = tpu.memref_squeeze %dma_wait3A_40 : memref<1x128xi32, #tpu.memory_space<vmem>> -> memref<128xi32, #tpu.memory_space<vmem>>
      %dma_wait3A_42 = arith.constant 0 : i32
      %dma_wait3A_43 = arith.constant 0 : i32
      %dma_wait3A_44 = tpu.memref_slice %arg2[%dma_wait3A_42, %dma_wait3A_43] : memref<10240x128xf32, #tpu.memory_space<hbm>> -> memref<10240x128xf32, #tpu.memory_space<hbm>>
      tpu.wait_indirect_dma semaphore(%arg10 : memref<!tpu.dma_semaphore, #tpu.memory_space<semaphore_mem>>) src(%dma_wait3A_44 : memref<10240x128xf32, #tpu.memory_space<hbm>>) dst(%arg7 : memref<128x128xf32, #tpu.memory_space<vmem>>)
      %dma_start3A_45 = arith.constant 1 : i32
      %dma_start3A_46 = arith.constant 0 : i32
      %dma_start3A_47 = tpu.memref_slice %arg6[%dma_start3A_45, %dma_start3A_46] : memref<16x128xi32, #tpu.memory_space<vmem>> -> memref<1x128xi32, #tpu.memory_space<vmem>>
      %dma_start3A_48 = tpu.memref_squeeze %dma_start3A_47 : memref<1x128xi32, #tpu.memory_space<vmem>> -> memref<128xi32, #tpu.memory_space<vmem>>
      %dma_start3A_49 = arith.constant 0 : i32
      %dma_start3A_50 = arith.constant 0 : i32
      %dma_start3A_51 = tpu.memref_slice %arg9[%dma_start3A_49, %dma_start3A_50] : memref<10240x128xf32, #tpu.memory_space<vmem_shared>> -> memref<10240x128xf32, #tpu.memory_space<vmem_shared>>
      tpu.enqueue_indirect_dma source(%arg7 : memref<128x128xf32, #tpu.memory_space<vmem>>) target(%dma_start3A_51 : memref<10240x128xf32, #tpu.memory_space<vmem_shared>>) offsets(%dma_start3A_48 : memref<128xi32, #tpu.memory_space<vmem>>) semaphore(%arg12 : memref<!tpu.dma_semaphore, #tpu.memory_space<semaphore_mem>>) {add = true}
      %dma_start3A_52 = arith.constant 2 : i32
      %dma_start3A_53 = arith.constant 0 : i32
      %dma_start3A_54 = tpu.memref_slice %arg6[%dma_start3A_52, %dma_start3A_53] : memref<16x128xi32, #tpu.memory_space<vmem>> -> memref<1x128xi32, #tpu.memory_space<vmem>>
      %dma_start3A_55 = tpu.memref_squeeze %dma_start3A_54 : memref<1x128xi32, #tpu.memory_space<vmem>> -> memref<128xi32, #tpu.memory_space<vmem>>
      %dma_start3A_56 = arith.constant 0 : i32
      %dma_start3A_57 = arith.constant 0 : i32
      %dma_start3A_58 = tpu.memref_slice %arg2[%dma_start3A_56, %dma_start3A_57] : memref<10240x128xf32, #tpu.memory_space<hbm>> -> memref<10240x128xf32, #tpu.memory_space<hbm>>
      tpu.enqueue_indirect_dma source(%dma_start3A_58 : memref<10240x128xf32, #tpu.memory_space<hbm>>) target(%arg8 : memref<128x128xf32, #tpu.memory_space<vmem>>) offsets(%dma_start3A_55 : memref<128xi32, #tpu.memory_space<vmem>>) semaphore(%arg11 : memref<!tpu.dma_semaphore, #tpu.memory_space<semaphore_mem>>)
      %dma_wait3A_59 = arith.constant 2 : i32
      %dma_wait3A_60 = arith.constant 0 : i32
      %dma_wait3A_61 = tpu.memref_slice %arg6[%dma_wait3A_59, %dma_wait3A_60] : memref<16x128xi32, #tpu.memory_space<vmem>> -> memref<1x128xi32, #tpu.memory_space<vmem>>
      %dma_wait3A_62 = tpu.memref_squeeze %dma_wait3A_61 : memref<1x128xi32, #tpu.memory_space<vmem>> -> memref<128xi32, #tpu.memory_space<vmem>>
      %dma_wait3A_63 = arith.constant 0 : i32
      %dma_wait3A_64 = arith.constant 0 : i32
      %dma_wait3A_65 = tpu.memref_slice %arg2[%dma_wait3A_63, %dma_wait3A_64] : memref<10240x128xf32, #tpu.memory_space<hbm>> -> memref<10240x128xf32, #tpu.memory_space<hbm>>
      tpu.wait_indirect_dma semaphore(%arg11 : memref<!tpu.dma_semaphore, #tpu.memory_space<semaphore_mem>>) src(%dma_wait3A_65 : memref<10240x128xf32, #tpu.memory_space<hbm>>) dst(%arg8 : memref<128x128xf32, #tpu.memory_space<vmem>>)
      %dma_start3A_66 = arith.constant 3 : i32
      %dma_start3A_67 = arith.constant 0 : i32
      %dma_start3A_68 = tpu.memref_slice %arg6[%dma_start3A_66, %dma_start3A_67] : memref<16x128xi32, #tpu.memory_space<vmem>> -> memref<1x128xi32, #tpu.memory_space<vmem>>
      %dma_start3A_69 = tpu.memref_squeeze %dma_start3A_68 : memref<1x128xi32, #tpu.memory_space<vmem>> -> memref<128xi32, #tpu.memory_space<vmem>>
      %dma_start3A_70 = arith.constant 0 : i32
      %dma_start3A_71 = arith.constant 0 : i32
      %dma_start3A_72 = tpu.memref_slice %arg9[%dma_start3A_70, %dma_start3A_71] : memref<10240x128xf32, #tpu.memory_space<vmem_shared>> -> memref<10240x128xf32, #tpu.memory_space<vmem_shared>>
      tpu.enqueue_indirect_dma source(%arg8 : memref<128x128xf32, #tpu.memory_space<vmem>>) target(%dma_start3A_72 : memref<10240x128xf32, #tpu.memory_space<vmem_shared>>) offsets(%dma_start3A_69 : memref<128xi32, #tpu.memory_space<vmem>>) semaphore(%arg13 : memref<!tpu.dma_semaphore, #tpu.memory_space<semaphore_mem>>) {add = true}
      %dma_wait3A_73 = arith.constant 1 : i32
      %dma_wait3A_74 = arith.constant 0 : i32
      %dma_wait3A_75 = tpu.memref_slice %arg6[%dma_wait3A_73, %dma_wait3A_74] : memref<16x128xi32, #tpu.memory_space<vmem>> -> memref<1x128xi32, #tpu.memory_space<vmem>>
      %dma_wait3A_76 = tpu.memref_squeeze %dma_wait3A_75 : memref<1x128xi32, #tpu.memory_space<vmem>> -> memref<128xi32, #tpu.memory_space<vmem>>
      %dma_wait3A_77 = arith.constant 0 : i32
      %dma_wait3A_78 = arith.constant 0 : i32
      %dma_wait3A_79 = tpu.memref_slice %arg9[%dma_wait3A_77, %dma_wait3A_78] : memref<10240x128xf32, #tpu.memory_space<vmem_shared>> -> memref<10240x128xf32, #tpu.memory_space<vmem_shared>>
      tpu.wait_indirect_dma semaphore(%arg12 : memref<!tpu.dma_semaphore, #tpu.memory_space<semaphore_mem>>) src(%arg7 : memref<128x128xf32, #tpu.memory_space<vmem>>) dst(%dma_wait3A_79 : memref<10240x128xf32, #tpu.memory_space<vmem_shared>>)
      %dma_start3A_80 = arith.constant 4 : i32
      %dma_start3A_81 = arith.constant 0 : i32
      %dma_start3A_82 = tpu.memref_slice %arg6[%dma_start3A_80, %dma_start3A_81] : memref<16x128xi32, #tpu.memory_space<vmem>> -> memref<1x128xi32, #tpu.memory_space<vmem>>
      %dma_start3A_83 = tpu.memref_squeeze %dma_start3A_82 : memref<1x128xi32, #tpu.memory_space<vmem>> -> memref<128xi32, #tpu.memory_space<vmem>>
      %dma_start3A_84 = arith.constant 0 : i32
      %dma_start3A_85 = arith.constant 0 : i32
      %dma_start3A_86 = tpu.memref_slice %arg2[%dma_start3A_84, %dma_start3A_85] : memref<10240x128xf32, #tpu.memory_space<hbm>> -> memref<10240x128xf32, #tpu.memory_space<hbm>>
      tpu.enqueue_indirect_dma source(%dma_start3A_86 : memref<10240x128xf32, #tpu.memory_space<hbm>>) target(%arg7 : memref<128x128xf32, #tpu.memory_space<vmem>>) offsets(%dma_start3A_83 : memref<128xi32, #tpu.memory_space<vmem>>) semaphore(%arg10 : memref<!tpu.dma_semaphore, #tpu.memory_space<semaphore_mem>>)
      %dma_wait3A_87 = arith.constant 4 : i32
      %dma_wait3A_88 = arith.constant 0 : i32
      %dma_wait3A_89 = tpu.memref_slice %arg6[%dma_wait3A_87, %dma_wait3A_88] : memref<16x128xi32, #tpu.memory_space<vmem>> -> memref<1x128xi32, #tpu.memory_space<vmem>>
      %dma_wait3A_90 = tpu.memref_squeeze %dma_wait3A_89 : memref<1x128xi32, #tpu.memory_space<vmem>> -> memref<128xi32, #tpu.memory_space<vmem>>
      %dma_wait3A_91 = arith.constant 0 : i32
      %dma_wait3A_92 = arith.constant 0 : i32
      %dma_wait3A_93 = tpu.memref_slice %arg2[%dma_wait3A_91, %dma_wait3A_92] : memref<10240x128xf32, #tpu.memory_space<hbm>> -> memref<10240x128xf32, #tpu.memory_space<hbm>>
      tpu.wait_indirect_dma semaphore(%arg10 : memref<!tpu.dma_semaphore, #tpu.memory_space<semaphore_mem>>) src(%dma_wait3A_93 : memref<10240x128xf32, #tpu.memory_space<hbm>>) dst(%arg7 : memref<128x128xf32, #tpu.memory_space<vmem>>)
      %dma_start3A_94 = arith.constant 5 : i32
      %dma_start3A_95 = arith.constant 0 : i32
      %dma_start3A_96 = tpu.memref_slice %arg6[%dma_start3A_94, %dma_start3A_95] : memref<16x128xi32, #tpu.memory_space<vmem>> -> memref<1x128xi32, #tpu.memory_space<vmem>>
      %dma_start3A_97 = tpu.memref_squeeze %dma_start3A_96 : memref<1x128xi32, #tpu.memory_space<vmem>> -> memref<128xi32, #tpu.memory_space<vmem>>
      %dma_start3A_98 = arith.constant 0 : i32
      %dma_start3A_99 = arith.constant 0 : i32
      %dma_start3A_100 = tpu.memref_slice %arg9[%dma_start3A_98, %dma_start3A_99] : memref<10240x128xf32, #tpu.memory_space<vmem_shared>> -> memref<10240x128xf32, #tpu.memory_space<vmem_shared>>
      tpu.enqueue_indirect_dma source(%arg7 : memref<128x128xf32, #tpu.memory_space<vmem>>) target(%dma_start3A_100 : memref<10240x128xf32, #tpu.memory_space<vmem_shared>>) offsets(%dma_start3A_97 : memref<128xi32, #tpu.memory_space<vmem>>) semaphore(%arg12 : memref<!tpu.dma_semaphore, #tpu.memory_space<semaphore_mem>>) {add = true}
      %dma_wait3A_101 = arith.constant 3 : i32
      %dma_wait3A_102 = arith.constant 0 : i32
      %dma_wait3A_103 = tpu.memref_slice %arg6[%dma_wait3A_101, %dma_wait3A_102] : memref<16x128xi32, #tpu.memory_space<vmem>> -> memref<1x128xi32, #tpu.memory_space<vmem>>
      %dma_wait3A_104 = tpu.memref_squeeze %dma_wait3A_103 : memref<1x128xi32, #tpu.memory_space<vmem>> -> memref<128xi32, #tpu.memory_space<vmem>>
      %dma_wait3A_105 = arith.constant 0 : i32
      %dma_wait3A_106 = arith.constant 0 : i32
      %dma_wait3A_107 = tpu.memref_slice %arg9[%dma_wait3A_105, %dma_wait3A_106] : memref<10240x128xf32, #tpu.memory_space<vmem_shared>> -> memref<10240x128xf32, #tpu.memory_space<vmem_shared>>
      tpu.wait_indirect_dma semaphore(%arg13 : memref<!tpu.dma_semaphore, #tpu.memory_space<semaphore_mem>>) src(%arg8 : memref<128x128xf32, #tpu.memory_space<vmem>>) dst(%dma_wait3A_107 : memref<10240x128xf32, #tpu.memory_space<vmem_shared>>)
      %dma_start3A_108 = arith.constant 6 : i32
      %dma_start3A_109 = arith.constant 0 : i32
      %dma_start3A_110 = tpu.memref_slice %arg6[%dma_start3A_108, %dma_start3A_109] : memref<16x128xi32, #tpu.memory_space<vmem>> -> memref<1x128xi32, #tpu.memory_space<vmem>>
      %dma_start3A_111 = tpu.memref_squeeze %dma_start3A_110 : memref<1x128xi32, #tpu.memory_space<vmem>> -> memref<128xi32, #tpu.memory_space<vmem>>
      %dma_start3A_112 = arith.constant 0 : i32
      %dma_start3A_113 = arith.constant 0 : i32
      %dma_start3A_114 = tpu.memref_slice %arg2[%dma_start3A_112, %dma_start3A_113] : memref<10240x128xf32, #tpu.memory_space<hbm>> -> memref<10240x128xf32, #tpu.memory_space<hbm>>
      tpu.enqueue_indirect_dma source(%dma_start3A_114 : memref<10240x128xf32, #tpu.memory_space<hbm>>) target(%arg8 : memref<128x128xf32, #tpu.memory_space<vmem>>) offsets(%dma_start3A_111 : memref<128xi32, #tpu.memory_space<vmem>>) semaphore(%arg11 : memref<!tpu.dma_semaphore, #tpu.memory_space<semaphore_mem>>)
      %dma_wait3A_115 = arith.constant 6 : i32
      %dma_wait3A_116 = arith.constant 0 : i32
      %dma_wait3A_117 = tpu.memref_slice %arg6[%dma_wait3A_115, %dma_wait3A_116] : memref<16x128xi32, #tpu.memory_space<vmem>> -> memref<1x128xi32, #tpu.memory_space<vmem>>
      %dma_wait3A_118 = tpu.memref_squeeze %dma_wait3A_117 : memref<1x128xi32, #tpu.memory_space<vmem>> -> memref<128xi32, #tpu.memory_space<vmem>>
      %dma_wait3A_119 = arith.constant 0 : i32
      %dma_wait3A_120 = arith.constant 0 : i32
      %dma_wait3A_121 = tpu.memref_slice %arg2[%dma_wait3A_119, %dma_wait3A_120] : memref<10240x128xf32, #tpu.memory_space<hbm>> -> memref<10240x128xf32, #tpu.memory_space<hbm>>
      tpu.wait_indirect_dma semaphore(%arg11 : memref<!tpu.dma_semaphore, #tpu.memory_space<semaphore_mem>>) src(%dma_wait3A_121 : memref<10240x128xf32, #tpu.memory_space<hbm>>) dst(%arg8 : memref<128x128xf32, #tpu.memory_space<vmem>>)
      %dma_start3A_122 = arith.constant 7 : i32
      %dma_start3A_123 = arith.constant 0 : i32
      %dma_start3A_124 = tpu.memref_slice %arg6[%dma_start3A_122, %dma_start3A_123] : memref<16x128xi32, #tpu.memory_space<vmem>> -> memref<1x128xi32, #tpu.memory_space<vmem>>
      %dma_start3A_125 = tpu.memref_squeeze %dma_start3A_124 : memref<1x128xi32, #tpu.memory_space<vmem>> -> memref<128xi32, #tpu.memory_space<vmem>>
      %dma_start3A_126 = arith.constant 0 : i32
      %dma_start3A_127 = arith.constant 0 : i32
      %dma_start3A_128 = tpu.memref_slice %arg9[%dma_start3A_126, %dma_start3A_127] : memref<10240x128xf32, #tpu.memory_space<vmem_shared>> -> memref<10240x128xf32, #tpu.memory_space<vmem_shared>>
      tpu.enqueue_indirect_dma source(%arg8 : memref<128x128xf32, #tpu.memory_space<vmem>>) target(%dma_start3A_128 : memref<10240x128xf32, #tpu.memory_space<vmem_shared>>) offsets(%dma_start3A_125 : memref<128xi32, #tpu.memory_space<vmem>>) semaphore(%arg13 : memref<!tpu.dma_semaphore, #tpu.memory_space<semaphore_mem>>) {add = true}
      %dma_wait3A_129 = arith.constant 5 : i32
      %dma_wait3A_130 = arith.constant 0 : i32
      %dma_wait3A_131 = tpu.memref_slice %arg6[%dma_wait3A_129, %dma_wait3A_130] : memref<16x128xi32, #tpu.memory_space<vmem>> -> memref<1x128xi32, #tpu.memory_space<vmem>>
      %dma_wait3A_132 = tpu.memref_squeeze %dma_wait3A_131 : memref<1x128xi32, #tpu.memory_space<vmem>> -> memref<128xi32, #tpu.memory_space<vmem>>
      %dma_wait3A_133 = arith.constant 0 : i32
      %dma_wait3A_134 = arith.constant 0 : i32
      %dma_wait3A_135 = tpu.memref_slice %arg9[%dma_wait3A_133, %dma_wait3A_134] : memref<10240x128xf32, #tpu.memory_space<vmem_shared>> -> memref<10240x128xf32, #tpu.memory_space<vmem_shared>>
      tpu.wait_indirect_dma semaphore(%arg12 : memref<!tpu.dma_semaphore, #tpu.memory_space<semaphore_mem>>) src(%arg7 : memref<128x128xf32, #tpu.memory_space<vmem>>) dst(%dma_wait3A_135 : memref<10240x128xf32, #tpu.memory_space<vmem_shared>>)
      %dma_start3A_136 = arith.constant 8 : i32
      %dma_start3A_137 = arith.constant 0 : i32
      %dma_start3A_138 = tpu.memref_slice %arg6[%dma_start3A_136, %dma_start3A_137] : memref<16x128xi32, #tpu.memory_space<vmem>> -> memref<1x128xi32, #tpu.memory_space<vmem>>
      %dma_start3A_139 = tpu.memref_squeeze %dma_start3A_138 : memref<1x128xi32, #tpu.memory_space<vmem>> -> memref<128xi32, #tpu.memory_space<vmem>>
      %dma_start3A_140 = arith.constant 0 : i32
      %dma_start3A_141 = arith.constant 0 : i32
      %dma_start3A_142 = tpu.memref_slice %arg2[%dma_start3A_140, %dma_start3A_141] : memref<10240x128xf32, #tpu.memory_space<hbm>> -> memref<10240x128xf32, #tpu.memory_space<hbm>>
      tpu.enqueue_indirect_dma source(%dma_start3A_142 : memref<10240x128xf32, #tpu.memory_space<hbm>>) target(%arg7 : memref<128x128xf32, #tpu.memory_space<vmem>>) offsets(%dma_start3A_139 : memref<128xi32, #tpu.memory_space<vmem>>) semaphore(%arg10 : memref<!tpu.dma_semaphore, #tpu.memory_space<semaphore_mem>>)
      %dma_wait3A_143 = arith.constant 8 : i32
      %dma_wait3A_144 = arith.constant 0 : i32
      %dma_wait3A_145 = tpu.memref_slice %arg6[%dma_wait3A_143, %dma_wait3A_144] : memref<16x128xi32, #tpu.memory_space<vmem>> -> memref<1x128xi32, #tpu.memory_space<vmem>>
      %dma_wait3A_146 = tpu.memref_squeeze %dma_wait3A_145 : memref<1x128xi32, #tpu.memory_space<vmem>> -> memref<128xi32, #tpu.memory_space<vmem>>
      %dma_wait3A_147 = arith.constant 0 : i32
      %dma_wait3A_148 = arith.constant 0 : i32
      %dma_wait3A_149 = tpu.memref_slice %arg2[%dma_wait3A_147, %dma_wait3A_148] : memref<10240x128xf32, #tpu.memory_space<hbm>> -> memref<10240x128xf32, #tpu.memory_space<hbm>>
      tpu.wait_indirect_dma semaphore(%arg10 : memref<!tpu.dma_semaphore, #tpu.memory_space<semaphore_mem>>) src(%dma_wait3A_149 : memref<10240x128xf32, #tpu.memory_space<hbm>>) dst(%arg7 : memref<128x128xf32, #tpu.memory_space<vmem>>)
      %dma_start3A_150 = arith.constant 9 : i32
      %dma_start3A_151 = arith.constant 0 : i32
      %dma_start3A_152 = tpu.memref_slice %arg6[%dma_start3A_150, %dma_start3A_151] : memref<16x128xi32, #tpu.memory_space<vmem>> -> memref<1x128xi32, #tpu.memory_space<vmem>>
      %dma_start3A_153 = tpu.memref_squeeze %dma_start3A_152 : memref<1x128xi32, #tpu.memory_space<vmem>> -> memref<128xi32, #tpu.memory_space<vmem>>
      %dma_start3A_154 = arith.constant 0 : i32
      %dma_start3A_155 = arith.constant 0 : i32
      %dma_start3A_156 = tpu.memref_slice %arg9[%dma_start3A_154, %dma_start3A_155] : memref<10240x128xf32, #tpu.memory_space<vmem_shared>> -> memref<10240x128xf32, #tpu.memory_space<vmem_shared>>
      tpu.enqueue_indirect_dma source(%arg7 : memref<128x128xf32, #tpu.memory_space<vmem>>) target(%dma_start3A_156 : memref<10240x128xf32, #tpu.memory_space<vmem_shared>>) offsets(%dma_start3A_153 : memref<128xi32, #tpu.memory_space<vmem>>) semaphore(%arg12 : memref<!tpu.dma_semaphore, #tpu.memory_space<semaphore_mem>>) {add = true}
      %dma_wait3A_157 = arith.constant 7 : i32
      %dma_wait3A_158 = arith.constant 0 : i32
      %dma_wait3A_159 = tpu.memref_slice %arg6[%dma_wait3A_157, %dma_wait3A_158] : memref<16x128xi32, #tpu.memory_space<vmem>> -> memref<1x128xi32, #tpu.memory_space<vmem>>
      %dma_wait3A_160 = tpu.memref_squeeze %dma_wait3A_159 : memref<1x128xi32, #tpu.memory_space<vmem>> -> memref<128xi32, #tpu.memory_space<vmem>>
      %dma_wait3A_161 = arith.constant 0 : i32
      %dma_wait3A_162 = arith.constant 0 : i32
      %dma_wait3A_163 = tpu.memref_slice %arg9[%dma_wait3A_161, %dma_wait3A_162] : memref<10240x128xf32, #tpu.memory_space<vmem_shared>> -> memref<10240x128xf32, #tpu.memory_space<vmem_shared>>
      tpu.wait_indirect_dma semaphore(%arg13 : memref<!tpu.dma_semaphore, #tpu.memory_space<semaphore_mem>>) src(%arg8 : memref<128x128xf32, #tpu.memory_space<vmem>>) dst(%dma_wait3A_163 : memref<10240x128xf32, #tpu.memory_space<vmem_shared>>)
      %dma_start3A_164 = arith.constant 10 : i32
      %dma_start3A_165 = arith.constant 0 : i32
      %dma_start3A_166 = tpu.memref_slice %arg6[%dma_start3A_164, %dma_start3A_165] : memref<16x128xi32, #tpu.memory_space<vmem>> -> memref<1x128xi32, #tpu.memory_space<vmem>>
      %dma_start3A_167 = tpu.memref_squeeze %dma_start3A_166 : memref<1x128xi32, #tpu.memory_space<vmem>> -> memref<128xi32, #tpu.memory_space<vmem>>
      %dma_start3A_168 = arith.constant 0 : i32
      %dma_start3A_169 = arith.constant 0 : i32
      %dma_start3A_170 = tpu.memref_slice %arg2[%dma_start3A_168, %dma_start3A_169] : memref<10240x128xf32, #tpu.memory_space<hbm>> -> memref<10240x128xf32, #tpu.memory_space<hbm>>
      tpu.enqueue_indirect_dma source(%dma_start3A_170 : memref<10240x128xf32, #tpu.memory_space<hbm>>) target(%arg8 : memref<128x128xf32, #tpu.memory_space<vmem>>) offsets(%dma_start3A_167 : memref<128xi32, #tpu.memory_space<vmem>>) semaphore(%arg11 : memref<!tpu.dma_semaphore, #tpu.memory_space<semaphore_mem>>)
      %dma_wait3A_171 = arith.constant 10 : i32
      %dma_wait3A_172 = arith.constant 0 : i32
      %dma_wait3A_173 = tpu.memref_slice %arg6[%dma_wait3A_171, %dma_wait3A_172] : memref<16x128xi32, #tpu.memory_space<vmem>> -> memref<1x128xi32, #tpu.memory_space<vmem>>
      %dma_wait3A_174 = tpu.memref_squeeze %dma_wait3A_173 : memref<1x128xi32, #tpu.memory_space<vmem>> -> memref<128xi32, #tpu.memory_space<vmem>>
      %dma_wait3A_175 = arith.constant 0 : i32
      %dma_wait3A_176 = arith.constant 0 : i32
      %dma_wait3A_177 = tpu.memref_slice %arg2[%dma_wait3A_175, %dma_wait3A_176] : memref<10240x128xf32, #tpu.memory_space<hbm>> -> memref<10240x128xf32, #tpu.memory_space<hbm>>
      tpu.wait_indirect_dma semaphore(%arg11 : memref<!tpu.dma_semaphore, #tpu.memory_space<semaphore_mem>>) src(%dma_wait3A_177 : memref<10240x128xf32, #tpu.memory_space<hbm>>) dst(%arg8 : memref<128x128xf32, #tpu.memory_space<vmem>>)
      %dma_start3A_178 = arith.constant 11 : i32
      %dma_start3A_179 = arith.constant 0 : i32
      %dma_start3A_180 = tpu.memref_slice %arg6[%dma_start3A_178, %dma_start3A_179] : memref<16x128xi32, #tpu.memory_space<vmem>> -> memref<1x128xi32, #tpu.memory_space<vmem>>
      %dma_start3A_181 = tpu.memref_squeeze %dma_start3A_180 : memref<1x128xi32, #tpu.memory_space<vmem>> -> memref<128xi32, #tpu.memory_space<vmem>>
      %dma_start3A_182 = arith.constant 0 : i32
      %dma_start3A_183 = arith.constant 0 : i32
      %dma_start3A_184 = tpu.memref_slice %arg9[%dma_start3A_182, %dma_start3A_183] : memref<10240x128xf32, #tpu.memory_space<vmem_shared>> -> memref<10240x128xf32, #tpu.memory_space<vmem_shared>>
      tpu.enqueue_indirect_dma source(%arg8 : memref<128x128xf32, #tpu.memory_space<vmem>>) target(%dma_start3A_184 : memref<10240x128xf32, #tpu.memory_space<vmem_shared>>) offsets(%dma_start3A_181 : memref<128xi32, #tpu.memory_space<vmem>>) semaphore(%arg13 : memref<!tpu.dma_semaphore, #tpu.memory_space<semaphore_mem>>) {add = true}
      %dma_wait3A_185 = arith.constant 9 : i32
      %dma_wait3A_186 = arith.constant 0 : i32
      %dma_wait3A_187 = tpu.memref_slice %arg6[%dma_wait3A_185, %dma_wait3A_186] : memref<16x128xi32, #tpu.memory_space<vmem>> -> memref<1x128xi32, #tpu.memory_space<vmem>>
      %dma_wait3A_188 = tpu.memref_squeeze %dma_wait3A_187 : memref<1x128xi32, #tpu.memory_space<vmem>> -> memref<128xi32, #tpu.memory_space<vmem>>
      %dma_wait3A_189 = arith.constant 0 : i32
      %dma_wait3A_190 = arith.constant 0 : i32
      %dma_wait3A_191 = tpu.memref_slice %arg9[%dma_wait3A_189, %dma_wait3A_190] : memref<10240x128xf32, #tpu.memory_space<vmem_shared>> -> memref<10240x128xf32, #tpu.memory_space<vmem_shared>>
      tpu.wait_indirect_dma semaphore(%arg12 : memref<!tpu.dma_semaphore, #tpu.memory_space<semaphore_mem>>) src(%arg7 : memref<128x128xf32, #tpu.memory_space<vmem>>) dst(%dma_wait3A_191 : memref<10240x128xf32, #tpu.memory_space<vmem_shared>>)
      %dma_start3A_192 = arith.constant 12 : i32
      %dma_start3A_193 = arith.constant 0 : i32
      %dma_start3A_194 = tpu.memref_slice %arg6[%dma_start3A_192, %dma_start3A_193] : memref<16x128xi32, #tpu.memory_space<vmem>> -> memref<1x128xi32, #tpu.memory_space<vmem>>
      %dma_start3A_195 = tpu.memref_squeeze %dma_start3A_194 : memref<1x128xi32, #tpu.memory_space<vmem>> -> memref<128xi32, #tpu.memory_space<vmem>>
      %dma_start3A_196 = arith.constant 0 : i32
      %dma_start3A_197 = arith.constant 0 : i32
      %dma_start3A_198 = tpu.memref_slice %arg2[%dma_start3A_196, %dma_start3A_197] : memref<10240x128xf32, #tpu.memory_space<hbm>> -> memref<10240x128xf32, #tpu.memory_space<hbm>>
      tpu.enqueue_indirect_dma source(%dma_start3A_198 : memref<10240x128xf32, #tpu.memory_space<hbm>>) target(%arg7 : memref<128x128xf32, #tpu.memory_space<vmem>>) offsets(%dma_start3A_195 : memref<128xi32, #tpu.memory_space<vmem>>) semaphore(%arg10 : memref<!tpu.dma_semaphore, #tpu.memory_space<semaphore_mem>>)
      %dma_wait3A_199 = arith.constant 12 : i32
      %dma_wait3A_200 = arith.constant 0 : i32
      %dma_wait3A_201 = tpu.memref_slice %arg6[%dma_wait3A_199, %dma_wait3A_200] : memref<16x128xi32, #tpu.memory_space<vmem>> -> memref<1x128xi32, #tpu.memory_space<vmem>>
      %dma_wait3A_202 = tpu.memref_squeeze %dma_wait3A_201 : memref<1x128xi32, #tpu.memory_space<vmem>> -> memref<128xi32, #tpu.memory_space<vmem>>
      %dma_wait3A_203 = arith.constant 0 : i32
      %dma_wait3A_204 = arith.constant 0 : i32
      %dma_wait3A_205 = tpu.memref_slice %arg2[%dma_wait3A_203, %dma_wait3A_204] : memref<10240x128xf32, #tpu.memory_space<hbm>> -> memref<10240x128xf32, #tpu.memory_space<hbm>>
      tpu.wait_indirect_dma semaphore(%arg10 : memref<!tpu.dma_semaphore, #tpu.memory_space<semaphore_mem>>) src(%dma_wait3A_205 : memref<10240x128xf32, #tpu.memory_space<hbm>>) dst(%arg7 : memref<128x128xf32, #tpu.memory_space<vmem>>)
      %dma_start3A_206 = arith.constant 13 : i32
      %dma_start3A_207 = arith.constant 0 : i32
      %dma_start3A_208 = tpu.memref_slice %arg6[%dma_start3A_206, %dma_start3A_207] : memref<16x128xi32, #tpu.memory_space<vmem>> -> memref<1x128xi32, #tpu.memory_space<vmem>>
      %dma_start3A_209 = tpu.memref_squeeze %dma_start3A_208 : memref<1x128xi32, #tpu.memory_space<vmem>> -> memref<128xi32, #tpu.memory_space<vmem>>
      %dma_start3A_210 = arith.constant 0 : i32
      %dma_start3A_211 = arith.constant 0 : i32
      %dma_start3A_212 = tpu.memref_slice %arg9[%dma_start3A_210, %dma_start3A_211] : memref<10240x128xf32, #tpu.memory_space<vmem_shared>> -> memref<10240x128xf32, #tpu.memory_space<vmem_shared>>
      tpu.enqueue_indirect_dma source(%arg7 : memref<128x128xf32, #tpu.memory_space<vmem>>) target(%dma_start3A_212 : memref<10240x128xf32, #tpu.memory_space<vmem_shared>>) offsets(%dma_start3A_209 : memref<128xi32, #tpu.memory_space<vmem>>) semaphore(%arg12 : memref<!tpu.dma_semaphore, #tpu.memory_space<semaphore_mem>>) {add = true}
      %dma_wait3A_213 = arith.constant 11 : i32
      %dma_wait3A_214 = arith.constant 0 : i32
      %dma_wait3A_215 = tpu.memref_slice %arg6[%dma_wait3A_213, %dma_wait3A_214] : memref<16x128xi32, #tpu.memory_space<vmem>> -> memref<1x128xi32, #tpu.memory_space<vmem>>
      %dma_wait3A_216 = tpu.memref_squeeze %dma_wait3A_215 : memref<1x128xi32, #tpu.memory_space<vmem>> -> memref<128xi32, #tpu.memory_space<vmem>>
      %dma_wait3A_217 = arith.constant 0 : i32
      %dma_wait3A_218 = arith.constant 0 : i32
      %dma_wait3A_219 = tpu.memref_slice %arg9[%dma_wait3A_217, %dma_wait3A_218] : memref<10240x128xf32, #tpu.memory_space<vmem_shared>> -> memref<10240x128xf32, #tpu.memory_space<vmem_shared>>
      tpu.wait_indirect_dma semaphore(%arg13 : memref<!tpu.dma_semaphore, #tpu.memory_space<semaphore_mem>>) src(%arg8 : memref<128x128xf32, #tpu.memory_space<vmem>>) dst(%dma_wait3A_219 : memref<10240x128xf32, #tpu.memory_space<vmem_shared>>)
      %dma_start3A_220 = arith.constant 14 : i32
      %dma_start3A_221 = arith.constant 0 : i32
      %dma_start3A_222 = tpu.memref_slice %arg6[%dma_start3A_220, %dma_start3A_221] : memref<16x128xi32, #tpu.memory_space<vmem>> -> memref<1x128xi32, #tpu.memory_space<vmem>>
      %dma_start3A_223 = tpu.memref_squeeze %dma_start3A_222 : memref<1x128xi32, #tpu.memory_space<vmem>> -> memref<128xi32, #tpu.memory_space<vmem>>
      %dma_start3A_224 = arith.constant 0 : i32
      %dma_start3A_225 = arith.constant 0 : i32
      %dma_start3A_226 = tpu.memref_slice %arg2[%dma_start3A_224, %dma_start3A_225] : memref<10240x128xf32, #tpu.memory_space<hbm>> -> memref<10240x128xf32, #tpu.memory_space<hbm>>
      tpu.enqueue_indirect_dma source(%dma_start3A_226 : memref<10240x128xf32, #tpu.memory_space<hbm>>) target(%arg8 : memref<128x128xf32, #tpu.memory_space<vmem>>) offsets(%dma_start3A_223 : memref<128xi32, #tpu.memory_space<vmem>>) semaphore(%arg11 : memref<!tpu.dma_semaphore, #tpu.memory_space<semaphore_mem>>)
      %dma_wait3A_227 = arith.constant 14 : i32
      %dma_wait3A_228 = arith.constant 0 : i32
      %dma_wait3A_229 = tpu.memref_slice %arg6[%dma_wait3A_227, %dma_wait3A_228] : memref<16x128xi32, #tpu.memory_space<vmem>> -> memref<1x128xi32, #tpu.memory_space<vmem>>
      %dma_wait3A_230 = tpu.memref_squeeze %dma_wait3A_229 : memref<1x128xi32, #tpu.memory_space<vmem>> -> memref<128xi32, #tpu.memory_space<vmem>>
      %dma_wait3A_231 = arith.constant 0 : i32
      %dma_wait3A_232 = arith.constant 0 : i32
      %dma_wait3A_233 = tpu.memref_slice %arg2[%dma_wait3A_231, %dma_wait3A_232] : memref<10240x128xf32, #tpu.memory_space<hbm>> -> memref<10240x128xf32, #tpu.memory_space<hbm>>
      tpu.wait_indirect_dma semaphore(%arg11 : memref<!tpu.dma_semaphore, #tpu.memory_space<semaphore_mem>>) src(%dma_wait3A_233 : memref<10240x128xf32, #tpu.memory_space<hbm>>) dst(%arg8 : memref<128x128xf32, #tpu.memory_space<vmem>>)
      %dma_start3A_234 = arith.constant 15 : i32
      %dma_start3A_235 = arith.constant 0 : i32
      %dma_start3A_236 = tpu.memref_slice %arg6[%dma_start3A_234, %dma_start3A_235] : memref<16x128xi32, #tpu.memory_space<vmem>> -> memref<1x128xi32, #tpu.memory_space<vmem>>
      %dma_start3A_237 = tpu.memref_squeeze %dma_start3A_236 : memref<1x128xi32, #tpu.memory_space<vmem>> -> memref<128xi32, #tpu.memory_space<vmem>>
      %dma_start3A_238 = arith.constant 0 : i32
      %dma_start3A_239 = arith.constant 0 : i32
      %dma_start3A_240 = tpu.memref_slice %arg9[%dma_start3A_238, %dma_start3A_239] : memref<10240x128xf32, #tpu.memory_space<vmem_shared>> -> memref<10240x128xf32, #tpu.memory_space<vmem_shared>>
      tpu.enqueue_indirect_dma source(%arg8 : memref<128x128xf32, #tpu.memory_space<vmem>>) target(%dma_start3A_240 : memref<10240x128xf32, #tpu.memory_space<vmem_shared>>) offsets(%dma_start3A_237 : memref<128xi32, #tpu.memory_space<vmem>>) semaphore(%arg13 : memref<!tpu.dma_semaphore, #tpu.memory_space<semaphore_mem>>) {add = true}
      %dma_wait3A_241 = arith.constant 13 : i32
      %dma_wait3A_242 = arith.constant 0 : i32
      %dma_wait3A_243 = tpu.memref_slice %arg6[%dma_wait3A_241, %dma_wait3A_242] : memref<16x128xi32, #tpu.memory_space<vmem>> -> memref<1x128xi32, #tpu.memory_space<vmem>>
      %dma_wait3A_244 = tpu.memref_squeeze %dma_wait3A_243 : memref<1x128xi32, #tpu.memory_space<vmem>> -> memref<128xi32, #tpu.memory_space<vmem>>
      %dma_wait3A_245 = arith.constant 0 : i32
      %dma_wait3A_246 = arith.constant 0 : i32
      %dma_wait3A_247 = tpu.memref_slice %arg9[%dma_wait3A_245, %dma_wait3A_246] : memref<10240x128xf32, #tpu.memory_space<vmem_shared>> -> memref<10240x128xf32, #tpu.memory_space<vmem_shared>>
      tpu.wait_indirect_dma semaphore(%arg12 : memref<!tpu.dma_semaphore, #tpu.memory_space<semaphore_mem>>) src(%arg7 : memref<128x128xf32, #tpu.memory_space<vmem>>) dst(%dma_wait3A_247 : memref<10240x128xf32, #tpu.memory_space<vmem_shared>>)
    }
    %scan3A_9 = arith.constant 10 : i32
    %dma_wait3A = arith.constant 15 : i32
    %dma_wait3A_10 = arith.constant 0 : i32
    %dma_wait3A_11 = tpu.memref_slice %arg6[%dma_wait3A, %dma_wait3A_10] : memref<16x128xi32, #tpu.memory_space<vmem>> -> memref<1x128xi32, #tpu.memory_space<vmem>>
    %dma_wait3A_12 = tpu.memref_squeeze %dma_wait3A_11 : memref<1x128xi32, #tpu.memory_space<vmem>> -> memref<128xi32, #tpu.memory_space<vmem>>
    %dma_wait3A_13 = arith.constant 0 : i32
    %dma_wait3A_14 = arith.constant 0 : i32
    %dma_wait3A_15 = tpu.memref_slice %arg9[%dma_wait3A_13, %dma_wait3A_14] : memref<10240x128xf32, #tpu.memory_space<vmem_shared>> -> memref<10240x128xf32, #tpu.memory_space<vmem_shared>>
    tpu.wait_indirect_dma semaphore(%arg13 : memref<!tpu.dma_semaphore, #tpu.memory_space<semaphore_mem>>) src(%arg8 : memref<128x128xf32, #tpu.memory_space<vmem>>) dst(%dma_wait3A_15 : memref<10240x128xf32, #tpu.memory_space<vmem_shared>>)
    %barrier3A = arith.constant 0 : index
    tpu.barrier barrier_id(%barrier3A)
    "tpu.region"() ({
      %run_scoped3A = tpu.sem_alloc : memref<!tpu.dma_semaphore, #tpu.memory_space<semaphore_mem>>
      %dma_start3A_16 = arith.constant 0 : i32
      %dma_start3A_17 = tpu.memref_slice %arg5[%arg0, %mul3A_2, %dma_start3A_16] : memref<2x10240x128xf32, #tpu.memory_space<hbm>> -> memref<1x640x128xf32, #tpu.memory_space<hbm>>
      %dma_start3A_18 = tpu.memref_squeeze %dma_start3A_17 : memref<1x640x128xf32, #tpu.memory_space<hbm>> -> memref<640x128xf32, #tpu.memory_space<hbm>>
      %dma_start3A_19 = arith.constant 0 : i32
      %dma_start3A_20 = tpu.memref_slice %arg9[%mul3A_2, %dma_start3A_19] : memref<10240x128xf32, #tpu.memory_space<vmem_shared>> -> memref<640x128xf32, #tpu.memory_space<vmem_shared>>
      tpu.enqueue_dma source(%dma_start3A_20 : memref<640x128xf32, #tpu.memory_space<vmem_shared>>) target(%dma_start3A_18 : memref<640x128xf32, #tpu.memory_space<hbm>>) target_semaphore(%run_scoped3A : memref<!tpu.dma_semaphore, #tpu.memory_space<semaphore_mem>>)
      %dma_wait3A_21 = arith.constant 0 : i32
      %dma_wait3A_22 = tpu.memref_slice %arg5[%arg0, %mul3A_2, %dma_wait3A_21] : memref<2x10240x128xf32, #tpu.memory_space<hbm>> -> memref<1x640x128xf32, #tpu.memory_space<hbm>>
      %dma_wait3A_23 = tpu.memref_squeeze %dma_wait3A_22 : memref<1x640x128xf32, #tpu.memory_space<hbm>> -> memref<640x128xf32, #tpu.memory_space<hbm>>
      %dma_wait3A_24 = arith.constant 0 : i32
      %dma_wait3A_25 = tpu.memref_slice %arg9[%mul3A_2, %dma_wait3A_24] : memref<10240x128xf32, #tpu.memory_space<vmem_shared>> -> memref<640x128xf32, #tpu.memory_space<vmem_shared>>
      tpu.wait_dma2 semaphore(%run_scoped3A : memref<!tpu.dma_semaphore, #tpu.memory_space<semaphore_mem>>) src(%dma_wait3A_25 : memref<640x128xf32, #tpu.memory_space<vmem_shared>>) dst(%dma_wait3A_23 : memref<640x128xf32, #tpu.memory_space<hbm>>)
      tpu.yield
    }) : () -> ()
    return
  }
}

module attributes {stable_mosaic.version = 14 : i64} {
  func.func @_tc_prep(%arg0: memref<32x2x10240xf32, #tpu.memory_space<vmem>>, %arg1: memref<10000x128xf32, #tpu.memory_space<vmem>>, %arg2: memref<10240x128xf32, #tpu.memory_space<vmem>>, %arg3: memref<10240x1xf32, #tpu.memory_space<vmem>>, %arg4: memref<10240x1xf32, #tpu.memory_space<vmem>>) attributes {dimension_semantics = [], scalar_prefetch = 0 : i64, scratch_operands = 0 : i64, tpu.core_type = #tpu.core_type<tc>} {
    %get3A = arith.constant 0 : index
    %get3A_0 = arith.constant 0 : index
    %get3A_1 = arith.constant 0 : index
    %get3A_2 = vector.load %arg0[%get3A, %get3A_0, %get3A_1] : memref<32x2x10240xf32, #tpu.memory_space<vmem>>, vector<32x1x10240xf32>
    %get3A_3 = vector.shape_cast %get3A_2 : vector<32x1x10240xf32> to vector<32x10240xf32>
    %reduce_sum3A = arith.constant dense<0.000000e+00> : vector<10240xf32>
    %reduce_sum3A_4 = vector.multi_reduction <add>, %get3A_3, %reduce_sum3A [0] : vector<32x10240xf32> to vector<10240xf32>
    %broadcast_in_dim3A = vector.shape_cast %reduce_sum3A_4 : vector<10240xf32> to vector<10240x1xf32>
    %get3A_5 = arith.constant 0 : index
    %get3A_6 = arith.constant 1 : index
    %get3A_7 = arith.constant 0 : index
    %get3A_8 = vector.load %arg0[%get3A_5, %get3A_6, %get3A_7] : memref<32x2x10240xf32, #tpu.memory_space<vmem>>, vector<32x1x10240xf32>
    %get3A_9 = vector.shape_cast %get3A_8 : vector<32x1x10240xf32> to vector<32x10240xf32>
    %reduce_sum3A_10 = arith.constant dense<0.000000e+00> : vector<10240xf32>
    %reduce_sum3A_11 = vector.multi_reduction <add>, %get3A_9, %reduce_sum3A_10 [0] : vector<32x10240xf32> to vector<10240xf32>
    %broadcast_in_dim3A_12 = vector.shape_cast %reduce_sum3A_11 : vector<10240xf32> to vector<10240x1xf32>
    %max3A = arith.constant 1.000000e+00 : f32
    %max3A_13 = vector.broadcast %max3A : f32 to vector<10240x1xf32>
    %max3A_14 = arith.maximumf %broadcast_in_dim3A, %max3A_13 : vector<10240x1xf32>
    %rsqrt3A = math.rsqrt %max3A_14 : vector<10240x1xf32>
    %max3A_15 = arith.constant 1.000000e+00 : f32
    %max3A_16 = vector.broadcast %max3A_15 : f32 to vector<10240x1xf32>
    %max3A_17 = arith.maximumf %broadcast_in_dim3A_12, %max3A_16 : vector<10240x1xf32>
    %rsqrt3A_18 = math.rsqrt %max3A_17 : vector<10240x1xf32>
    %swap3A = arith.constant 0 : index
    %swap3A_19 = arith.constant 0 : index
    %swap3A_20 = vector.load %arg3[%swap3A, %swap3A_19] : memref<10240x1xf32, #tpu.memory_space<vmem>>, vector<10240x1xf32>
    tpu.vector_store %arg3[%swap3A, %swap3A_19], %rsqrt3A {strides = array<i32>} : memref<10240x1xf32, #tpu.memory_space<vmem>>, vector<10240x1xf32>,
    %swap3A_21 = arith.constant 0 : index
    %swap3A_22 = arith.constant 0 : index
    %swap3A_23 = vector.load %arg4[%swap3A_21, %swap3A_22] : memref<10240x1xf32, #tpu.memory_space<vmem>>, vector<10240x1xf32>
    tpu.vector_store %arg4[%swap3A_21, %swap3A_22], %rsqrt3A_18 {strides = array<i32>} : memref<10240x1xf32, #tpu.memory_space<vmem>>, vector<10240x1xf32>,
    %get3A_24 = arith.constant 0 : index
    %get3A_25 = arith.constant 0 : index
    %get3A_26 = vector.load %arg1[%get3A_24, %get3A_25] : memref<10000x128xf32, #tpu.memory_space<vmem>>, vector<10000x128xf32>
    %slice3A = vector.extract_strided_slice %rsqrt3A {offsets = [0, 0], sizes = [10000, 1], strides = [1, 1]} : vector<10240x1xf32> to vector<10000x1xf32>
    %mul3A = vector.broadcast %slice3A : vector<10000x1xf32> to vector<10000x128xf32>
    %mul3A_27 = arith.mulf %get3A_26, %mul3A : vector<10000x128xf32>
    %swap3A_28 = arith.constant 0 : index
    %swap3A_29 = arith.constant 0 : index
    %swap3A_30 = vector.load %arg2[%swap3A_28, %swap3A_29] : memref<10240x128xf32, #tpu.memory_space<vmem>>, vector<10000x128xf32>
    tpu.vector_store %arg2[%swap3A_28, %swap3A_29], %mul3A_27 {strides = array<i32>} : memref<10240x128xf32, #tpu.memory_space<vmem>>, vector<10000x128xf32>,
    %broadcast_in_dim3A_31 = arith.constant 0.000000e+00 : f32
    %broadcast_in_dim3A_32 = vector.broadcast %broadcast_in_dim3A_31 : f32 to vector<240x128xf32>
    %swap3A_33 = arith.constant 10000 : index
    %swap3A_34 = arith.constant 0 : index
    %swap3A_35 = vector.load %arg2[%swap3A_33, %swap3A_34] : memref<10240x128xf32, #tpu.memory_space<vmem>>, vector<240x128xf32>
    tpu.vector_store %arg2[%swap3A_33, %swap3A_34], %broadcast_in_dim3A_32 {strides = array<i32>} : memref<10240x128xf32, #tpu.memory_space<vmem>>, vector<240x128xf32>,
    return
  }
}

module attributes {stable_mosaic.version = 14 : i64} {
  func.func @_tc_layer(%arg0: memref<2x10240x128xf32, #tpu.memory_space<vmem>>, %arg1: memref<10000x128xf32, #tpu.memory_space<vmem>>, %arg2: memref<10240x1xf32, #tpu.memory_space<vmem>>, %arg3: memref<10240x1xf32, #tpu.memory_space<vmem>>, %arg4: memref<128x128xf32, #tpu.memory_space<vmem>>, %arg5: memref<1x128xf32, #tpu.memory_space<vmem>>, %arg6: memref<128x128xf32, #tpu.memory_space<vmem>>, %arg7: memref<1x128xf32, #tpu.memory_space<vmem>>, %arg8: memref<10240x128xf32, #tpu.memory_space<vmem>>, %arg9: memref<10240x128xf32, #tpu.memory_space<vmem>>) attributes {dimension_semantics = [], scalar_prefetch = 0 : i64, scratch_operands = 0 : i64, tpu.core_type = #tpu.core_type<tc>} {
    %get3A = arith.constant 0 : index
    %get3A_0 = arith.constant 0 : index
    %get3A_1 = vector.load %arg1[%get3A, %get3A_0] : memref<10000x128xf32, #tpu.memory_space<vmem>>, vector<10000x128xf32>
    %broadcast_in_dim3A = arith.constant 0.000000e+00 : f32
    %broadcast_in_dim3A_2 = vector.broadcast %broadcast_in_dim3A : f32 to vector<240x128xf32>
    %concatenate3A = tpu.concatenate %get3A_1, %broadcast_in_dim3A_2 in 0 : vector<10000x128xf32>, vector<240x128xf32> -> vector<10240x128xf32>
    %get3A_3 = arith.constant 0 : index
    %get3A_4 = arith.constant 0 : index
    %get3A_5 = arith.constant 0 : index
    %get3A_6 = vector.load %arg0[%get3A_3, %get3A_4, %get3A_5] : memref<2x10240x128xf32, #tpu.memory_space<vmem>>, vector<1x10240x128xf32>
    %get3A_7 = vector.shape_cast %get3A_6 : vector<1x10240x128xf32> to vector<10240x128xf32>
    %get3A_8 = arith.constant 1 : index
    %get3A_9 = arith.constant 0 : index
    %get3A_10 = arith.constant 0 : index
    %get3A_11 = vector.load %arg0[%get3A_8, %get3A_9, %get3A_10] : memref<2x10240x128xf32, #tpu.memory_space<vmem>>, vector<1x10240x128xf32>
    %get3A_12 = vector.shape_cast %get3A_11 : vector<1x10240x128xf32> to vector<10240x128xf32>
    %add3A = arith.addf %get3A_7, %get3A_12 : vector<10240x128xf32>
    %get3A_13 = arith.constant 0 : index
    %get3A_14 = arith.constant 0 : index
    %get3A_15 = vector.load %arg3[%get3A_13, %get3A_14] : memref<10240x1xf32, #tpu.memory_space<vmem>>, vector<10240x1xf32>
    %mul3A = vector.broadcast %get3A_15 : vector<10240x1xf32> to vector<10240x128xf32>
    %mul3A_16 = arith.mulf %add3A, %mul3A : vector<10240x128xf32>
    %get3A_17 = arith.constant 0 : index
    %get3A_18 = arith.constant 0 : index
    %get3A_19 = vector.load %arg4[%get3A_17, %get3A_18] : memref<128x128xf32, #tpu.memory_space<vmem>>, vector<128x128xf32>
    %dot_general3A = arith.constant dense<0.000000e+00> : vector<10240x128xf32>
    %dot_general3A_20 = tpu.matmul %mul3A_16, %get3A_19, %dot_general3A {dimension_numbers = #tpu.dot_dimension_numbers<[1], [0], [0], [1], [0, 0, 1, 1], [], []>, transpose_lhs_hint = false} : vector<10240x128xf32>, vector<128x128xf32>, vector<10240x128xf32> -> vector<10240x128xf32>
    %get3A_21 = arith.constant 0 : index
    %get3A_22 = arith.constant 0 : index
    %get3A_23 = vector.load %arg5[%get3A_21, %get3A_22] : memref<1x128xf32, #tpu.memory_space<vmem>>, vector<1x128xf32>
    %add3A_24 = vector.broadcast %get3A_23 : vector<1x128xf32> to vector<10240x128xf32>
    %add3A_25 = arith.addf %dot_general3A_20, %add3A_24 : vector<10240x128xf32>
    %max3A = arith.constant 0.000000e+00 : f32
    %max3A_26 = vector.broadcast %max3A : f32 to vector<10240x128xf32>
    %max3A_27 = arith.maximumf %add3A_25, %max3A_26 : vector<10240x128xf32>
    %get3A_28 = arith.constant 0 : index
    %get3A_29 = arith.constant 0 : index
    %get3A_30 = vector.load %arg6[%get3A_28, %get3A_29] : memref<128x128xf32, #tpu.memory_space<vmem>>, vector<128x128xf32>
    %dot_general3A_31 = arith.constant dense<0.000000e+00> : vector<10240x128xf32>
    %dot_general3A_32 = tpu.matmul %concatenate3A, %get3A_30, %dot_general3A_31 {dimension_numbers = #tpu.dot_dimension_numbers<[1], [0], [0], [1], [0, 0, 1, 1], [], []>, transpose_lhs_hint = false} : vector<10240x128xf32>, vector<128x128xf32>, vector<10240x128xf32> -> vector<10240x128xf32>
    %get3A_33 = arith.constant 0 : index
    %get3A_34 = arith.constant 0 : index
    %get3A_35 = vector.load %arg7[%get3A_33, %get3A_34] : memref<1x128xf32, #tpu.memory_space<vmem>>, vector<1x128xf32>
    %add3A_36 = vector.broadcast %get3A_35 : vector<1x128xf32> to vector<10240x128xf32>
    %add3A_37 = arith.addf %dot_general3A_32, %add3A_36 : vector<10240x128xf32>
    %max3A_38 = arith.constant 0.000000e+00 : f32
    %max3A_39 = vector.broadcast %max3A_38 : f32 to vector<10240x128xf32>
    %max3A_40 = arith.maximumf %add3A_37, %max3A_39 : vector<10240x128xf32>
    %add3A_41 = arith.addf %max3A_27, %max3A_40 : vector<10240x128xf32>
    %iota3A = tpu.iota {dimensions = array<i32: 0>} : vector<10240x1xi32>
    %lt3A = arith.constant 10000 : i32
    %lt3A_42 = vector.broadcast %lt3A : i32 to vector<10240x1xi32>
    %lt3A_43 = arith.cmpi slt, %iota3A, %lt3A_42 : vector<10240x1xi32>
    %jit3A = arith.constant 0.000000e+00 : f32
    %broadcast_in_dim3A_44 = vector.shape_cast %lt3A_43 : vector<10240x1xi1> to vector<10240x1xi1>
    %broadcast_in_dim3A_45 = vector.broadcast %broadcast_in_dim3A_44 : vector<10240x1xi1> to vector<10240x128xi1>
    %broadcast_in_dim3A_46 = vector.broadcast %jit3A : f32 to vector<10240x128xf32>
    %select_n3A = arith.select %broadcast_in_dim3A_45, %add3A_41, %broadcast_in_dim3A_46 : vector<10240x128xi1>, vector<10240x128xf32>
    %swap3A = arith.constant 0 : index
    %swap3A_47 = arith.constant 0 : index
    %swap3A_48 = vector.load %arg8[%swap3A, %swap3A_47] : memref<10240x128xf32, #tpu.memory_space<vmem>>, vector<10240x128xf32>
    tpu.vector_store %arg8[%swap3A, %swap3A_47], %select_n3A {strides = array<i32>} : memref<10240x128xf32, #tpu.memory_space<vmem>>, vector<10240x128xf32>,
    %get3A_49 = arith.constant 0 : index
    %get3A_50 = arith.constant 0 : index
    %get3A_51 = vector.load %arg2[%get3A_49, %get3A_50] : memref<10240x1xf32, #tpu.memory_space<vmem>>, vector<10240x1xf32>
    %mul3A_52 = vector.broadcast %get3A_51 : vector<10240x1xf32> to vector<10240x128xf32>
    %mul3A_53 = arith.mulf %select_n3A, %mul3A_52 : vector<10240x128xf32>
    %swap3A_54 = arith.constant 0 : index
    %swap3A_55 = arith.constant 0 : index
    %swap3A_56 = vector.load %arg9[%swap3A_54, %swap3A_55] : memref<10240x128xf32, #tpu.memory_space<vmem>>, vector<10240x128xf32>
    tpu.vector_store %arg9[%swap3A_54, %swap3A_55], %mul3A_53 {strides = array<i32>} : memref<10240x128xf32, #tpu.memory_space<vmem>>, vector<10240x128xf32>,
    return
  }
}

module attributes {stable_mosaic.version = 14 : i64} {
  func.func @_tc_final(%arg0: memref<2x10240x128xf32, #tpu.memory_space<vmem>>, %arg1: memref<10240x128xf32, #tpu.memory_space<vmem>>, %arg2: memref<10240x1xf32, #tpu.memory_space<vmem>>, %arg3: memref<128x128xf32, #tpu.memory_space<vmem>>, %arg4: memref<1x128xf32, #tpu.memory_space<vmem>>, %arg5: memref<128x128xf32, #tpu.memory_space<vmem>>, %arg6: memref<1x128xf32, #tpu.memory_space<vmem>>, %arg7: memref<128x1xf32, #tpu.memory_space<vmem>>, %arg8: memref<1x1xf32, #tpu.memory_space<vmem>>, %arg9: memref<1x128xf32, #tpu.memory_space<vmem>>, %arg10: memref<1x128xf32, #tpu.memory_space<vmem>>, %arg11: memref<256x128xf32, #tpu.memory_space<vmem>>, %arg12: memref<1x128xf32, #tpu.memory_space<vmem>>, %arg13: memref<128x1xf32, #tpu.memory_space<vmem>>, %arg14: memref<1x1xf32, #tpu.memory_space<vmem>>, %arg15: memref<1x1xf32, #tpu.memory_space<vmem>>) attributes {dimension_semantics = [], scalar_prefetch = 0 : i64, scratch_operands = 0 : i64, tpu.core_type = #tpu.core_type<tc>} {
    %get3A = arith.constant 0 : index
    %get3A_0 = arith.constant 0 : index
    %get3A_1 = vector.load %arg1[%get3A, %get3A_0] : memref<10240x128xf32, #tpu.memory_space<vmem>>, vector<10240x128xf32>
    %get3A_2 = arith.constant 0 : index
    %get3A_3 = arith.constant 0 : index
    %get3A_4 = arith.constant 0 : index
    %get3A_5 = vector.load %arg0[%get3A_2, %get3A_3, %get3A_4] : memref<2x10240x128xf32, #tpu.memory_space<vmem>>, vector<1x10240x128xf32>
    %get3A_6 = vector.shape_cast %get3A_5 : vector<1x10240x128xf32> to vector<10240x128xf32>
    %get3A_7 = arith.constant 1 : index
    %get3A_8 = arith.constant 0 : index
    %get3A_9 = arith.constant 0 : index
    %get3A_10 = vector.load %arg0[%get3A_7, %get3A_8, %get3A_9] : memref<2x10240x128xf32, #tpu.memory_space<vmem>>, vector<1x10240x128xf32>
    %get3A_11 = vector.shape_cast %get3A_10 : vector<1x10240x128xf32> to vector<10240x128xf32>
    %add3A = arith.addf %get3A_6, %get3A_11 : vector<10240x128xf32>
    %get3A_12 = arith.constant 0 : index
    %get3A_13 = arith.constant 0 : index
    %get3A_14 = vector.load %arg2[%get3A_12, %get3A_13] : memref<10240x1xf32, #tpu.memory_space<vmem>>, vector<10240x1xf32>
    %mul3A = vector.broadcast %get3A_14 : vector<10240x1xf32> to vector<10240x128xf32>
    %mul3A_15 = arith.mulf %add3A, %mul3A : vector<10240x128xf32>
    %get3A_16 = arith.constant 0 : index
    %get3A_17 = arith.constant 0 : index
    %get3A_18 = vector.load %arg3[%get3A_16, %get3A_17] : memref<128x128xf32, #tpu.memory_space<vmem>>, vector<128x128xf32>
    %dot_general3A = arith.constant dense<0.000000e+00> : vector<10240x128xf32>
    %dot_general3A_19 = tpu.matmul %mul3A_15, %get3A_18, %dot_general3A {dimension_numbers = #tpu.dot_dimension_numbers<[1], [0], [0], [1], [0, 0, 1, 1], [], []>, transpose_lhs_hint = false} : vector<10240x128xf32>, vector<128x128xf32>, vector<10240x128xf32> -> vector<10240x128xf32>
    %get3A_20 = arith.constant 0 : index
    %get3A_21 = arith.constant 0 : index
    %get3A_22 = vector.load %arg4[%get3A_20, %get3A_21] : memref<1x128xf32, #tpu.memory_space<vmem>>, vector<1x128xf32>
    %add3A_23 = vector.broadcast %get3A_22 : vector<1x128xf32> to vector<10240x128xf32>
    %add3A_24 = arith.addf %dot_general3A_19, %add3A_23 : vector<10240x128xf32>
    %max3A = arith.constant 0.000000e+00 : f32
    %max3A_25 = vector.broadcast %max3A : f32 to vector<10240x128xf32>
    %max3A_26 = arith.maximumf %add3A_24, %max3A_25 : vector<10240x128xf32>
    %get3A_27 = arith.constant 0 : index
    %get3A_28 = arith.constant 0 : index
    %get3A_29 = vector.load %arg5[%get3A_27, %get3A_28] : memref<128x128xf32, #tpu.memory_space<vmem>>, vector<128x128xf32>
    %dot_general3A_30 = arith.constant dense<0.000000e+00> : vector<10240x128xf32>
    %dot_general3A_31 = tpu.matmul %get3A_1, %get3A_29, %dot_general3A_30 {dimension_numbers = #tpu.dot_dimension_numbers<[1], [0], [0], [1], [0, 0, 1, 1], [], []>, transpose_lhs_hint = false} : vector<10240x128xf32>, vector<128x128xf32>, vector<10240x128xf32> -> vector<10240x128xf32>
    %get3A_32 = arith.constant 0 : index
    %get3A_33 = arith.constant 0 : index
    %get3A_34 = vector.load %arg6[%get3A_32, %get3A_33] : memref<1x128xf32, #tpu.memory_space<vmem>>, vector<1x128xf32>
    %add3A_35 = vector.broadcast %get3A_34 : vector<1x128xf32> to vector<10240x128xf32>
    %add3A_36 = arith.addf %dot_general3A_31, %add3A_35 : vector<10240x128xf32>
    %max3A_37 = arith.constant 0.000000e+00 : f32
    %max3A_38 = vector.broadcast %max3A_37 : f32 to vector<10240x128xf32>
    %max3A_39 = arith.maximumf %add3A_36, %max3A_38 : vector<10240x128xf32>
    %add3A_40 = arith.addf %max3A_26, %max3A_39 : vector<10240x128xf32>
    %iota3A = tpu.iota {dimensions = array<i32: 0>} : vector<10240x1xi32>
    %lt3A = arith.constant 10000 : i32
    %lt3A_41 = vector.broadcast %lt3A : i32 to vector<10240x1xi32>
    %lt3A_42 = arith.cmpi slt, %iota3A, %lt3A_41 : vector<10240x1xi32>
    %jit3A = arith.constant 0.000000e+00 : f32
    %broadcast_in_dim3A = vector.shape_cast %lt3A_42 : vector<10240x1xi1> to vector<10240x1xi1>
    %broadcast_in_dim3A_43 = vector.broadcast %broadcast_in_dim3A : vector<10240x1xi1> to vector<10240x128xi1>
    %broadcast_in_dim3A_44 = vector.broadcast %jit3A : f32 to vector<10240x128xf32>
    %select_n3A = arith.select %broadcast_in_dim3A_43, %add3A_40, %broadcast_in_dim3A_44 : vector<10240x128xi1>, vector<10240x128xf32>
    %get3A_45 = arith.constant 0 : index
    %get3A_46 = arith.constant 0 : index
    %get3A_47 = vector.load %arg7[%get3A_45, %get3A_46] : memref<128x1xf32, #tpu.memory_space<vmem>>, vector<128x1xf32>
    %dot_general3A_48 = arith.constant dense<0.000000e+00> : vector<10240x1xf32>
    %dot_general3A_49 = tpu.matmul %select_n3A, %get3A_47, %dot_general3A_48 {dimension_numbers = #tpu.dot_dimension_numbers<[1], [0], [0], [1], [0, 0, 1, 1], [], []>, transpose_lhs_hint = false} : vector<10240x128xf32>, vector<128x1xf32>, vector<10240x1xf32> -> vector<10240x1xf32>
    %get3A_50 = arith.constant 0 : index
    %get3A_51 = arith.constant 0 : index
    %get3A_52 = vector.load %arg8[%get3A_50, %get3A_51] : memref<1x1xf32, #tpu.memory_space<vmem>>, vector<1x1xf32>
    %add3A_53 = vector.broadcast %get3A_52 : vector<1x1xf32> to vector<10240x1xf32>
    %add3A_54 = arith.addf %dot_general3A_49, %add3A_53 : vector<10240x1xf32>
    %neg3A = arith.constant 0.000000e+00 : f32
    %neg3A_55 = vector.broadcast %neg3A : f32 to vector<10240x1xf32>
    %neg3A_56 = arith.subf %neg3A_55, %add3A_54 : vector<10240x1xf32>
    %exp3A = math.exp %neg3A_56 : vector<10240x1xf32>
    %add3A_57 = arith.constant 1.000000e+00 : f32
    %add3A_58 = vector.broadcast %add3A_57 : f32 to vector<10240x1xf32>
    %add3A_59 = arith.addf %add3A_58, %exp3A : vector<10240x1xf32>
    %div3A = arith.constant 1.000000e+00 : f32
    %div3A_60 = vector.broadcast %div3A : f32 to vector<10240x1xf32>
    %div3A_61 = arith.divf %div3A_60, %add3A_59 : vector<10240x1xf32>
    %mul3A_62 = vector.broadcast %div3A_61 : vector<10240x1xf32> to vector<10240x128xf32>
    %mul3A_63 = arith.mulf %select_n3A, %mul3A_62 : vector<10240x128xf32>
    %reduce_sum3A = arith.constant dense<0.000000e+00> : vector<128xf32>
    %reduce_sum3A_64 = vector.multi_reduction <add>, %mul3A_63, %reduce_sum3A [0] : vector<10240x128xf32> to vector<128xf32>
    %reduce_max3A = arith.constant dense<0xFF800000> : vector<128xf32>
    %reduce_max3A_65 = vector.multi_reduction <maximumf>, %select_n3A, %reduce_max3A [0] : vector<10240x128xf32> to vector<128xf32>
    %concatenate3A = tpu.concatenate %reduce_sum3A_64, %reduce_max3A_65 in 0 : vector<128xf32>, vector<128xf32> -> vector<256xf32>
    %broadcast_in_dim3A_66 = vector.shape_cast %concatenate3A : vector<256xf32> to vector<1x256xf32>
    %get3A_67 = arith.constant 0 : index
    %get3A_68 = arith.constant 0 : index
    %get3A_69 = vector.load %arg11[%get3A_67, %get3A_68] : memref<256x128xf32, #tpu.memory_space<vmem>>, vector<256x128xf32>
    %dot_general3A_70 = arith.constant dense<0.000000e+00> : vector<1x128xf32>
    %dot_general3A_71 = tpu.matmul %broadcast_in_dim3A_66, %get3A_69, %dot_general3A_70 {dimension_numbers = #tpu.dot_dimension_numbers<[1], [0], [0], [1], [0, 0, 1, 1], [], []>, transpose_lhs_hint = false} : vector<1x256xf32>, vector<256x128xf32>, vector<1x128xf32> -> vector<1x128xf32>
    %get3A_72 = arith.constant 0 : index
    %get3A_73 = arith.constant 0 : index
    %get3A_74 = vector.load %arg12[%get3A_72, %get3A_73] : memref<1x128xf32, #tpu.memory_space<vmem>>, vector<1x128xf32>
    %add3A_75 = arith.addf %dot_general3A_71, %get3A_74 : vector<1x128xf32>
    %max3A_76 = arith.constant 0.000000e+00 : f32
    %max3A_77 = vector.broadcast %max3A_76 : f32 to vector<1x128xf32>
    %max3A_78 = arith.maximumf %add3A_75, %max3A_77 : vector<1x128xf32>
    %mul3A_79 = arith.constant 0.999994993 : f32
    %mul3A_80 = vector.broadcast %mul3A_79 : f32 to vector<1x128xf32>
    %mul3A_81 = arith.mulf %max3A_78, %mul3A_80 : vector<1x128xf32>
    %get3A_82 = arith.constant 0 : index
    %get3A_83 = arith.constant 0 : index
    %get3A_84 = vector.load %arg9[%get3A_82, %get3A_83] : memref<1x128xf32, #tpu.memory_space<vmem>>, vector<1x128xf32>
    %mul3A_85 = arith.mulf %mul3A_81, %get3A_84 : vector<1x128xf32>
    %get3A_86 = arith.constant 0 : index
    %get3A_87 = arith.constant 0 : index
    %get3A_88 = vector.load %arg10[%get3A_86, %get3A_87] : memref<1x128xf32, #tpu.memory_space<vmem>>, vector<1x128xf32>
    %add3A_89 = arith.addf %mul3A_85, %get3A_88 : vector<1x128xf32>
    %get3A_90 = arith.constant 0 : index
    %get3A_91 = arith.constant 0 : index
    %get3A_92 = vector.load %arg13[%get3A_90, %get3A_91] : memref<128x1xf32, #tpu.memory_space<vmem>>, vector<128x1xf32>
    %dot_general3A_93 = arith.constant dense<0.000000e+00> : vector<1x1xf32>
    %dot_general3A_94 = tpu.matmul %add3A_89, %get3A_92, %dot_general3A_93 {dimension_numbers = #tpu.dot_dimension_numbers<[1], [0], [0], [1], [0, 0, 1, 1], [], []>, transpose_lhs_hint = false} : vector<1x128xf32>, vector<128x1xf32>, vector<1x1xf32> -> vector<1x1xf32>
    %get3A_95 = arith.constant 0 : index
    %get3A_96 = arith.constant 0 : index
    %get3A_97 = vector.load %arg14[%get3A_95, %get3A_96] : memref<1x1xf32, #tpu.memory_space<vmem>>, vector<1x1xf32>
    %add3A_98 = arith.addf %dot_general3A_94, %get3A_97 : vector<1x1xf32>
    %neg3A_99 = arith.constant 0.000000e+00 : f32
    %neg3A_100 = vector.broadcast %neg3A_99 : f32 to vector<1x1xf32>
    %neg3A_101 = arith.subf %neg3A_100, %add3A_98 : vector<1x1xf32>
    %exp3A_102 = math.exp %neg3A_101 : vector<1x1xf32>
    %add3A_103 = arith.constant 1.000000e+00 : f32
    %add3A_104 = vector.broadcast %add3A_103 : f32 to vector<1x1xf32>
    %add3A_105 = arith.addf %add3A_104, %exp3A_102 : vector<1x1xf32>
    %div3A_106 = arith.constant 1.000000e+00 : f32
    %div3A_107 = vector.broadcast %div3A_106 : f32 to vector<1x1xf32>
    %div3A_108 = arith.divf %div3A_107, %add3A_105 : vector<1x1xf32>
    %swap3A = arith.constant 0 : index
    %swap3A_109 = arith.constant 0 : index
    %swap3A_110 = vector.load %arg15[%swap3A, %swap3A_109] : memref<1x1xf32, #tpu.memory_space<vmem>>, vector<1x1xf32>
    tpu.vector_store %arg15[%swap3A, %swap3A_109], %div3A_108 {strides = array<i32>} : memref<1x1xf32, #tpu.memory_space<vmem>>, vector<1x1xf32>,
    return
  }
}

</mosaic_0001>

<sc_bundles>
// kernel: kernel.11.cloned.1.call-start
scs
__scs_entry_jumppad:
0x0: {  	(pc) =	sbr.rel $0x88, $3  }
0x1: {  	(tag) =	ssettag $0x0;
	lr =	simm.s32 $0x1  }
0x2: {  	[smem:$0x3F8F] =	sst lr;
	_ =	strace $0xD0000000  }
0x3: {  	_ = 	snop  }
0x4: {  	_ = 	snop  }
0x5: {  	_ = 	snop  }
0x6: {  	_ = 	snop  }
0x7: {  	_ = 	snop  }
__scs_overlays_trampoline_lowered:
0x8: {  	[smem:$0x3F9E] =	sst s0  }
0x9: {  	[smem:$0x3F9F] =	sst s1  }
0xa: {  	[smem:$0x3FA0] =	sst s2  }
0xb: {  	[smem:$0x3FA1] =	sst s3  }
0xc: {  	[smem:$0x3FA2] =	sst s4  }
0xd: {  	[smem:$0x3FA3] =	sst s5  }
0xe: {  	[smem:$0x3FA4] =	sst s6  }
0xf: {  	[smem:$0x3FA5] =	sst s7  }
0x10: {  	[smem:$0x3FA6] =	sst s8  }
0x11: {  	[smem:$0x3FA7] =	sst s9;
	s0 =	simm.s32 @!p0 $0x0  }
0x12: {  	s1 =	sld [smem:$0x3F8D];
	s0 =	simm.s32 @p0 $0x1  }
0x13: {  	[smem:$0x3FA8] =	sst s0;
	s0 =	simm.s32 @!p1 $0x0  }
0x14: {  	s2 =	sld [smem:$0x3F8C];
	s0 =	simm.s32 @p1 $0x1  }
0x15: {  	[smem:$0x3FA9] =	sst s0;
	s0 =	simm.s32 @!p2 $0x0  }
0x16: {  	s3 =	sld [smem:$0x3FDB];
	s0 =	simm.s32 @p2 $0x1  }
0x17: {  	s4 =	simm.s32 $0x1BF5;
	[smem:$0x3FAB] =	sst s0  }
0x18: {  	s0 =	sld [smem:$0x3F8E];
	_ =	swait.ge [sflag:s4], $0x0  }
0x19: {  	s7 =	sld [smem:$0x3F8F]  }
0x1a: {  	s8 =	sadd.s32 $0xFFFFE003, lr  }
0x1b: {  	s9 =	sadd.s32 $0xFFFFFEF7, lr;
	s5 =	simm.s32 $0xFFFFFFFF;
	p2 =	slt.u32 s8, $0xFFFFF086  }
0x1c: {  	p1 =	slt.u32 s9, $0xF7A;
	s5 =	simm.s32 @!p2 $0x0  }
0x1d: {  	s5 =	simm.s32 @p1 $0x1;
	p0 =	seq.s32 s7, s2  }
0x1e: {  	s7 =	smul.u32 @!p0 $0xF7A, s2;
	p2 =	seq.s32 @!p0 s5, $0x0  }
0x1f: {  	s9 =	smul.u32 $0xF7A, s1;
	s8 =	simm.s32 @!p0 $0x1BF5;
	p2 =	por !p2, p0  }
0x20: {  	[sflag:s8] =	ssyncset.s32 @!p0 $0xFFFFF086;
	s6 =	sadd.s32 @!p0 s3, s7;
	s7 =	simm.s32 @!p0 $0x108  }
0x21: {  	s3 =	sadd.s32 s3, s9;
	s6 =	sadd.s32 @!p0 $0x88, s6;
	s7 =	simm.s32 @p2 $0x1082  }
0x22: {  	[simem:s7], [sflag:s8] =	dma.local @!p0 [hbm:s6], $0xF7A  }
0x23: {  	s9 =	sor.u32 $0xD0000000, s2;
	s6 =	simm.s32 $0x108;
	_ =	swait.ge @!p0 [sflag:s8], $0x0  }
0x24: {  	s3 =	sadd.s32 $0x88, s3;
	s6 =	simm.s32 @!p1 $0x1082;
	[sflag:s4] =	ssyncset.s32 $0xFFFFF086  }
0x25: {  	[simem:s6], [sflag:s4] =	dma.local [hbm:s3], $0xF7A  }
0x26: {  	[smem:$0x3F8F] =	sst s1;
	(tag) =	ssettag s2;
	_ =	strace s9  }
0x27: {  	s1 =	sld [smem:$0x3F9F]  }
0x28: {  	s2 =	sld [smem:$0x3FA0]  }
0x29: {  	s4 =	sld [smem:$0x3FA2]  }
0x2a: {  	p0 =	seq.s32 s5, $0x0;
	s5 =	sld [smem:$0x3FA3]  }
0x2b: {  	s6 =	sld [smem:$0x3FA4]  }
0x2c: {  	s7 =	sld [smem:$0x3FA5]  }
0x2d: {  	s3 =	simm.s32 $0x108;
	s8 =	sld [smem:$0x3FA6]  }
0x2e: {  	s3 =	simm.s32 @!p0 $0x1082;
	s9 =	sld [smem:$0x3FA7]  }
0x2f: {  	lr =	sadd.s32 s0, s3;
	s0 =	sld [smem:$0x3F9E]  }
0x30: {  	s3 =	sld [smem:$0x3FA1]  }
0x31: {  	[smem:$0x3FAA] =	sst s10  }
0x32: {  	s10 =	sld [smem:$0x3FA8];
	_ =	sdelay $0x3  }
0x33: {  	p0 =	seq.s32 s10, $0x1;
	s10 =	sld [smem:$0x3FAA];
	_ =	sdelay $0x3  }
0x34: {  	[smem:$0x3FAA] =	sst s10  }
0x35: {  	s10 =	sld [smem:$0x3FA9];
	_ =	sdelay $0x3  }
0x36: {  	p1 =	seq.s32 s10, $0x1;
	s10 =	sld [smem:$0x3FAA];
	_ =	sdelay $0x3  }
0x37: {  	[smem:$0x3FAA] =	sst s10  }
0x38: {  	s10 =	sld [smem:$0x3FAB]  }
0x39: {  	_ = 	snop;
	(pc) =	sbr.ind lr, $3  }
0x3a: {  	_ = 	snop  }
0x3b: {  	_ = 	snop  }
0x3c: {  	p2 =	seq.s32 s10, $0x1;
	s10 =	sld [smem:$0x3FAA]  }
0x3d: {  	_ =	shalt  }
0x3e: {  	_ =	shalt  }
0x3f: {  	_ =	shalt  }
0x40: {  	_ =	shalt  }
0x41: {  	_ =	shalt  }
0x42: {  	_ =	shalt  }
0x43: {  	_ =	shalt  }
0x44: {  	_ =	shalt  }
0x45: {  	_ =	shalt  }
0x46: {  	_ =	shalt  }
0x47: {  	_ =	shalt  }
0x48: {  	_ =	shalt  }
0x49: {  	_ =	shalt  }
0x4a: {  	_ =	shalt  }
0x4b: {  	_ =	shalt  }
0x4c: {  	_ =	shalt  }
0x4d: {  	_ =	shalt  }
0x4e: {  	_ =	shalt  }
0x4f: {  	_ =	shalt  }
0x50: {  	_ =	shalt  }
0x51: {  	_ =	shalt  }
0x52: {  	_ =	shalt  }
0x53: {  	_ =	shalt  }
0x54: {  	_ =	shalt  }
0x55: {  	_ =	shalt  }
0x56: {  	_ =	shalt  }
0x57: {  	_ =	shalt  }
0x58: {  	_ =	shalt  }
0x59: {  	_ =	shalt  }
0x5a: {  	_ =	shalt  }
0x5b: {  	_ =	shalt  }
0x5c: {  	_ =	shalt  }
0x5d: {  	_ =	shalt  }
0x5e: {  	_ =	shalt  }
0x5f: {  	_ =	shalt  }
0x60: {  	_ =	shalt  }
0x61: {  	_ =	shalt  }
0x62: {  	_ =	shalt  }
0x63: {  	_ =	shalt  }
0x64: {  	_ =	shalt  }
0x65: {  	_ =	shalt  }
0x66: {  	_ =	shalt  }
0x67: {  	_ =	shalt  }
0x68: {  	_ =	shalt  }
0x69: {  	_ =	shalt  }
0x6a: {  	_ =	shalt  }
0x6b: {  	_ =	shalt  }
0x6c: {  	_ =	shalt  }
0x6d: {  	_ =	shalt  }
0x6e: {  	_ =	shalt  }
0x6f: {  	_ =	shalt  }
0x70: {  	_ =	shalt  }
0x71: {  	_ =	shalt  }
0x72: {  	_ =	shalt  }
0x73: {  	_ =	shalt  }
0x74: {  	_ =	shalt  }
0x75: {  	_ =	shalt  }
0x76: {  	_ =	shalt  }
0x77: {  	_ =	shalt  }
0x78: {  	_ =	shalt  }
0x79: {  	_ =	shalt  }
0x7a: {  	_ =	shalt  }
0x7b: {  	_ =	shalt  }
0x7c: {  	_ =	shalt  }
0x7d: {  	_ =	shalt  }
0x7e: {  	_ =	shalt  }
0x7f: {  	_ =	shalt  }
0x80: {  	_ =	shalt  }
0x81: {  	_ =	shalt  }
0x82: {  	_ =	shalt  }
0x83: {  	_ =	shalt  }
0x84: {  	_ =	shalt  }
0x85: {  	_ =	shalt  }
0x86: {  	_ =	shalt  }
0x87: {  	_ =	shalt  }
.Lfunc_end0:
.L_simem_size_0:
called_computation.1_lowered:
.L_overlay_start_0:
0x88: {  	s2 =	sld [smem:$0x3FD9]  }
0x89: {  	s3 =	sld [smem:$0x3FFE];
	_ =	sdelay $0x1  }
0x8a: {  	s1 =	srdreg.scid  }
0x8b: {  	s0 =	sand.u32 $0x1, s1  }
0x8c: {  	s16 =	sshll.u32 s0, $0xA;
	s2 =	sadd.s32 s3, s2  }
0x8d: {  	s2 =	sadd.s32 s2, s16  }
0x8e: {  	[smem:$0x3FB6] =	sst s2  }
0x8f: {  	_ = 	snop  }
0x90: {  	(tm) =	ssettm $0x1  }
0x91: {  	s17 =	sld [smem:$0x3FFB];
	_ =	sdelay $0x3  }
0x92: {  	_ =	strace s17  }
0x93: {  	s2 =	sld [smem:$0x3FFC];
	_ =	sdelay $0x3  }
0x94: {  	_ =	strace s2  }
0x95: {  	s2 =	sld [smem:$0x3FFD];
	_ =	sdelay $0x3  }
0x96: {  	_ =	strace s2  }
0x97: {  	_ =	strace $0x8FFFFFFF  }
0x98: {  	s18 =	sld [smem:$0x3FDB];
	_ =	sdelay $0x1  }
0x99: {  	s19 =	simm.s32 $_scs_section_size  }
0x9a: {  	s4 =	simm.s32 $_size__tile_overlayer_lowered;
	s5 =	simm.s32 $_tile_overlayer_lowered  }
0x9b: {  	s22 =	simm.s32 $0x1BFF;
	s21 =	sshll.u32 s5, $0x1;
	s2 =	sadd.s32 s19, s18  }
0x9c: {  	s6 =	simm.s32 $0x0;
	s20 =	sshll.u32 s4, $0x1;
	s4 =	sadd.s32 s21, s2  }
0x9d: {  	[timem:s6], [sflag:s22] =	dma.local [hbm:s4], s20  }
0x9e: {  	_ =	swait.ge [sflag:s22], s20  }
0x9f: {  	s3 =	ssub.s32 $0x0, s20;
	[sflag:s22] =	ssyncset.done $0x0  }
0xa0: {  	[sflag:s22] =	ssyncadd.s32 s3;
	_ =	sdelay $0x1  }
0xa1: {  	s23 =	simm.s32 $0x1B8B  }
0xa2: {  	_ =	swait.ge [sflag:s23], $0x1  }
0xa3: {  	[sflag:s23] =	ssyncset.done $0x0  }
0xa4: {  	s25 =	simm.s32 $0x1B8E;
	s24 =	sld [smem:$0x3FFE];
	[sflag:s23] =	ssyncadd.s32 $0xFFFFFFFF  }
0xa5: {  	s26 =	simm.s32 $execute0_lowered;
	[smem:$0x3FD2] =	sst s25  }
0xa6: {  	s4 =	sshll.u32 s26, $0x1;
	_ =	strace $0x80000049;
	[dreg:$0x1] =	wrdreg $0xFFFFFFFF  }
0xa7: {  	s28 =	simm.s32 $_size_execute0_lowered;
	s2 =	sadd.s32 s2, s4;
	[dreg:$0x0] =	wrdreg $0x0  }
0xa8: {  	s4 =	sshll.u32 s28, $0x1;
	[dreg:$0x2] =	wrdreg s2  }
0xa9: {  	[dreg:$0x3] =	wrdreg s4  }
0xaa: {  	[dreg:$0x4] =	wrdreg $0xC0  }
0xab: {  	_ =	task [dreg:s6], $0x5FFFF  }
0xac: {  	[dreg:$0x1] =	wrdreg $0xFFFFFFFF  }
0xad: {  	[dreg:$0x0] =	wrdreg $0x60  }
0xae: {  	[dreg:$0x2] =	wrdreg s24  }
0xaf: {  	[dreg:$0x3] =	wrdreg $0x88000  }
0xb0: {  	[dreg:$0x4] =	wrdreg $0x9  }
0xb1: {  	_ =	task.clear_ibuf [dreg:s6], $0x5FFFF;
	_ =	strace $0x90000049  }
0xb2: {  	s29 =	simm.s32 $0x9;
	_ =	strace $0x8000004B  }
0xb3: {  	_ =	swait.ge [sflag:s29], $0x1  }
0xb4: {  	[sflag:s29] =	ssyncadd.s32 $0xFFFFFFFF  }
0xb5: {  	_ =	strace $0x9000004B  }
0xb6: {  	_ =	sfence  }
0xb7: {  	s30 =	sld [smem:$0x0];
	_ =	sdelay $0x2  }
0xb8: {  	s31 =	sshll.u32 s1, $0xD;
	s1 =	sshrl.u32 s1, $0x2  }
0xb9: {  	s3 =	sand.u32 $0x4000, s31;
	s1 =	sadd.s32 s1, s30  }
0xba: {  	s0 =	sor.u32 s3, s0;
	s1 =	sshll.u32 s1, $0x11  }
0xbb: {  	s0 =	sor.u32 s1, s0  }
0xbc: {  	s0 =	sadd.s32 $0x8F2B, s0  }
0xbd: {  	[sflag:s0] =	ssyncadd.remote.s32 $0x1  }
0xbe: {  	_ =	sfence.sel $0xFFFF  }
0xbf: {  	[dreg:$0x0] =	wrdreg $0xFFFFFFFF;
	(pc) =	sbr.abs _section_cstart, $3  }
0xc0: {  	[dreg:$0x1] =	wrdreg $0xFFFFFFFF  }
0xc1: {  	_ =	task.clear_ibuf [dreg:s6], $0x2FFFF;
	_ =	strace $0x9FFFFFFF  }
0xc2: {  	(tm) =	ssettm $0x7FFFFFFF  }
0xc3: {  	_ =	shalt  }
tec
execute0_lowered:
.L_overlay_start_1:
0x0: {  	(tag) =	ssettag $0x1  }
0x1: {  	s0 =	srdreg.scid;
	s1 =	rddreg [dreg:$0x0]  }
0x2: {  	s9 =	stileid.u32;
	s2 =	rddreg [dreg:$0x1];
	s3 =	simm.s32 $0x0  }
0x3: {  	s11 =	simm.s32 $0x6;
	s12 =	simm.s32 $0x80;
	s13 =	simm.s32 $0x800  }
0x4: {  	s14 =	simm.s32 $0x1;
	s15 =	simm.s32 $0x100;
	s16 =	simm.s32 $0x4800  }
0x5: {  	s17 =	simm.s32 $0x2;
	s18 =	simm.s32 $0x180;
	s19 =	simm.s32 $0x3  }
0x6: {  	s20 =	simm.s32 $0x200;
	s21 =	simm.s32 $0x280;
	s4 =	smul.u32 $0xA000, s9  }
0x7: {  	s22 =	simm.s32 $0x4;
	s28 =	simm.s32 $0x500;
	s23 =	smul.u32 $0x14000, s9  }
0x8: {  	s29 =	simm.s32 $0x580;
	s0 =	sand.u32 $0x1, s0;
	s24 =	smul.u32 $0x50000, s9  }
0x9: {  	s30 =	simm.s32 $0x600;
	s31 =	simm.s32 $0x680;
	s5 =	smul.u32 $0x5000, s0  }
0xa: {  	[smem:$0x7FF] =	sst s3;
	s7 =	smul.u32 $0x140000, s0;
	s0 =	ssub.s32 $0x2, s0  }
0xb: {  	_ =	strace $0x8000004A;
	s8 =	sshrl.u32 s23, $0x3;
	s25 =	sshrl.u32 s0, $0x1  }
0xc: {  	s4 =	sadd.s32 s5, s4;
	s5 =	sadd.s32 s23, s7;
	s8 =	sadd.s32 s8, s1  }
0xd: {  	s7 =	sshrl.u32 s24, $0x2;
	s0 =	ssub.s32 s0, s25;
	s23 =	simm.s32 $0x300  }
0xe: {  	s6 =	sshrl.u32 s4, $0x3;
	s4 =	sadd.s32 $0x3FE00, s1;
	s5 =	sshrl.u32 s5, $0x3  }
0xf: {  	s8 =	sadd.s32 $0x67E00, s8;
	s0 =	smax.u32 s0, $0x1;
	s6 =	sadd.s32 s6, s1  }
0x10: {  	s1 =	sadd.s32 s5, s1;
	s5 =	sshll.u32 s9, $0x6;
	[dreg:$0x4] =	wrdreg s8  }
0x11: {  	s24 =	simm.s32 $0x380;
	[dreg:$0x7] =	wrdreg s0;
	s26 =	sor.u32 $0x1C05, s5  }
0x12: {  	s25 =	simm.s32 $0x400;
	s1 =	sadd.s32 $0x8FE00, s1;
	[dreg:$0x5] =	wrdreg s26  }
0x13: {  	s7 =	sadd.s32 s7, s2;
	s6 =	sadd.s32 $0x3E00, s6;
	[dreg:$0x6] =	wrdreg s1  }
0x14: {  	s10 =	sshrl.u32 s7, $0x3;
	s0 =	simm.s32 $0x780;
	[dreg:$0x3] =	wrdreg s6  }
0x15: {  	s26 =	simm.s32 $0x480;
	s1 =	simm.s32 $0x700;
	s6 =	simm.s32 $0x0  }
.LBB2_1:
0x16: {  	s7 =	rddreg [dreg:$0x4]  }
0x17: {  	s8 =	rddreg [dreg:$0x5]  }
0x18: {  	[spmem:s10], [sflag:s8] =	dma.local [hbm:s7], $0x2800  }
0x19: {  	s7 =	rddreg [dreg:$0x3]  }
0x1a: {  	s7 =	sadd.s32 $0x0, s7  }
0x1b: {  	[tilespmem:s3], [sflag:$0x6] =	stream.linear.gather [hbm4b:s7+s3], $0x800, $0x38;
	[tilespmem:$0x1C800] =	vst v63  }
0x1c: {  	_ =	swait.ge [sflag:s11], $0x800  }
0x1d: {  	p0 =	por $0x0, $0x0;
	[sflag:s11] =	ssyncset.done $0x0  }
0x1e: {  	s7 =	simm.s32 @p0 $0x4;
	[sflag:s11] =	ssyncadd.s32 $0xFFFFF800  }
0x1f: {  	[tilespmem:s13], [sflag:$0x1] =	stream.indirect.gather [hbm4b:s4+s12], $0x80, s3, s12, $0xb8;
	[tilespmem:$0x1C800] =	vst v63  }
0x20: {  	_ =	swait.ge @p0 [sflag:s7], $0x4000  }
0x21: {  	[sflag:s7] =	ssyncset.done @p0 $0x0  }
0x22: {  	[sflag:s7] =	ssyncadd.s32 @p0 $0xFFFFC000;
	s7 =	simm.s32 @!p0 $0x5  }
0x23: {  	_ =	swait.ge @!p0 [sflag:s7], $0x2800  }
0x24: {  	[sflag:s7] =	ssyncset.done @!p0 $0x0  }
0x25: {  	[sflag:s7] =	ssyncadd.s32 @!p0 $0xFFFFD800  }
0x26: {  	[bflag:$0x0] =	sbarrier.arrive @!p0 $0xFFFF  }
0x27: {  	_ =	swait.ge [sflag:s14], $0x4000  }
0x28: {  	[sflag:s14] =	ssyncset.done $0x0  }
0x29: {  	[sflag:s14] =	ssyncadd.s32 $0xFFFFC000  }
0x2a: {  	[spmem:s2] =	stream.indirect.scatter.add.f32 [tilespmem:s13], [sflag:$0x3], $0x80, s12, s12, $0xb8;
	[tilespmem:$0x1C800] =	vst v63  }
0x2b: {  	_ = 	snop  }
0x2c: {  	[tilespmem:s16], [sflag:$0x2] =	stream.indirect.gather [hbm4b:s4+s12], $0x80, s15, s12, $0xb8;
	[tilespmem:$0x1C800] =	vst v63  }
0x2d: {  	_ =	swait.ge [sflag:s17], $0x4000  }
0x2e: {  	[sflag:s17] =	ssyncset.done $0x0  }
0x2f: {  	[sflag:s17] =	ssyncadd.s32 $0xFFFFC000  }
0x30: {  	[spmem:s2] =	stream.indirect.scatter.add.f32 [tilespmem:s16], [sflag:$0x4], $0x80, s18, s12, $0xb8;
	[tilespmem:$0x1C800] =	vst v63  }
0x31: {  	_ =	swait.ge [sflag:s19], $0x4000  }
0x32: {  	[sflag:s19] =	ssyncset.done $0x0  }
0x33: {  	[sflag:s19] =	ssyncadd.s32 $0xFFFFC000  }
0x34: {  	[tilespmem:s13], [sflag:$0x1] =	stream.indirect.gather [hbm4b:s4+s12], $0x80, s20, s12, $0xb8;
	[tilespmem:$0x1C800] =	vst v63  }
0x35: {  	_ =	swait.ge [sflag:s14], $0x4000  }
0x36: {  	[sflag:s14] =	ssyncset.done $0x0  }
0x37: {  	[sflag:s14] =	ssyncadd.s32 $0xFFFFC000  }
0x38: {  	[spmem:s2] =	stream.indirect.scatter.add.f32 [tilespmem:s13], [sflag:$0x3], $0x80, s21, s12, $0xb8;
	[tilespmem:$0x1C800] =	vst v63  }
0x39: {  	_ =	swait.ge [sflag:s22], $0x4000  }
0x3a: {  	[sflag:s22] =	ssyncset.done $0x0  }
0x3b: {  	[sflag:s22] =	ssyncadd.s32 $0xFFFFC000  }
0x3c: {  	[tilespmem:s16], [sflag:$0x2] =	stream.indirect.gather [hbm4b:s4+s12], $0x80, s23, s12, $0xb8;
	[tilespmem:$0x1C800] =	vst v63  }
0x3d: {  	_ =	swait.ge [sflag:s17], $0x4000  }
0x3e: {  	[sflag:s17] =	ssyncset.done $0x0  }
0x3f: {  	[sflag:s17] =	ssyncadd.s32 $0xFFFFC000  }
0x40: {  	[spmem:s2] =	stream.indirect.scatter.add.f32 [tilespmem:s16], [sflag:$0x4], $0x80, s24, s12, $0xb8;
	[tilespmem:$0x1C800] =	vst v63  }
0x41: {  	_ =	swait.ge [sflag:s19], $0x4000  }
0x42: {  	[sflag:s19] =	ssyncset.done $0x0  }
0x43: {  	[sflag:s19] =	ssyncadd.s32 $0xFFFFC000  }
0x44: {  	[tilespmem:s13], [sflag:$0x1] =	stream.indirect.gather [hbm4b:s4+s12], $0x80, s25, s12, $0xb8;
	[tilespmem:$0x1C800] =	vst v63  }
0x45: {  	_ =	swait.ge [sflag:s14], $0x4000  }
0x46: {  	[sflag:s14] =	ssyncset.done $0x0  }
0x47: {  	[sflag:s14] =	ssyncadd.s32 $0xFFFFC000  }
0x48: {  	[spmem:s2] =	stream.indirect.scatter.add.f32 [tilespmem:s13], [sflag:$0x3], $0x80, s26, s12, $0xb8;
	[tilespmem:$0x1C800] =	vst v63  }
0x49: {  	_ =	swait.ge [sflag:s22], $0x4000  }
0x4a: {  	[sflag:s22] =	ssyncset.done $0x0  }
0x4b: {  	[sflag:s22] =	ssyncadd.s32 $0xFFFFC000  }
0x4c: {  	[tilespmem:s16], [sflag:$0x2] =	stream.indirect.gather [hbm4b:s4+s12], $0x80, s28, s12, $0xb8;
	[tilespmem:$0x1C800] =	vst v63  }
0x4d: {  	_ =	swait.ge [sflag:s17], $0x4000  }
0x4e: {  	[sflag:s17] =	ssyncset.done $0x0  }
0x4f: {  	[sflag:s17] =	ssyncadd.s32 $0xFFFFC000  }
0x50: {  	[spmem:s2] =	stream.indirect.scatter.add.f32 [tilespmem:s16], [sflag:$0x4], $0x80, s29, s12, $0xb8;
	[tilespmem:$0x1C800] =	vst v63  }
0x51: {  	_ =	swait.ge [sflag:s19], $0x4000  }
0x52: {  	[sflag:s19] =	ssyncset.done $0x0  }
0x53: {  	[sflag:s19] =	ssyncadd.s32 $0xFFFFC000  }
0x54: {  	[tilespmem:s13], [sflag:$0x1] =	stream.indirect.gather [hbm4b:s4+s12], $0x80, s30, s12, $0xb8;
	[tilespmem:$0x1C800] =	vst v63  }
0x55: {  	_ =	swait.ge [sflag:s14], $0x4000  }
0x56: {  	[sflag:s14] =	ssyncset.done $0x0  }
0x57: {  	[sflag:s14] =	ssyncadd.s32 $0xFFFFC000  }
0x58: {  	[spmem:s2] =	stream.indirect.scatter.add.f32 [tilespmem:s13], [sflag:$0x3], $0x80, s31, s12, $0xb8;
	[tilespmem:$0x1C800] =	vst v63  }
0x59: {  	_ =	swait.ge [sflag:s22], $0x4000  }
0x5a: {  	[sflag:s22] =	ssyncset.done $0x0  }
0x5b: {  	[sflag:s22] =	ssyncadd.s32 $0xFFFFC000  }
0x5c: {  	[tilespmem:s16], [sflag:$0x2] =	stream.indirect.gather [hbm4b:s4+s12], $0x80, s1, s12, $0xb8;
	[tilespmem:$0x1C800] =	vst v63  }
0x5d: {  	_ =	swait.ge [sflag:s17], $0x4000  }
0x5e: {  	[sflag:s17] =	ssyncset.done $0x0  }
0x5f: {  	[sflag:s17] =	ssyncadd.s32 $0xFFFFC000  }
0x60: {  	[spmem:s2] =	stream.indirect.scatter.add.f32 [tilespmem:s16], [sflag:$0x4], $0x80, s0, s12, $0xb8;
	[tilespmem:$0x1C800] =	vst v63  }
0x61: {  	s7 =	simm.s32 $0x100;
	_ =	swait.ge [sflag:s19], $0x4000  }
.LBB2_2:
0x62: {  	s8 =	rddreg [dreg:$0x3];
	s9 =	smov.u32 s7;
	[sflag:s19] =	ssyncset.done $0x0  }
0x63: {  	s8 =	sadd.s32 s9, s8;
	[sflag:s19] =	ssyncadd.s32 $0xFFFFC000  }
0x64: {  	[tilespmem:s3], [sflag:$0x6] =	stream.linear.gather [hbm4b:s8+s3], $0x800, $0x38;
	[tilespmem:$0x1C800] =	vst v63  }
0x65: {  	_ =	swait.ge [sflag:s11], $0x800  }
0x66: {  	p1 =	sne.s32 s9, $0x0;
	[sflag:s11] =	ssyncset.done $0x0  }
0x67: {  	s8 =	simm.s32 @p1 $0x4;
	[sflag:s11] =	ssyncadd.s32 $0xFFFFF800  }
0x68: {  	[tilespmem:s13], [sflag:$0x1] =	stream.indirect.gather [hbm4b:s4+s12], $0x80, s3, s12, $0xb8;
	[tilespmem:$0x1C800] =	vst v63  }
0x69: {  	_ =	swait.ge @p1 [sflag:s8], $0x4000  }
0x6a: {  	[sflag:s8] =	ssyncset.done @p1 $0x0  }
0x6b: {  	[sflag:s8] =	ssyncadd.s32 @p1 $0xFFFFC000;
	s8 =	simm.s32 @!p1 $0x5  }
0x6c: {  	_ =	swait.ge @!p1 [sflag:s8], $0x2800  }
0x6d: {  	[sflag:s8] =	ssyncset.done @!p1 $0x0  }
0x6e: {  	[sflag:s8] =	ssyncadd.s32 @!p1 $0xFFFFD800  }
0x6f: {  	[bflag:$0x0] =	sbarrier.arrive @!p1 $0xFFFF  }
0x70: {  	_ =	swait.ge [sflag:s14], $0x4000  }
0x71: {  	[sflag:s14] =	ssyncset.done $0x0  }
0x72: {  	[sflag:s14] =	ssyncadd.s32 $0xFFFFC000  }
0x73: {  	[spmem:s2] =	stream.indirect.scatter.add.f32 [tilespmem:s13], [sflag:$0x3], $0x80, s12, s12, $0xb8;
	[tilespmem:$0x1C800] =	vst v63  }
0x74: {  	_ = 	snop  }
0x75: {  	[tilespmem:s16], [sflag:$0x2] =	stream.indirect.gather [hbm4b:s4+s12], $0x80, s15, s12, $0xb8;
	[tilespmem:$0x1C800] =	vst v63  }
0x76: {  	_ =	swait.ge [sflag:s17], $0x4000  }
0x77: {  	[sflag:s17] =	ssyncset.done $0x0  }
0x78: {  	[sflag:s17] =	ssyncadd.s32 $0xFFFFC000  }
0x79: {  	[spmem:s2] =	stream.indirect.scatter.add.f32 [tilespmem:s16], [sflag:$0x4], $0x80, s18, s12, $0xb8;
	[tilespmem:$0x1C800] =	vst v63  }
0x7a: {  	_ =	swait.ge [sflag:s19], $0x4000  }
0x7b: {  	[sflag:s19] =	ssyncset.done $0x0  }
0x7c: {  	[sflag:s19] =	ssyncadd.s32 $0xFFFFC000  }
0x7d: {  	[tilespmem:s13], [sflag:$0x1] =	stream.indirect.gather [hbm4b:s4+s12], $0x80, s20, s12, $0xb8;
	[tilespmem:$0x1C800] =	vst v63  }
0x7e: {  	_ =	swait.ge [sflag:s14], $0x4000  }
0x7f: {  	[sflag:s14] =	ssyncset.done $0x0  }
0x80: {  	[sflag:s14] =	ssyncadd.s32 $0xFFFFC000  }
0x81: {  	[spmem:s2] =	stream.indirect.scatter.add.f32 [tilespmem:s13], [sflag:$0x3], $0x80, s21, s12, $0xb8;
	[tilespmem:$0x1C800] =	vst v63  }
0x82: {  	_ =	swait.ge [sflag:s22], $0x4000  }
0x83: {  	[sflag:s22] =	ssyncset.done $0x0  }
0x84: {  	[sflag:s22] =	ssyncadd.s32 $0xFFFFC000  }
0x85: {  	[tilespmem:s16], [sflag:$0x2] =	stream.indirect.gather [hbm4b:s4+s12], $0x80, s23, s12, $0xb8;
	[tilespmem:$0x1C800] =	vst v63  }
0x86: {  	_ =	swait.ge [sflag:s17], $0x4000  }
0x87: {  	[sflag:s17] =	ssyncset.done $0x0  }
0x88: {  	[sflag:s17] =	ssyncadd.s32 $0xFFFFC000  }
0x89: {  	[spmem:s2] =	stream.indirect.scatter.add.f32 [tilespmem:s16], [sflag:$0x4], $0x80, s24, s12, $0xb8;
	[tilespmem:$0x1C800] =	vst v63  }
0x8a: {  	_ =	swait.ge [sflag:s19], $0x4000  }
0x8b: {  	[sflag:s19] =	ssyncset.done $0x0  }
0x8c: {  	[sflag:s19] =	ssyncadd.s32 $0xFFFFC000  }
0x8d: {  	[tilespmem:s13], [sflag:$0x1] =	stream.indirect.gather [hbm4b:s4+s12], $0x80, s25, s12, $0xb8;
	[tilespmem:$0x1C800] =	vst v63  }
0x8e: {  	_ =	swait.ge [sflag:s14], $0x4000  }
0x8f: {  	[sflag:s14] =	ssyncset.done $0x0  }
0x90: {  	[sflag:s14] =	ssyncadd.s32 $0xFFFFC000  }
0x91: {  	[spmem:s2] =	stream.indirect.scatter.add.f32 [tilespmem:s13], [sflag:$0x3], $0x80, s26, s12, $0xb8;
	[tilespmem:$0x1C800] =	vst v63  }
0x92: {  	_ =	swait.ge [sflag:s22], $0x4000  }
0x93: {  	[sflag:s22] =	ssyncset.done $0x0  }
0x94: {  	[sflag:s22] =	ssyncadd.s32 $0xFFFFC000  }
0x95: {  	[tilespmem:s16], [sflag:$0x2] =	stream.indirect.gather [hbm4b:s4+s12], $0x80, s28, s12, $0xb8;
	[tilespmem:$0x1C800] =	vst v63  }
0x96: {  	_ =	swait.ge [sflag:s17], $0x4000  }
0x97: {  	[sflag:s17] =	ssyncset.done $0x0  }
0x98: {  	[sflag:s17] =	ssyncadd.s32 $0xFFFFC000  }
0x99: {  	[spmem:s2] =	stream.indirect.scatter.add.f32 [tilespmem:s16], [sflag:$0x4], $0x80, s29, s12, $0xb8;
	[tilespmem:$0x1C800] =	vst v63  }
0x9a: {  	_ =	swait.ge [sflag:s19], $0x4000  }
0x9b: {  	[sflag:s19] =	ssyncset.done $0x0  }
0x9c: {  	[sflag:s19] =	ssyncadd.s32 $0xFFFFC000  }
0x9d: {  	[tilespmem:s13], [sflag:$0x1] =	stream.indirect.gather [hbm4b:s4+s12], $0x80, s30, s12, $0xb8;
	[tilespmem:$0x1C800] =	vst v63  }
0x9e: {  	_ =	swait.ge [sflag:s14], $0x4000  }
0x9f: {  	[sflag:s14] =	ssyncset.done $0x0  }
0xa0: {  	[sflag:s14] =	ssyncadd.s32 $0xFFFFC000  }
0xa1: {  	[spmem:s2] =	stream.indirect.scatter.add.f32 [tilespmem:s13], [sflag:$0x3], $0x80, s31, s12, $0xb8;
	[tilespmem:$0x1C800] =	vst v63  }
0xa2: {  	_ =	swait.ge [sflag:s22], $0x4000  }
0xa3: {  	s7 =	sadd.s32 $0x100, s7;
	[sflag:s22] =	ssyncset.done $0x0  }
0xa4: {  	p0 =	sne.s32 s7, $0xA00;
	[sflag:s22] =	ssyncadd.s32 $0xFFFFC000  }
0xa5: {  	[tilespmem:s16], [sflag:$0x2] =	stream.indirect.gather [hbm4b:s4+s12], $0x80, s1, s12, $0xb8;
	[tilespmem:$0x1C800] =	vst v63  }
.Ltmp0:
0xa6: {  	_ =	swait.ge [sflag:s17], $0x4000;
	(pc) =	sbr.rel @p0 .LBB2_2-.Ltmp0, $4  }
0xa7: {  	[sflag:s17] =	ssyncset.done $0x0  }
0xa8: {  	[sflag:s17] =	ssyncadd.s32 $0xFFFFC000  }
0xa9: {  	[spmem:s2] =	stream.indirect.scatter.add.f32 [tilespmem:s16], [sflag:$0x4], $0x80, s0, s12, $0xb8;
	[tilespmem:$0x1C800] =	vst v63  }
0xaa: {  	_ =	swait.ge [sflag:s19], $0x4000  }
0xab: {  	[sflag:s19] =	ssyncset.done $0x0  }
0xac: {  	[sflag:s19] =	ssyncadd.s32 $0xFFFFC000  }
0xad: {  	_ =	swait.ge [sflag:s22], $0x4000  }
0xae: {  	[sflag:s22] =	ssyncset.done $0x0  }
0xaf: {  	[sflag:s22] =	ssyncadd.s32 $0xFFFFC000  }
0xb0: {  	[bflag:$0x0] =	sbarrier.arrive $0xFFFF  }
0xb1: {  	s7 =	sor.u32 $0x1C06, s5;
	s8 =	rddreg [dreg:$0x6]  }
0xb2: {  	[hbm:s8], [sflag:s7] =	dma.local [spmem:s10], $0x2800  }
0xb3: {  	_ =	swait.ge [sflag:s11], $0x2800  }
0xb4: {  	s6 =	sadd.s32 $0x1, s6;
	s9 =	rddreg [dreg:$0x7]  }
0xb5: {  	p0 =	sne.s32 s6, s9  }
.Ltmp1:
0xb6: {  	_ = 	snop;
	(pc) =	sbr.rel @p0 .LBB2_1-.Ltmp1, $3  }
0xb7: {  	_ =	sdelay $0x1  }
0xb8: {  	[sflag:s11] =	ssyncset.done $0x0  }
0xb9: {  	[sflag:s11] =	ssyncadd.s32 $0xFFFFD800  }
0xba: {  	_ =	sfence.sel $0x180000  }
0xbb: {  	[bflag:$0x0] =	sbarrier.arrive $0xFFFF  }
0xbc: {  	_ =	strace $0x9000004A  }
0xbd: {  	s0 =	stileid.u32;
	[bflag:$0x2] =	sbarrier.arrive $0xFFFF  }
0xbe: {  	p0 =	sne.s32 s0, $0x0;
	s0 =	rddreg [dreg:$0x2]  }
0xbf: {  	s0 =	sadd.s32 @!p0 $0x100000, s0  }
0xc0: {  	[sflag:s0] =	ssyncadd.tile.s32 @!p0 $0x1;
	_ =	shalt  }
.Lfunc_end2:
_tile_overlayer_lowered:
.L_overlay_start_2:
0xc1: {  	(tag) =	ssettag $0x2  }
0xc2: {  	s0 =	rddreg [dreg:$0x0];
	s2 =	stileid.u32  }
0xc3: {  	s1 =	rddreg [dreg:$0x1];
	p0 =	sne.s32 s2, $0x0  }
0xc4: {  	s3 =	rddreg [dreg:$0x2];
	[bflag:$0x3] =	sbarrier.arrive $0xFFFF;
	s2 =	simm.s32 @!p0 $0x1C06  }
0xc5: {  	[timem:s3], [sflag:s2] =	dma.local @!p0 [hbm:s0], s1  }
0xc6: {  	s0 =	simm.s32 @!p0 $0x6  }
0xc7: {  	_ =	swait.ge @!p0 [sflag:s0], s1  }
0xc8: {  	s1 =	ssub.s32 @!p0 $0x0, s1;
	[sflag:s0] =	ssyncset.done @!p0 $0x0  }
0xc9: {  	[sflag:s0] =	ssyncadd.s32 @!p0 s1  }
0xca: {  	[bflag:$0x3] =	sbarrier.arrive $0xFFFF  }
0xcb: {  	_ =	shalt  }

// kernel: kernel.14.cloned.1.call-start
scs
__scs_entry_jumppad:
0x0: {  	(pc) =	sbr.rel $0x88, $3  }
0x1: {  	(tag) =	ssettag $0x0;
	lr =	simm.s32 $0x1  }
0x2: {  	[smem:$0x3F8F] =	sst lr;
	_ =	strace $0xD0000000  }
0x3: {  	_ = 	snop  }
0x4: {  	_ = 	snop  }
0x5: {  	_ = 	snop  }
0x6: {  	_ = 	snop  }
0x7: {  	_ = 	snop  }
__scs_overlays_trampoline_lowered:
0x8: {  	[smem:$0x3F9E] =	sst s0  }
0x9: {  	[smem:$0x3F9F] =	sst s1  }
0xa: {  	[smem:$0x3FA0] =	sst s2  }
0xb: {  	[smem:$0x3FA1] =	sst s3  }
0xc: {  	[smem:$0x3FA2] =	sst s4  }
0xd: {  	[smem:$0x3FA3] =	sst s5  }
0xe: {  	[smem:$0x3FA4] =	sst s6  }
0xf: {  	[smem:$0x3FA5] =	sst s7  }
0x10: {  	[smem:$0x3FA6] =	sst s8  }
0x11: {  	[smem:$0x3FA7] =	sst s9;
	s0 =	simm.s32 @!p0 $0x0  }
0x12: {  	s1 =	sld [smem:$0x3F8D];
	s0 =	simm.s32 @p0 $0x1  }
0x13: {  	[smem:$0x3FA8] =	sst s0;
	s0 =	simm.s32 @!p1 $0x0  }
0x14: {  	s2 =	sld [smem:$0x3F8C];
	s0 =	simm.s32 @p1 $0x1  }
0x15: {  	[smem:$0x3FA9] =	sst s0;
	s0 =	simm.s32 @!p2 $0x0  }
0x16: {  	s3 =	sld [smem:$0x3FDB];
	s0 =	simm.s32 @p2 $0x1  }
0x17: {  	s4 =	simm.s32 $0x1BF5;
	[smem:$0x3FAB] =	sst s0  }
0x18: {  	s0 =	sld [smem:$0x3F8E];
	_ =	swait.ge [sflag:s4], $0x0  }
0x19: {  	s7 =	sld [smem:$0x3F8F]  }
0x1a: {  	s8 =	sadd.s32 $0xFFFFE003, lr  }
0x1b: {  	s9 =	sadd.s32 $0xFFFFFEF7, lr;
	s5 =	simm.s32 $0xFFFFFFFF;
	p2 =	slt.u32 s8, $0xFFFFF086  }
0x1c: {  	p1 =	slt.u32 s9, $0xF7A;
	s5 =	simm.s32 @!p2 $0x0  }
0x1d: {  	s5 =	simm.s32 @p1 $0x1;
	p0 =	seq.s32 s7, s2  }
0x1e: {  	s7 =	smul.u32 @!p0 $0xF7A, s2;
	p2 =	seq.s32 @!p0 s5, $0x0  }
0x1f: {  	s9 =	smul.u32 $0xF7A, s1;
	s8 =	simm.s32 @!p0 $0x1BF5;
	p2 =	por !p2, p0  }
0x20: {  	[sflag:s8] =	ssyncset.s32 @!p0 $0xFFFFF086;
	s6 =	sadd.s32 @!p0 s3, s7;
	s7 =	simm.s32 @!p0 $0x108  }
0x21: {  	s3 =	sadd.s32 s3, s9;
	s6 =	sadd.s32 @!p0 $0x88, s6;
	s7 =	simm.s32 @p2 $0x1082  }
0x22: {  	[simem:s7], [sflag:s8] =	dma.local @!p0 [hbm:s6], $0xF7A  }
0x23: {  	s9 =	sor.u32 $0xD0000000, s2;
	s6 =	simm.s32 $0x108;
	_ =	swait.ge @!p0 [sflag:s8], $0x0  }
0x24: {  	s3 =	sadd.s32 $0x88, s3;
	s6 =	simm.s32 @!p1 $0x1082;
	[sflag:s4] =	ssyncset.s32 $0xFFFFF086  }
0x25: {  	[simem:s6], [sflag:s4] =	dma.local [hbm:s3], $0xF7A  }
0x26: {  	[smem:$0x3F8F] =	sst s1;
	(tag) =	ssettag s2;
	_ =	strace s9  }
0x27: {  	s1 =	sld [smem:$0x3F9F]  }
0x28: {  	s2 =	sld [smem:$0x3FA0]  }
0x29: {  	s4 =	sld [smem:$0x3FA2]  }
0x2a: {  	p0 =	seq.s32 s5, $0x0;
	s5 =	sld [smem:$0x3FA3]  }
0x2b: {  	s6 =	sld [smem:$0x3FA4]  }
0x2c: {  	s7 =	sld [smem:$0x3FA5]  }
0x2d: {  	s3 =	simm.s32 $0x108;
	s8 =	sld [smem:$0x3FA6]  }
0x2e: {  	s3 =	simm.s32 @!p0 $0x1082;
	s9 =	sld [smem:$0x3FA7]  }
0x2f: {  	lr =	sadd.s32 s0, s3;
	s0 =	sld [smem:$0x3F9E]  }
0x30: {  	s3 =	sld [smem:$0x3FA1]  }
0x31: {  	[smem:$0x3FAA] =	sst s10  }
0x32: {  	s10 =	sld [smem:$0x3FA8];
	_ =	sdelay $0x3  }
0x33: {  	p0 =	seq.s32 s10, $0x1;
	s10 =	sld [smem:$0x3FAA];
	_ =	sdelay $0x3  }
0x34: {  	[smem:$0x3FAA] =	sst s10  }
0x35: {  	s10 =	sld [smem:$0x3FA9];
	_ =	sdelay $0x3  }
0x36: {  	p1 =	seq.s32 s10, $0x1;
	s10 =	sld [smem:$0x3FAA];
	_ =	sdelay $0x3  }
0x37: {  	[smem:$0x3FAA] =	sst s10  }
0x38: {  	s10 =	sld [smem:$0x3FAB]  }
0x39: {  	_ = 	snop;
	(pc) =	sbr.ind lr, $3  }
0x3a: {  	_ = 	snop  }
0x3b: {  	_ = 	snop  }
0x3c: {  	p2 =	seq.s32 s10, $0x1;
	s10 =	sld [smem:$0x3FAA]  }
0x3d: {  	_ =	shalt  }
0x3e: {  	_ =	shalt  }
0x3f: {  	_ =	shalt  }
0x40: {  	_ =	shalt  }
0x41: {  	_ =	shalt  }
0x42: {  	_ =	shalt  }
0x43: {  	_ =	shalt  }
0x44: {  	_ =	shalt  }
0x45: {  	_ =	shalt  }
0x46: {  	_ =	shalt  }
0x47: {  	_ =	shalt  }
0x48: {  	_ =	shalt  }
0x49: {  	_ =	shalt  }
0x4a: {  	_ =	shalt  }
0x4b: {  	_ =	shalt  }
0x4c: {  	_ =	shalt  }
0x4d: {  	_ =	shalt  }
0x4e: {  	_ =	shalt  }
0x4f: {  	_ =	shalt  }
0x50: {  	_ =	shalt  }
0x51: {  	_ =	shalt  }
0x52: {  	_ =	shalt  }
0x53: {  	_ =	shalt  }
0x54: {  	_ =	shalt  }
0x55: {  	_ =	shalt  }
0x56: {  	_ =	shalt  }
0x57: {  	_ =	shalt  }
0x58: {  	_ =	shalt  }
0x59: {  	_ =	shalt  }
0x5a: {  	_ =	shalt  }
0x5b: {  	_ =	shalt  }
0x5c: {  	_ =	shalt  }
0x5d: {  	_ =	shalt  }
0x5e: {  	_ =	shalt  }
0x5f: {  	_ =	shalt  }
0x60: {  	_ =	shalt  }
0x61: {  	_ =	shalt  }
0x62: {  	_ =	shalt  }
0x63: {  	_ =	shalt  }
0x64: {  	_ =	shalt  }
0x65: {  	_ =	shalt  }
0x66: {  	_ =	shalt  }
0x67: {  	_ =	shalt  }
0x68: {  	_ =	shalt  }
0x69: {  	_ =	shalt  }
0x6a: {  	_ =	shalt  }
0x6b: {  	_ =	shalt  }
0x6c: {  	_ =	shalt  }
0x6d: {  	_ =	shalt  }
0x6e: {  	_ =	shalt  }
0x6f: {  	_ =	shalt  }
0x70: {  	_ =	shalt  }
0x71: {  	_ =	shalt  }
0x72: {  	_ =	shalt  }
0x73: {  	_ =	shalt  }
0x74: {  	_ =	shalt  }
0x75: {  	_ =	shalt  }
0x76: {  	_ =	shalt  }
0x77: {  	_ =	shalt  }
0x78: {  	_ =	shalt  }
0x79: {  	_ =	shalt  }
0x7a: {  	_ =	shalt  }
0x7b: {  	_ =	shalt  }
0x7c: {  	_ =	shalt  }
0x7d: {  	_ =	shalt  }
0x7e: {  	_ =	shalt  }
0x7f: {  	_ =	shalt  }
0x80: {  	_ =	shalt  }
0x81: {  	_ =	shalt  }
0x82: {  	_ =	shalt  }
0x83: {  	_ =	shalt  }
0x84: {  	_ =	shalt  }
0x85: {  	_ =	shalt  }
0x86: {  	_ =	shalt  }
0x87: {  	_ =	shalt  }
.Lfunc_end0:
.L_simem_size_0:
called_computation.2_lowered:
.L_overlay_start_0:
0x88: {  	s2 =	sld [smem:$0x3FD9]  }
0x89: {  	s3 =	sld [smem:$0x3FFE];
	_ =	sdelay $0x1  }
0x8a: {  	s1 =	srdreg.scid  }
0x8b: {  	s0 =	sand.u32 $0x1, s1  }
0x8c: {  	s16 =	sshll.u32 s0, $0xA;
	s2 =	sadd.s32 s3, s2  }
0x8d: {  	s2 =	sadd.s32 s2, s16  }
0x8e: {  	[smem:$0x3FB6] =	sst s2  }
0x8f: {  	_ = 	snop  }
0x90: {  	(tm) =	ssettm $0x1  }
0x91: {  	s17 =	sld [smem:$0x3FFB];
	_ =	sdelay $0x3  }
0x92: {  	_ =	strace s17  }
0x93: {  	s2 =	sld [smem:$0x3FFC];
	_ =	sdelay $0x3  }
0x94: {  	_ =	strace s2  }
0x95: {  	s2 =	sld [smem:$0x3FFD];
	_ =	sdelay $0x3  }
0x96: {  	_ =	strace s2  }
0x97: {  	_ =	strace $0x8FFFFFFF  }
0x98: {  	s18 =	sld [smem:$0x3FDB];
	_ =	sdelay $0x1  }
0x99: {  	s19 =	simm.s32 $_scs_section_size  }
0x9a: {  	s4 =	simm.s32 $_size__tile_overlayer_lowered;
	s5 =	simm.s32 $_tile_overlayer_lowered  }
0x9b: {  	s22 =	simm.s32 $0x1BFF;
	s21 =	sshll.u32 s5, $0x1;
	s2 =	sadd.s32 s19, s18  }
0x9c: {  	s6 =	simm.s32 $0x0;
	s20 =	sshll.u32 s4, $0x1;
	s4 =	sadd.s32 s21, s2  }
0x9d: {  	[timem:s6], [sflag:s22] =	dma.local [hbm:s4], s20  }
0x9e: {  	_ =	swait.ge [sflag:s22], s20  }
0x9f: {  	s3 =	ssub.s32 $0x0, s20;
	[sflag:s22] =	ssyncset.done $0x0  }
0xa0: {  	[sflag:s22] =	ssyncadd.s32 s3;
	_ =	sdelay $0x1  }
0xa1: {  	s23 =	simm.s32 $0x1B8B  }
0xa2: {  	_ =	swait.ge [sflag:s23], $0x1  }
0xa3: {  	[sflag:s23] =	ssyncset.done $0x0  }
0xa4: {  	s25 =	simm.s32 $0x1B8E;
	s24 =	sld [smem:$0x3FFE];
	[sflag:s23] =	ssyncadd.s32 $0xFFFFFFFF  }
0xa5: {  	s26 =	simm.s32 $execute0_lowered;
	[smem:$0x3FD2] =	sst s25  }
0xa6: {  	s4 =	sshll.u32 s26, $0x1;
	_ =	strace $0x8000004C;
	[dreg:$0x1] =	wrdreg $0xFFFFFFFF  }
0xa7: {  	s28 =	simm.s32 $_size_execute0_lowered;
	s2 =	sadd.s32 s2, s4;
	[dreg:$0x0] =	wrdreg $0x0  }
0xa8: {  	s4 =	sshll.u32 s28, $0x1;
	[dreg:$0x2] =	wrdreg s2  }
0xa9: {  	[dreg:$0x3] =	wrdreg s4  }
0xaa: {  	[dreg:$0x4] =	wrdreg $0xC0  }
0xab: {  	_ =	task [dreg:s6], $0x5FFFF  }
0xac: {  	[dreg:$0x1] =	wrdreg $0xFFFFFFFF  }
0xad: {  	[dreg:$0x0] =	wrdreg $0x60  }
0xae: {  	[dreg:$0x2] =	wrdreg s24  }
0xaf: {  	[dreg:$0x3] =	wrdreg $0x88000  }
0xb0: {  	[dreg:$0x4] =	wrdreg $0x9  }
0xb1: {  	_ =	task.clear_ibuf [dreg:s6], $0x5FFFF;
	_ =	strace $0x9000004C  }
0xb2: {  	s29 =	simm.s32 $0x9;
	_ =	strace $0x8000004E  }
0xb3: {  	_ =	swait.ge [sflag:s29], $0x1  }
0xb4: {  	[sflag:s29] =	ssyncadd.s32 $0xFFFFFFFF  }
0xb5: {  	_ =	strace $0x9000004E  }
0xb6: {  	_ =	sfence  }
0xb7: {  	s30 =	sld [smem:$0x0];
	_ =	sdelay $0x2  }
0xb8: {  	s31 =	sshll.u32 s1, $0xD;
	s1 =	sshrl.u32 s1, $0x2  }
0xb9: {  	s3 =	sand.u32 $0x4000, s31;
	s1 =	sadd.s32 s1, s30  }
0xba: {  	s0 =	sor.u32 s3, s0;
	s1 =	sshll.u32 s1, $0x11  }
0xbb: {  	s0 =	sor.u32 s1, s0  }
0xbc: {  	s0 =	sadd.s32 $0x8F2B, s0  }
0xbd: {  	[sflag:s0] =	ssyncadd.remote.s32 $0x1  }
0xbe: {  	_ =	sfence.sel $0xFFFF  }
0xbf: {  	[dreg:$0x0] =	wrdreg $0xFFFFFFFF;
	(pc) =	sbr.abs _section_cstart, $3  }
0xc0: {  	[dreg:$0x1] =	wrdreg $0xFFFFFFFF  }
0xc1: {  	_ =	task.clear_ibuf [dreg:s6], $0x2FFFF;
	_ =	strace $0x9FFFFFFF  }
0xc2: {  	(tm) =	ssettm $0x7FFFFFFF  }
0xc3: {  	_ =	shalt  }
tec
execute0_lowered:
.L_overlay_start_1:
0x0: {  	(tag) =	ssettag $0x1  }
0x1: {  	s0 =	srdreg.scid;
	s1 =	rddreg [dreg:$0x0]  }
0x2: {  	s9 =	stileid.u32;
	s2 =	rddreg [dreg:$0x1];
	s3 =	simm.s32 $0x0  }
0x3: {  	s11 =	simm.s32 $0x6;
	s12 =	simm.s32 $0x80;
	s13 =	simm.s32 $0x800  }
0x4: {  	s14 =	simm.s32 $0x1;
	s15 =	simm.s32 $0x100;
	s16 =	simm.s32 $0x4800  }
0x5: {  	s17 =	simm.s32 $0x2;
	s18 =	simm.s32 $0x180;
	s19 =	simm.s32 $0x3  }
0x6: {  	s20 =	simm.s32 $0x200;
	s21 =	simm.s32 $0x280;
	s4 =	smul.u32 $0xA000, s9  }
0x7: {  	s22 =	simm.s32 $0x4;
	s28 =	simm.s32 $0x500;
	s23 =	smul.u32 $0x14000, s9  }
0x8: {  	s29 =	simm.s32 $0x580;
	s0 =	sand.u32 $0x1, s0;
	s24 =	smul.u32 $0x50000, s9  }
0x9: {  	s30 =	simm.s32 $0x600;
	s31 =	simm.s32 $0x680;
	s5 =	smul.u32 $0x5000, s0  }
0xa: {  	[smem:$0x7FF] =	sst s3;
	s7 =	smul.u32 $0x140000, s0;
	s0 =	ssub.s32 $0x2, s0  }
0xb: {  	_ =	strace $0x8000004D;
	s8 =	sshrl.u32 s23, $0x3;
	s25 =	sshrl.u32 s0, $0x1  }
0xc: {  	s4 =	sadd.s32 s5, s4;
	s5 =	sadd.s32 s23, s7;
	s8 =	sadd.s32 s8, s1  }
0xd: {  	s7 =	sshrl.u32 s24, $0x2;
	s0 =	ssub.s32 s0, s25;
	s23 =	simm.s32 $0x300  }
0xe: {  	s6 =	sshrl.u32 s4, $0x3;
	s4 =	sadd.s32 $0x3FE00, s1;
	s5 =	sshrl.u32 s5, $0x3  }
0xf: {  	s8 =	sadd.s32 $0x67E00, s8;
	s0 =	smax.u32 s0, $0x1;
	s6 =	sadd.s32 s6, s1  }
0x10: {  	s1 =	sadd.s32 s5, s1;
	s5 =	sshll.u32 s9, $0x6;
	[dreg:$0x4] =	wrdreg s8  }
0x11: {  	s24 =	simm.s32 $0x380;
	[dreg:$0x7] =	wrdreg s0;
	s26 =	sor.u32 $0x1C05, s5  }
0x12: {  	s25 =	simm.s32 $0x400;
	s1 =	sadd.s32 $0x8FE00, s1;
	[dreg:$0x5] =	wrdreg s26  }
0x13: {  	s7 =	sadd.s32 s7, s2;
	s6 =	sadd.s32 $0x3E00, s6;
	[dreg:$0x6] =	wrdreg s1  }
0x14: {  	s10 =	sshrl.u32 s7, $0x3;
	s0 =	simm.s32 $0x780;
	[dreg:$0x3] =	wrdreg s6  }
0x15: {  	s26 =	simm.s32 $0x480;
	s1 =	simm.s32 $0x700;
	s6 =	simm.s32 $0x0  }
.LBB2_1:
0x16: {  	s7 =	rddreg [dreg:$0x4]  }
0x17: {  	s8 =	rddreg [dreg:$0x5]  }
0x18: {  	[spmem:s10], [sflag:s8] =	dma.local [hbm:s7], $0x2800  }
0x19: {  	s7 =	rddreg [dreg:$0x3]  }
0x1a: {  	s7 =	sadd.s32 $0x0, s7  }
0x1b: {  	[tilespmem:s3], [sflag:$0x6] =	stream.linear.gather [hbm4b:s7+s3], $0x800, $0x38;
	[tilespmem:$0x1C800] =	vst v63  }
0x1c: {  	_ =	swait.ge [sflag:s11], $0x800  }
0x1d: {  	p0 =	por $0x0, $0x0;
	[sflag:s11] =	ssyncset.done $0x0  }
0x1e: {  	s7 =	simm.s32 @p0 $0x4;
	[sflag:s11] =	ssyncadd.s32 $0xFFFFF800  }
0x1f: {  	[tilespmem:s13], [sflag:$0x1] =	stream.indirect.gather [hbm4b:s4+s12], $0x80, s3, s12, $0xb8;
	[tilespmem:$0x1C800] =	vst v63  }
0x20: {  	_ =	swait.ge @p0 [sflag:s7], $0x4000  }
0x21: {  	[sflag:s7] =	ssyncset.done @p0 $0x0  }
0x22: {  	[sflag:s7] =	ssyncadd.s32 @p0 $0xFFFFC000;
	s7 =	simm.s32 @!p0 $0x5  }
0x23: {  	_ =	swait.ge @!p0 [sflag:s7], $0x2800  }
0x24: {  	[sflag:s7] =	ssyncset.done @!p0 $0x0  }
0x25: {  	[sflag:s7] =	ssyncadd.s32 @!p0 $0xFFFFD800  }
0x26: {  	[bflag:$0x0] =	sbarrier.arrive @!p0 $0xFFFF  }
0x27: {  	_ =	swait.ge [sflag:s14], $0x4000  }
0x28: {  	[sflag:s14] =	ssyncset.done $0x0  }
0x29: {  	[sflag:s14] =	ssyncadd.s32 $0xFFFFC000  }
0x2a: {  	[spmem:s2] =	stream.indirect.scatter.add.f32 [tilespmem:s13], [sflag:$0x3], $0x80, s12, s12, $0xb8;
	[tilespmem:$0x1C800] =	vst v63  }
0x2b: {  	_ = 	snop  }
0x2c: {  	[tilespmem:s16], [sflag:$0x2] =	stream.indirect.gather [hbm4b:s4+s12], $0x80, s15, s12, $0xb8;
	[tilespmem:$0x1C800] =	vst v63  }
0x2d: {  	_ =	swait.ge [sflag:s17], $0x4000  }
0x2e: {  	[sflag:s17] =	ssyncset.done $0x0  }
0x2f: {  	[sflag:s17] =	ssyncadd.s32 $0xFFFFC000  }
0x30: {  	[spmem:s2] =	stream.indirect.scatter.add.f32 [tilespmem:s16], [sflag:$0x4], $0x80, s18, s12, $0xb8;
	[tilespmem:$0x1C800] =	vst v63  }
0x31: {  	_ =	swait.ge [sflag:s19], $0x4000  }
0x32: {  	[sflag:s19] =	ssyncset.done $0x0  }
0x33: {  	[sflag:s19] =	ssyncadd.s32 $0xFFFFC000  }
0x34: {  	[tilespmem:s13], [sflag:$0x1] =	stream.indirect.gather [hbm4b:s4+s12], $0x80, s20, s12, $0xb8;
	[tilespmem:$0x1C800] =	vst v63  }
0x35: {  	_ =	swait.ge [sflag:s14], $0x4000  }
0x36: {  	[sflag:s14] =	ssyncset.done $0x0  }
0x37: {  	[sflag:s14] =	ssyncadd.s32 $0xFFFFC000  }
0x38: {  	[spmem:s2] =	stream.indirect.scatter.add.f32 [tilespmem:s13], [sflag:$0x3], $0x80, s21, s12, $0xb8;
	[tilespmem:$0x1C800] =	vst v63  }
0x39: {  	_ =	swait.ge [sflag:s22], $0x4000  }
0x3a: {  	[sflag:s22] =	ssyncset.done $0x0  }
0x3b: {  	[sflag:s22] =	ssyncadd.s32 $0xFFFFC000  }
0x3c: {  	[tilespmem:s16], [sflag:$0x2] =	stream.indirect.gather [hbm4b:s4+s12], $0x80, s23, s12, $0xb8;
	[tilespmem:$0x1C800] =	vst v63  }
0x3d: {  	_ =	swait.ge [sflag:s17], $0x4000  }
0x3e: {  	[sflag:s17] =	ssyncset.done $0x0  }
0x3f: {  	[sflag:s17] =	ssyncadd.s32 $0xFFFFC000  }
0x40: {  	[spmem:s2] =	stream.indirect.scatter.add.f32 [tilespmem:s16], [sflag:$0x4], $0x80, s24, s12, $0xb8;
	[tilespmem:$0x1C800] =	vst v63  }
0x41: {  	_ =	swait.ge [sflag:s19], $0x4000  }
0x42: {  	[sflag:s19] =	ssyncset.done $0x0  }
0x43: {  	[sflag:s19] =	ssyncadd.s32 $0xFFFFC000  }
0x44: {  	[tilespmem:s13], [sflag:$0x1] =	stream.indirect.gather [hbm4b:s4+s12], $0x80, s25, s12, $0xb8;
	[tilespmem:$0x1C800] =	vst v63  }
0x45: {  	_ =	swait.ge [sflag:s14], $0x4000  }
0x46: {  	[sflag:s14] =	ssyncset.done $0x0  }
0x47: {  	[sflag:s14] =	ssyncadd.s32 $0xFFFFC000  }
0x48: {  	[spmem:s2] =	stream.indirect.scatter.add.f32 [tilespmem:s13], [sflag:$0x3], $0x80, s26, s12, $0xb8;
	[tilespmem:$0x1C800] =	vst v63  }
0x49: {  	_ =	swait.ge [sflag:s22], $0x4000  }
0x4a: {  	[sflag:s22] =	ssyncset.done $0x0  }
0x4b: {  	[sflag:s22] =	ssyncadd.s32 $0xFFFFC000  }
0x4c: {  	[tilespmem:s16], [sflag:$0x2] =	stream.indirect.gather [hbm4b:s4+s12], $0x80, s28, s12, $0xb8;
	[tilespmem:$0x1C800] =	vst v63  }
0x4d: {  	_ =	swait.ge [sflag:s17], $0x4000  }
0x4e: {  	[sflag:s17] =	ssyncset.done $0x0  }
0x4f: {  	[sflag:s17] =	ssyncadd.s32 $0xFFFFC000  }
0x50: {  	[spmem:s2] =	stream.indirect.scatter.add.f32 [tilespmem:s16], [sflag:$0x4], $0x80, s29, s12, $0xb8;
	[tilespmem:$0x1C800] =	vst v63  }
0x51: {  	_ =	swait.ge [sflag:s19], $0x4000  }
0x52: {  	[sflag:s19] =	ssyncset.done $0x0  }
0x53: {  	[sflag:s19] =	ssyncadd.s32 $0xFFFFC000  }
0x54: {  	[tilespmem:s13], [sflag:$0x1] =	stream.indirect.gather [hbm4b:s4+s12], $0x80, s30, s12, $0xb8;
	[tilespmem:$0x1C800] =	vst v63  }
0x55: {  	_ =	swait.ge [sflag:s14], $0x4000  }
0x56: {  	[sflag:s14] =	ssyncset.done $0x0  }
0x57: {  	[sflag:s14] =	ssyncadd.s32 $0xFFFFC000  }
0x58: {  	[spmem:s2] =	stream.indirect.scatter.add.f32 [tilespmem:s13], [sflag:$0x3], $0x80, s31, s12, $0xb8;
	[tilespmem:$0x1C800] =	vst v63  }
0x59: {  	_ =	swait.ge [sflag:s22], $0x4000  }
0x5a: {  	[sflag:s22] =	ssyncset.done $0x0  }
0x5b: {  	[sflag:s22] =	ssyncadd.s32 $0xFFFFC000  }
0x5c: {  	[tilespmem:s16], [sflag:$0x2] =	stream.indirect.gather [hbm4b:s4+s12], $0x80, s1, s12, $0xb8;
	[tilespmem:$0x1C800] =	vst v63  }
0x5d: {  	_ =	swait.ge [sflag:s17], $0x4000  }
0x5e: {  	[sflag:s17] =	ssyncset.done $0x0  }
0x5f: {  	[sflag:s17] =	ssyncadd.s32 $0xFFFFC000  }
0x60: {  	[spmem:s2] =	stream.indirect.scatter.add.f32 [tilespmem:s16], [sflag:$0x4], $0x80, s0, s12, $0xb8;
	[tilespmem:$0x1C800] =	vst v63  }
0x61: {  	s7 =	simm.s32 $0x100;
	_ =	swait.ge [sflag:s19], $0x4000  }
.LBB2_2:
0x62: {  	s8 =	rddreg [dreg:$0x3];
	s9 =	smov.u32 s7;
	[sflag:s19] =	ssyncset.done $0x0  }
0x63: {  	s8 =	sadd.s32 s9, s8;
	[sflag:s19] =	ssyncadd.s32 $0xFFFFC000  }
0x64: {  	[tilespmem:s3], [sflag:$0x6] =	stream.linear.gather [hbm4b:s8+s3], $0x800, $0x38;
	[tilespmem:$0x1C800] =	vst v63  }
0x65: {  	_ =	swait.ge [sflag:s11], $0x800  }
0x66: {  	p1 =	sne.s32 s9, $0x0;
	[sflag:s11] =	ssyncset.done $0x0  }
0x67: {  	s8 =	simm.s32 @p1 $0x4;
	[sflag:s11] =	ssyncadd.s32 $0xFFFFF800  }
0x68: {  	[tilespmem:s13], [sflag:$0x1] =	stream.indirect.gather [hbm4b:s4+s12], $0x80, s3, s12, $0xb8;
	[tilespmem:$0x1C800] =	vst v63  }
0x69: {  	_ =	swait.ge @p1 [sflag:s8], $0x4000  }
0x6a: {  	[sflag:s8] =	ssyncset.done @p1 $0x0  }
0x6b: {  	[sflag:s8] =	ssyncadd.s32 @p1 $0xFFFFC000;
	s8 =	simm.s32 @!p1 $0x5  }
0x6c: {  	_ =	swait.ge @!p1 [sflag:s8], $0x2800  }
0x6d: {  	[sflag:s8] =	ssyncset.done @!p1 $0x0  }
0x6e: {  	[sflag:s8] =	ssyncadd.s32 @!p1 $0xFFFFD800  }
0x6f: {  	[bflag:$0x0] =	sbarrier.arrive @!p1 $0xFFFF  }
0x70: {  	_ =	swait.ge [sflag:s14], $0x4000  }
0x71: {  	[sflag:s14] =	ssyncset.done $0x0  }
0x72: {  	[sflag:s14] =	ssyncadd.s32 $0xFFFFC000  }
0x73: {  	[spmem:s2] =	stream.indirect.scatter.add.f32 [tilespmem:s13], [sflag:$0x3], $0x80, s12, s12, $0xb8;
	[tilespmem:$0x1C800] =	vst v63  }
0x74: {  	_ = 	snop  }
0x75: {  	[tilespmem:s16], [sflag:$0x2] =	stream.indirect.gather [hbm4b:s4+s12], $0x80, s15, s12, $0xb8;
	[tilespmem:$0x1C800] =	vst v63  }
0x76: {  	_ =	swait.ge [sflag:s17], $0x4000  }
0x77: {  	[sflag:s17] =	ssyncset.done $0x0  }
0x78: {  	[sflag:s17] =	ssyncadd.s32 $0xFFFFC000  }
0x79: {  	[spmem:s2] =	stream.indirect.scatter.add.f32 [tilespmem:s16], [sflag:$0x4], $0x80, s18, s12, $0xb8;
	[tilespmem:$0x1C800] =	vst v63  }
0x7a: {  	_ =	swait.ge [sflag:s19], $0x4000  }
0x7b: {  	[sflag:s19] =	ssyncset.done $0x0  }
0x7c: {  	[sflag:s19] =	ssyncadd.s32 $0xFFFFC000  }
0x7d: {  	[tilespmem:s13], [sflag:$0x1] =	stream.indirect.gather [hbm4b:s4+s12], $0x80, s20, s12, $0xb8;
	[tilespmem:$0x1C800] =	vst v63  }
0x7e: {  	_ =	swait.ge [sflag:s14], $0x4000  }
0x7f: {  	[sflag:s14] =	ssyncset.done $0x0  }
0x80: {  	[sflag:s14] =	ssyncadd.s32 $0xFFFFC000  }
0x81: {  	[spmem:s2] =	stream.indirect.scatter.add.f32 [tilespmem:s13], [sflag:$0x3], $0x80, s21, s12, $0xb8;
	[tilespmem:$0x1C800] =	vst v63  }
0x82: {  	_ =	swait.ge [sflag:s22], $0x4000  }
0x83: {  	[sflag:s22] =	ssyncset.done $0x0  }
0x84: {  	[sflag:s22] =	ssyncadd.s32 $0xFFFFC000  }
0x85: {  	[tilespmem:s16], [sflag:$0x2] =	stream.indirect.gather [hbm4b:s4+s12], $0x80, s23, s12, $0xb8;
	[tilespmem:$0x1C800] =	vst v63  }
0x86: {  	_ =	swait.ge [sflag:s17], $0x4000  }
0x87: {  	[sflag:s17] =	ssyncset.done $0x0  }
0x88: {  	[sflag:s17] =	ssyncadd.s32 $0xFFFFC000  }
0x89: {  	[spmem:s2] =	stream.indirect.scatter.add.f32 [tilespmem:s16], [sflag:$0x4], $0x80, s24, s12, $0xb8;
	[tilespmem:$0x1C800] =	vst v63  }
0x8a: {  	_ =	swait.ge [sflag:s19], $0x4000  }
0x8b: {  	[sflag:s19] =	ssyncset.done $0x0  }
0x8c: {  	[sflag:s19] =	ssyncadd.s32 $0xFFFFC000  }
0x8d: {  	[tilespmem:s13], [sflag:$0x1] =	stream.indirect.gather [hbm4b:s4+s12], $0x80, s25, s12, $0xb8;
	[tilespmem:$0x1C800] =	vst v63  }
0x8e: {  	_ =	swait.ge [sflag:s14], $0x4000  }
0x8f: {  	[sflag:s14] =	ssyncset.done $0x0  }
0x90: {  	[sflag:s14] =	ssyncadd.s32 $0xFFFFC000  }
0x91: {  	[spmem:s2] =	stream.indirect.scatter.add.f32 [tilespmem:s13], [sflag:$0x3], $0x80, s26, s12, $0xb8;
	[tilespmem:$0x1C800] =	vst v63  }
0x92: {  	_ =	swait.ge [sflag:s22], $0x4000  }
0x93: {  	[sflag:s22] =	ssyncset.done $0x0  }
0x94: {  	[sflag:s22] =	ssyncadd.s32 $0xFFFFC000  }
0x95: {  	[tilespmem:s16], [sflag:$0x2] =	stream.indirect.gather [hbm4b:s4+s12], $0x80, s28, s12, $0xb8;
	[tilespmem:$0x1C800] =	vst v63  }
0x96: {  	_ =	swait.ge [sflag:s17], $0x4000  }
0x97: {  	[sflag:s17] =	ssyncset.done $0x0  }
0x98: {  	[sflag:s17] =	ssyncadd.s32 $0xFFFFC000  }
0x99: {  	[spmem:s2] =	stream.indirect.scatter.add.f32 [tilespmem:s16], [sflag:$0x4], $0x80, s29, s12, $0xb8;
	[tilespmem:$0x1C800] =	vst v63  }
0x9a: {  	_ =	swait.ge [sflag:s19], $0x4000  }
0x9b: {  	[sflag:s19] =	ssyncset.done $0x0  }
0x9c: {  	[sflag:s19] =	ssyncadd.s32 $0xFFFFC000  }
0x9d: {  	[tilespmem:s13], [sflag:$0x1] =	stream.indirect.gather [hbm4b:s4+s12], $0x80, s30, s12, $0xb8;
	[tilespmem:$0x1C800] =	vst v63  }
0x9e: {  	_ =	swait.ge [sflag:s14], $0x4000  }
0x9f: {  	[sflag:s14] =	ssyncset.done $0x0  }
0xa0: {  	[sflag:s14] =	ssyncadd.s32 $0xFFFFC000  }
0xa1: {  	[spmem:s2] =	stream.indirect.scatter.add.f32 [tilespmem:s13], [sflag:$0x3], $0x80, s31, s12, $0xb8;
	[tilespmem:$0x1C800] =	vst v63  }
0xa2: {  	_ =	swait.ge [sflag:s22], $0x4000  }
0xa3: {  	s7 =	sadd.s32 $0x100, s7;
	[sflag:s22] =	ssyncset.done $0x0  }
0xa4: {  	p0 =	sne.s32 s7, $0xA00;
	[sflag:s22] =	ssyncadd.s32 $0xFFFFC000  }
0xa5: {  	[tilespmem:s16], [sflag:$0x2] =	stream.indirect.gather [hbm4b:s4+s12], $0x80, s1, s12, $0xb8;
	[tilespmem:$0x1C800] =	vst v63  }
.Ltmp0:
0xa6: {  	_ =	swait.ge [sflag:s17], $0x4000;
	(pc) =	sbr.rel @p0 .LBB2_2-.Ltmp0, $4  }
0xa7: {  	[sflag:s17] =	ssyncset.done $0x0  }
0xa8: {  	[sflag:s17] =	ssyncadd.s32 $0xFFFFC000  }
0xa9: {  	[spmem:s2] =	stream.indirect.scatter.add.f32 [tilespmem:s16], [sflag:$0x4], $0x80, s0, s12, $0xb8;
	[tilespmem:$0x1C800] =	vst v63  }
0xaa: {  	_ =	swait.ge [sflag:s19], $0x4000  }
0xab: {  	[sflag:s19] =	ssyncset.done $0x0  }
0xac: {  	[sflag:s19] =	ssyncadd.s32 $0xFFFFC000  }
0xad: {  	_ =	swait.ge [sflag:s22], $0x4000  }
0xae: {  	[sflag:s22] =	ssyncset.done $0x0  }
0xaf: {  	[sflag:s22] =	ssyncadd.s32 $0xFFFFC000  }
0xb0: {  	[bflag:$0x0] =	sbarrier.arrive $0xFFFF  }
0xb1: {  	s7 =	sor.u32 $0x1C06, s5;
	s8 =	rddreg [dreg:$0x6]  }
0xb2: {  	[hbm:s8], [sflag:s7] =	dma.local [spmem:s10], $0x2800  }
0xb3: {  	_ =	swait.ge [sflag:s11], $0x2800  }
0xb4: {  	s6 =	sadd.s32 $0x1, s6;
	s9 =	rddreg [dreg:$0x7]  }
0xb5: {  	p0 =	sne.s32 s6, s9  }
.Ltmp1:
0xb6: {  	_ = 	snop;
	(pc) =	sbr.rel @p0 .LBB2_1-.Ltmp1, $3  }
0xb7: {  	_ =	sdelay $0x1  }
0xb8: {  	[sflag:s11] =	ssyncset.done $0x0  }
0xb9: {  	[sflag:s11] =	ssyncadd.s32 $0xFFFFD800  }
0xba: {  	_ =	sfence.sel $0x180000  }
0xbb: {  	[bflag:$0x0] =	sbarrier.arrive $0xFFFF  }
0xbc: {  	_ =	strace $0x9000004D  }
0xbd: {  	s0 =	stileid.u32;
	[bflag:$0x2] =	sbarrier.arrive $0xFFFF  }
0xbe: {  	p0 =	sne.s32 s0, $0x0;
	s0 =	rddreg [dreg:$0x2]  }
0xbf: {  	s0 =	sadd.s32 @!p0 $0x100000, s0  }
0xc0: {  	[sflag:s0] =	ssyncadd.tile.s32 @!p0 $0x1;
	_ =	shalt  }
.Lfunc_end2:
_tile_overlayer_lowered:
.L_overlay_start_2:
0xc1: {  	(tag) =	ssettag $0x2  }
0xc2: {  	s0 =	rddreg [dreg:$0x0];
	s2 =	stileid.u32  }
0xc3: {  	s1 =	rddreg [dreg:$0x1];
	p0 =	sne.s32 s2, $0x0  }
0xc4: {  	s3 =	rddreg [dreg:$0x2];
	[bflag:$0x3] =	sbarrier.arrive $0xFFFF;
	s2 =	simm.s32 @!p0 $0x1C06  }
0xc5: {  	[timem:s3], [sflag:s2] =	dma.local @!p0 [hbm:s0], s1  }
0xc6: {  	s0 =	simm.s32 @!p0 $0x6  }
0xc7: {  	_ =	swait.ge @!p0 [sflag:s0], s1  }
0xc8: {  	s1 =	ssub.s32 @!p0 $0x0, s1;
	[sflag:s0] =	ssyncset.done @!p0 $0x0  }
0xc9: {  	[sflag:s0] =	ssyncadd.s32 @!p0 s1  }
0xca: {  	[bflag:$0x3] =	sbarrier.arrive $0xFFFF  }
0xcb: {  	_ =	shalt  }

// kernel: kernel.8.cloned.1.call-start
scs
__scs_entry_jumppad:
0x0: {  	(pc) =	sbr.rel $0x88, $3  }
0x1: {  	(tag) =	ssettag $0x0;
	lr =	simm.s32 $0x1  }
0x2: {  	[smem:$0x3F8F] =	sst lr;
	_ =	strace $0xD0000000  }
0x3: {  	_ = 	snop  }
0x4: {  	_ = 	snop  }
0x5: {  	_ = 	snop  }
0x6: {  	_ = 	snop  }
0x7: {  	_ = 	snop  }
__scs_overlays_trampoline_lowered:
0x8: {  	[smem:$0x3F9E] =	sst s0  }
0x9: {  	[smem:$0x3F9F] =	sst s1  }
0xa: {  	[smem:$0x3FA0] =	sst s2  }
0xb: {  	[smem:$0x3FA1] =	sst s3  }
0xc: {  	[smem:$0x3FA2] =	sst s4  }
0xd: {  	[smem:$0x3FA3] =	sst s5  }
0xe: {  	[smem:$0x3FA4] =	sst s6  }
0xf: {  	[smem:$0x3FA5] =	sst s7  }
0x10: {  	[smem:$0x3FA6] =	sst s8  }
0x11: {  	[smem:$0x3FA7] =	sst s9;
	s0 =	simm.s32 @!p0 $0x0  }
0x12: {  	s1 =	sld [smem:$0x3F8D];
	s0 =	simm.s32 @p0 $0x1  }
0x13: {  	[smem:$0x3FA8] =	sst s0;
	s0 =	simm.s32 @!p1 $0x0  }
0x14: {  	s2 =	sld [smem:$0x3F8C];
	s0 =	simm.s32 @p1 $0x1  }
0x15: {  	[smem:$0x3FA9] =	sst s0;
	s0 =	simm.s32 @!p2 $0x0  }
0x16: {  	s3 =	sld [smem:$0x3FDB];
	s0 =	simm.s32 @p2 $0x1  }
0x17: {  	s4 =	simm.s32 $0x1BF5;
	[smem:$0x3FAB] =	sst s0  }
0x18: {  	s0 =	sld [smem:$0x3F8E];
	_ =	swait.ge [sflag:s4], $0x0  }
0x19: {  	s7 =	sld [smem:$0x3F8F]  }
0x1a: {  	s8 =	sadd.s32 $0xFFFFE003, lr  }
0x1b: {  	s9 =	sadd.s32 $0xFFFFFEF7, lr;
	s5 =	simm.s32 $0xFFFFFFFF;
	p2 =	slt.u32 s8, $0xFFFFF086  }
0x1c: {  	p1 =	slt.u32 s9, $0xF7A;
	s5 =	simm.s32 @!p2 $0x0  }
0x1d: {  	s5 =	simm.s32 @p1 $0x1;
	p0 =	seq.s32 s7, s2  }
0x1e: {  	s7 =	smul.u32 @!p0 $0xF7A, s2;
	p2 =	seq.s32 @!p0 s5, $0x0  }
0x1f: {  	s9 =	smul.u32 $0xF7A, s1;
	s8 =	simm.s32 @!p0 $0x1BF5;
	p2 =	por !p2, p0  }
0x20: {  	[sflag:s8] =	ssyncset.s32 @!p0 $0xFFFFF086;
	s6 =	sadd.s32 @!p0 s3, s7;
	s7 =	simm.s32 @!p0 $0x108  }
0x21: {  	s3 =	sadd.s32 s3, s9;
	s6 =	sadd.s32 @!p0 $0x88, s6;
	s7 =	simm.s32 @p2 $0x1082  }
0x22: {  	[simem:s7], [sflag:s8] =	dma.local @!p0 [hbm:s6], $0xF7A  }
0x23: {  	s9 =	sor.u32 $0xD0000000, s2;
	s6 =	simm.s32 $0x108;
	_ =	swait.ge @!p0 [sflag:s8], $0x0  }
0x24: {  	s3 =	sadd.s32 $0x88, s3;
	s6 =	simm.s32 @!p1 $0x1082;
	[sflag:s4] =	ssyncset.s32 $0xFFFFF086  }
0x25: {  	[simem:s6], [sflag:s4] =	dma.local [hbm:s3], $0xF7A  }
0x26: {  	[smem:$0x3F8F] =	sst s1;
	(tag) =	ssettag s2;
	_ =	strace s9  }
0x27: {  	s1 =	sld [smem:$0x3F9F]  }
0x28: {  	s2 =	sld [smem:$0x3FA0]  }
0x29: {  	s4 =	sld [smem:$0x3FA2]  }
0x2a: {  	p0 =	seq.s32 s5, $0x0;
	s5 =	sld [smem:$0x3FA3]  }
0x2b: {  	s6 =	sld [smem:$0x3FA4]  }
0x2c: {  	s7 =	sld [smem:$0x3FA5]  }
0x2d: {  	s3 =	simm.s32 $0x108;
	s8 =	sld [smem:$0x3FA6]  }
0x2e: {  	s3 =	simm.s32 @!p0 $0x1082;
	s9 =	sld [smem:$0x3FA7]  }
0x2f: {  	lr =	sadd.s32 s0, s3;
	s0 =	sld [smem:$0x3F9E]  }
0x30: {  	s3 =	sld [smem:$0x3FA1]  }
0x31: {  	[smem:$0x3FAA] =	sst s10  }
0x32: {  	s10 =	sld [smem:$0x3FA8];
	_ =	sdelay $0x3  }
0x33: {  	p0 =	seq.s32 s10, $0x1;
	s10 =	sld [smem:$0x3FAA];
	_ =	sdelay $0x3  }
0x34: {  	[smem:$0x3FAA] =	sst s10  }
0x35: {  	s10 =	sld [smem:$0x3FA9];
	_ =	sdelay $0x3  }
0x36: {  	p1 =	seq.s32 s10, $0x1;
	s10 =	sld [smem:$0x3FAA];
	_ =	sdelay $0x3  }
0x37: {  	[smem:$0x3FAA] =	sst s10  }
0x38: {  	s10 =	sld [smem:$0x3FAB]  }
0x39: {  	_ = 	snop;
	(pc) =	sbr.ind lr, $3  }
0x3a: {  	_ = 	snop  }
0x3b: {  	_ = 	snop  }
0x3c: {  	p2 =	seq.s32 s10, $0x1;
	s10 =	sld [smem:$0x3FAA]  }
0x3d: {  	_ =	shalt  }
0x3e: {  	_ =	shalt  }
0x3f: {  	_ =	shalt  }
0x40: {  	_ =	shalt  }
0x41: {  	_ =	shalt  }
0x42: {  	_ =	shalt  }
0x43: {  	_ =	shalt  }
0x44: {  	_ =	shalt  }
0x45: {  	_ =	shalt  }
0x46: {  	_ =	shalt  }
0x47: {  	_ =	shalt  }
0x48: {  	_ =	shalt  }
0x49: {  	_ =	shalt  }
0x4a: {  	_ =	shalt  }
0x4b: {  	_ =	shalt  }
0x4c: {  	_ =	shalt  }
0x4d: {  	_ =	shalt  }
0x4e: {  	_ =	shalt  }
0x4f: {  	_ =	shalt  }
0x50: {  	_ =	shalt  }
0x51: {  	_ =	shalt  }
0x52: {  	_ =	shalt  }
0x53: {  	_ =	shalt  }
0x54: {  	_ =	shalt  }
0x55: {  	_ =	shalt  }
0x56: {  	_ =	shalt  }
0x57: {  	_ =	shalt  }
0x58: {  	_ =	shalt  }
0x59: {  	_ =	shalt  }
0x5a: {  	_ =	shalt  }
0x5b: {  	_ =	shalt  }
0x5c: {  	_ =	shalt  }
0x5d: {  	_ =	shalt  }
0x5e: {  	_ =	shalt  }
0x5f: {  	_ =	shalt  }
0x60: {  	_ =	shalt  }
0x61: {  	_ =	shalt  }
0x62: {  	_ =	shalt  }
0x63: {  	_ =	shalt  }
0x64: {  	_ =	shalt  }
0x65: {  	_ =	shalt  }
0x66: {  	_ =	shalt  }
0x67: {  	_ =	shalt  }
0x68: {  	_ =	shalt  }
0x69: {  	_ =	shalt  }
0x6a: {  	_ =	shalt  }
0x6b: {  	_ =	shalt  }
0x6c: {  	_ =	shalt  }
0x6d: {  	_ =	shalt  }
0x6e: {  	_ =	shalt  }
0x6f: {  	_ =	shalt  }
0x70: {  	_ =	shalt  }
0x71: {  	_ =	shalt  }
0x72: {  	_ =	shalt  }
0x73: {  	_ =	shalt  }
0x74: {  	_ =	shalt  }
0x75: {  	_ =	shalt  }
0x76: {  	_ =	shalt  }
0x77: {  	_ =	shalt  }
0x78: {  	_ =	shalt  }
0x79: {  	_ =	shalt  }
0x7a: {  	_ =	shalt  }
0x7b: {  	_ =	shalt  }
0x7c: {  	_ =	shalt  }
0x7d: {  	_ =	shalt  }
0x7e: {  	_ =	shalt  }
0x7f: {  	_ =	shalt  }
0x80: {  	_ =	shalt  }
0x81: {  	_ =	shalt  }
0x82: {  	_ =	shalt  }
0x83: {  	_ =	shalt  }
0x84: {  	_ =	shalt  }
0x85: {  	_ =	shalt  }
0x86: {  	_ =	shalt  }
0x87: {  	_ =	shalt  }
.Lfunc_end0:
.L_simem_size_0:
called_computation_lowered:
.L_overlay_start_0:
0x88: {  	s2 =	sld [smem:$0x3FD9]  }
0x89: {  	s3 =	sld [smem:$0x3FFE];
	_ =	sdelay $0x1  }
0x8a: {  	s1 =	srdreg.scid  }
0x8b: {  	s0 =	sand.u32 $0x1, s1  }
0x8c: {  	s16 =	sshll.u32 s0, $0xA;
	s2 =	sadd.s32 s3, s2  }
0x8d: {  	s2 =	sadd.s32 s2, s16  }
0x8e: {  	[smem:$0x3FB6] =	sst s2  }
0x8f: {  	_ = 	snop  }
0x90: {  	(tm) =	ssettm $0x1  }
0x91: {  	s17 =	sld [smem:$0x3FFB];
	_ =	sdelay $0x3  }
0x92: {  	_ =	strace s17  }
0x93: {  	s2 =	sld [smem:$0x3FFC];
	_ =	sdelay $0x3  }
0x94: {  	_ =	strace s2  }
0x95: {  	s2 =	sld [smem:$0x3FFD];
	_ =	sdelay $0x3  }
0x96: {  	_ =	strace s2  }
0x97: {  	_ =	strace $0x8FFFFFFF  }
0x98: {  	s18 =	sld [smem:$0x3FDB];
	_ =	sdelay $0x1  }
0x99: {  	s19 =	simm.s32 $_scs_section_size  }
0x9a: {  	s4 =	simm.s32 $_size__tile_overlayer_lowered;
	s5 =	simm.s32 $_tile_overlayer_lowered  }
0x9b: {  	s22 =	simm.s32 $0x1BFF;
	s21 =	sshll.u32 s5, $0x1;
	s2 =	sadd.s32 s19, s18  }
0x9c: {  	s6 =	simm.s32 $0x0;
	s20 =	sshll.u32 s4, $0x1;
	s4 =	sadd.s32 s21, s2  }
0x9d: {  	[timem:s6], [sflag:s22] =	dma.local [hbm:s4], s20  }
0x9e: {  	_ =	swait.ge [sflag:s22], s20  }
0x9f: {  	s3 =	ssub.s32 $0x0, s20;
	[sflag:s22] =	ssyncset.done $0x0  }
0xa0: {  	[sflag:s22] =	ssyncadd.s32 s3;
	_ =	sdelay $0x1  }
0xa1: {  	s23 =	simm.s32 $0x1B8B  }
0xa2: {  	_ =	swait.ge [sflag:s23], $0x1  }
0xa3: {  	[sflag:s23] =	ssyncset.done $0x0  }
0xa4: {  	s25 =	simm.s32 $0x1B8E;
	s24 =	sld [smem:$0x3FFE];
	[sflag:s23] =	ssyncadd.s32 $0xFFFFFFFF  }
0xa5: {  	s26 =	simm.s32 $execute0_lowered;
	[smem:$0x3FD2] =	sst s25  }
0xa6: {  	s4 =	sshll.u32 s26, $0x1;
	_ =	strace $0x80000046;
	[dreg:$0x1] =	wrdreg $0xFFFFFFFF  }
0xa7: {  	s28 =	simm.s32 $_size_execute0_lowered;
	s2 =	sadd.s32 s2, s4;
	[dreg:$0x0] =	wrdreg $0x0  }
0xa8: {  	s4 =	sshll.u32 s28, $0x1;
	[dreg:$0x2] =	wrdreg s2  }
0xa9: {  	[dreg:$0x3] =	wrdreg s4  }
0xaa: {  	[dreg:$0x4] =	wrdreg $0xC0  }
0xab: {  	_ =	task [dreg:s6], $0x5FFFF  }
0xac: {  	[dreg:$0x1] =	wrdreg $0xFFFFFFFF  }
0xad: {  	[dreg:$0x0] =	wrdreg $0x60  }
0xae: {  	[dreg:$0x2] =	wrdreg s24  }
0xaf: {  	[dreg:$0x3] =	wrdreg $0x9  }
0xb0: {  	_ =	task.clear_ibuf [dreg:s6], $0x4FFFF;
	_ =	strace $0x90000046  }
0xb1: {  	s29 =	simm.s32 $0x9;
	_ =	strace $0x80000048  }
0xb2: {  	_ =	swait.ge [sflag:s29], $0x1  }
0xb3: {  	[sflag:s29] =	ssyncadd.s32 $0xFFFFFFFF  }
0xb4: {  	_ =	strace $0x90000048  }
0xb5: {  	_ =	sfence  }
0xb6: {  	s30 =	sld [smem:$0x0];
	_ =	sdelay $0x2  }
0xb7: {  	s31 =	sshll.u32 s1, $0xD;
	s1 =	sshrl.u32 s1, $0x2  }
0xb8: {  	s3 =	sand.u32 $0x4000, s31;
	s1 =	sadd.s32 s1, s30  }
0xb9: {  	s0 =	sor.u32 s3, s0;
	s1 =	sshll.u32 s1, $0x11  }
0xba: {  	s0 =	sor.u32 s1, s0  }
0xbb: {  	s0 =	sadd.s32 $0x8F2B, s0  }
0xbc: {  	[sflag:s0] =	ssyncadd.remote.s32 $0x1  }
0xbd: {  	_ =	sfence.sel $0xFFFF  }
0xbe: {  	[dreg:$0x0] =	wrdreg $0xFFFFFFFF;
	(pc) =	sbr.abs _section_cstart, $3  }
0xbf: {  	[dreg:$0x1] =	wrdreg $0xFFFFFFFF  }
0xc0: {  	_ =	task.clear_ibuf [dreg:s6], $0x2FFFF;
	_ =	strace $0x9FFFFFFF  }
0xc1: {  	(tm) =	ssettm $0x7FFFFFFF  }
tec
execute0_lowered:
.L_overlay_start_1:
0x0: {  	(tag) =	ssettag $0x1  }
0x1: {  	s1 =	srdreg.scid;
	s0 =	stileid.u32  }
0x2: {  	s4 =	rddreg [dreg:$0x0];
	s2 =	simm.s32 $0x0;
	s9 =	simm.s32 $0x1  }
0x3: {  	s10 =	simm.s32 $0x7800;
	s3 =	sand.u32 $0x1, s1;
	s30 =	sshll.u32 s0, $0x1  }
0x4: {  	s11 =	simm.s32 $0x80;
	s12 =	simm.s32 $0x100;
	s5 =	sor.u32 s3, s30  }
0x5: {  	s13 =	simm.s32 $0x0;
	[smem:$0x7FF] =	sst s2;
	s5 =	smul.u32 $0xA00, s5  }
0x6: {  	s1 =	rddreg [dreg:$0x1];
	s6 =	ssub.s32 $0x2, s3;
	_ =	strace $0x80000047  }
0x7: {  	s3 =	sadd.s32 $0x17E00, s4;
	s31 =	sshrl.u32 s6, $0x1;
	s7 =	sadd.s32 s5, s4  }
0x8: {  	s8 =	ssub.s32 s6, s31;
	s4 =	sadd.s32 $0x3E00, s7;
	s5 =	sadd.s32 $0x18400, s7  }
0x9: {  	s6 =	sadd.s32 $0x18410, s7;
	s7 =	smax.u32 s8, $0x1;
	s8 =	simm.s32 $0x5000  }
.LBB2_1:
0xa: {  	[tilespmem:s8], [sflag:$0x1] =	stream.linear.gather [hbm4b:s3+s2], $0x2800, $0x38;
	[tilespmem:$0xA000] =	vst v63  }
0xb: {  	_ =	swait.ge [sflag:s9], $0x2800  }
0xc: {  	[sflag:s9] =	ssyncset.done $0x0  }
0xd: {  	[sflag:s9] =	ssyncadd.s32 $0xFFFFD800  }
0xe: {  	[tilespmem:s10], [sflag:$0x1] =	stream.linear.gather [hbm4b:s3+s2], $0x2800, $0x38;
	[tilespmem:$0xA000] =	vst v63  }
0xf: {  	_ =	swait.ge [sflag:s9], $0x2800  }
0x10: {  	[sflag:s9] =	ssyncset.done $0x0  }
0x11: {  	[sflag:s9] =	ssyncadd.s32 $0xFFFFD800  }
0x12: {  	[tilespmem:s2], [sflag:$0x1] =	stream.linear.gather [hbm4b:s4+s2], $0x5000, $0x38;
	[tilespmem:$0xA000] =	vst v63  }
0x13: {  	_ =	swait.ge [sflag:s9], $0x5000  }
0x14: {  	[sflag:s9] =	ssyncset.done $0x0  }
0x15: {  	s14 =	simm.s32 $0x0;
	[sflag:s9] =	ssyncadd.s32 $0xFFFFB000  }
.LBB2_2:
0x16: {  	s15 =	sshra.s32 s14, $0x2  }
0x17: {  	v0 =	vld [tilespmem:s15+$0x0];
	_ =	sdelay $0x4  }
0x18: {  	(xrf1) =	vunique.msk.u32 $0xffff, v0;
	_ =	sdelay $0xd  }
0x19: {  	_, v1, vm0 =	vpop (xrf1);
	_ =	sdelay $0x3  }
0x1a: {  	v1 =	vcvt.s32.f32 v1;
	_ =	sdelay $0x1  }
0x1b: {  	[tilespmem:v0+s8+$0x0] =	vst.idx.add.f32.msk vm0, v1  }
0x1c: {  	v0 =	vld [tilespmem:s15+$0x80];
	_ =	sdelay $0x4  }
0x1d: {  	(xrf1) =	vunique.msk.u32 $0xffff, v0;
	_ =	sdelay $0xd  }
0x1e: {  	_, v1, vm0 =	vpop (xrf1);
	_ =	sdelay $0x3  }
0x1f: {  	v1 =	vcvt.s32.f32 v1;
	_ =	sdelay $0x1  }
0x20: {  	[tilespmem:v0+s10+$0x0] =	vst.idx.add.f32.msk vm0, v1  }
0x21: {  	v0 =	vld [tilespmem:s15+$0x10];
	_ =	sdelay $0x4  }
0x22: {  	(xrf1) =	vunique.msk.u32 $0xffff, v0;
	_ =	sdelay $0xd  }
0x23: {  	_, v1, vm0 =	vpop (xrf1);
	_ =	sdelay $0x3  }
0x24: {  	v1 =	vcvt.s32.f32 v1;
	_ =	sdelay $0x1  }
0x25: {  	[tilespmem:v0+s8+$0x0] =	vst.idx.add.f32.msk vm0, v1  }
0x26: {  	v0 =	vld [tilespmem:s15+$0x90];
	_ =	sdelay $0x4  }
0x27: {  	(xrf1) =	vunique.msk.u32 $0xffff, v0;
	_ =	sdelay $0xd  }
0x28: {  	_, v1, vm0 =	vpop (xrf1);
	_ =	sdelay $0x3  }
0x29: {  	v1 =	vcvt.s32.f32 v1;
	_ =	sdelay $0x1  }
0x2a: {  	[tilespmem:v0+s10+$0x0] =	vst.idx.add.f32.msk vm0, v1  }
0x2b: {  	v0 =	vld [tilespmem:s15+$0x20];
	_ =	sdelay $0x4  }
0x2c: {  	(xrf1) =	vunique.msk.u32 $0xffff, v0;
	_ =	sdelay $0xd  }
0x2d: {  	_, v1, vm0 =	vpop (xrf1);
	_ =	sdelay $0x3  }
0x2e: {  	v1 =	vcvt.s32.f32 v1;
	_ =	sdelay $0x1  }
0x2f: {  	[tilespmem:v0+s8+$0x0] =	vst.idx.add.f32.msk vm0, v1  }
0x30: {  	v0 =	vld [tilespmem:s15+$0xA0];
	_ =	sdelay $0x4  }
0x31: {  	(xrf1) =	vunique.msk.u32 $0xffff, v0;
	_ =	sdelay $0xd  }
0x32: {  	_, v1, vm0 =	vpop (xrf1);
	_ =	sdelay $0x3  }
0x33: {  	v1 =	vcvt.s32.f32 v1;
	_ =	sdelay $0x1  }
0x34: {  	[tilespmem:v0+s10+$0x0] =	vst.idx.add.f32.msk vm0, v1  }
0x35: {  	v0 =	vld [tilespmem:s15+$0x30];
	_ =	sdelay $0x4  }
0x36: {  	(xrf1) =	vunique.msk.u32 $0xffff, v0;
	_ =	sdelay $0xd  }
0x37: {  	_, v1, vm0 =	vpop (xrf1);
	_ =	sdelay $0x3  }
0x38: {  	v1 =	vcvt.s32.f32 v1;
	_ =	sdelay $0x1  }
0x39: {  	[tilespmem:v0+s8+$0x0] =	vst.idx.add.f32.msk vm0, v1  }
0x3a: {  	v0 =	vld [tilespmem:s15+$0xB0];
	_ =	sdelay $0x4  }
0x3b: {  	(xrf1) =	vunique.msk.u32 $0xffff, v0;
	_ =	sdelay $0xd  }
0x3c: {  	_, v1, vm0 =	vpop (xrf1);
	_ =	sdelay $0x3  }
0x3d: {  	v1 =	vcvt.s32.f32 v1;
	_ =	sdelay $0x1  }
0x3e: {  	[tilespmem:v0+s10+$0x0] =	vst.idx.add.f32.msk vm0, v1  }
0x3f: {  	v0 =	vld [tilespmem:s15+$0x40];
	_ =	sdelay $0x4  }
0x40: {  	(xrf1) =	vunique.msk.u32 $0xffff, v0;
	_ =	sdelay $0xd  }
0x41: {  	_, v1, vm0 =	vpop (xrf1);
	_ =	sdelay $0x3  }
0x42: {  	v1 =	vcvt.s32.f32 v1;
	_ =	sdelay $0x1  }
0x43: {  	[tilespmem:v0+s8+$0x0] =	vst.idx.add.f32.msk vm0, v1  }
0x44: {  	v0 =	vld [tilespmem:s15+$0xC0];
	_ =	sdelay $0x4  }
0x45: {  	(xrf1) =	vunique.msk.u32 $0xffff, v0;
	_ =	sdelay $0xd  }
0x46: {  	_, v1, vm0 =	vpop (xrf1);
	_ =	sdelay $0x3  }
0x47: {  	v1 =	vcvt.s32.f32 v1;
	_ =	sdelay $0x1  }
0x48: {  	[tilespmem:v0+s10+$0x0] =	vst.idx.add.f32.msk vm0, v1  }
0x49: {  	v0 =	vld [tilespmem:s15+$0x50];
	_ =	sdelay $0x4  }
0x4a: {  	(xrf1) =	vunique.msk.u32 $0xffff, v0;
	_ =	sdelay $0xd  }
0x4b: {  	_, v1, vm0 =	vpop (xrf1);
	_ =	sdelay $0x3  }
0x4c: {  	v1 =	vcvt.s32.f32 v1;
	_ =	sdelay $0x1  }
0x4d: {  	[tilespmem:v0+s8+$0x0] =	vst.idx.add.f32.msk vm0, v1  }
0x4e: {  	v0 =	vld [tilespmem:s15+$0xD0];
	_ =	sdelay $0x4  }
0x4f: {  	(xrf1) =	vunique.msk.u32 $0xffff, v0;
	_ =	sdelay $0xd  }
0x50: {  	_, v1, vm0 =	vpop (xrf1);
	_ =	sdelay $0x3  }
0x51: {  	v1 =	vcvt.s32.f32 v1;
	_ =	sdelay $0x1  }
0x52: {  	[tilespmem:v0+s10+$0x0] =	vst.idx.add.f32.msk vm0, v1  }
0x53: {  	v0 =	vld [tilespmem:s15+$0x60];
	_ =	sdelay $0x4  }
0x54: {  	(xrf1) =	vunique.msk.u32 $0xffff, v0;
	_ =	sdelay $0xd  }
0x55: {  	_, v1, vm0 =	vpop (xrf1);
	_ =	sdelay $0x3  }
0x56: {  	v1 =	vcvt.s32.f32 v1;
	_ =	sdelay $0x1  }
0x57: {  	[tilespmem:v0+s8+$0x0] =	vst.idx.add.f32.msk vm0, v1  }
0x58: {  	v0 =	vld [tilespmem:s15+$0xE0];
	_ =	sdelay $0x4  }
0x59: {  	(xrf1) =	vunique.msk.u32 $0xffff, v0;
	_ =	sdelay $0xd  }
0x5a: {  	_, v1, vm0 =	vpop (xrf1);
	_ =	sdelay $0x3  }
0x5b: {  	v1 =	vcvt.s32.f32 v1;
	_ =	sdelay $0x1  }
0x5c: {  	[tilespmem:v0+s10+$0x0] =	vst.idx.add.f32.msk vm0, v1  }
0x5d: {  	v0 =	vld [tilespmem:s15+$0x70];
	_ =	sdelay $0x4  }
0x5e: {  	(xrf1) =	vunique.msk.u32 $0xffff, v0;
	_ =	sdelay $0xd  }
0x5f: {  	_, v1, vm0 =	vpop (xrf1);
	_ =	sdelay $0x3  }
0x60: {  	v1 =	vcvt.s32.f32 v1;
	_ =	sdelay $0x1  }
0x61: {  	[tilespmem:v0+s8+$0x0] =	vst.idx.add.f32.msk vm0, v1  }
0x62: {  	v0 =	vld [tilespmem:s15+$0xF0];
	_ =	sdelay $0x4  }
0x63: {  	(xrf1) =	vunique.msk.u32 $0xffff, v0;
	_ =	sdelay $0xd  }
0x64: {  	_, v1, vm0 =	vpop (xrf1)  }
0x65: {  	p0 =	sne.s32 s14, $0x13C00  }
.Ltmp0:
0x66: {  	_ = 	snop;
	(pc) =	sbr.rel @p0 .LBB2_2-.Ltmp0, $3  }
0x67: {  	_ = 	snop  }
0x68: {  	v1 =	vcvt.s32.f32 v1;
	_ =	sdelay $0x1  }
0x69: {  	s14 =	sadd.s32 $0x400, s14;
	[tilespmem:v0+s10+$0x0] =	vst.idx.add.f32.msk vm0, v1  }
0x6a: {  	[hbm4b:s5+s11] =	stream.strided.scatter [tilespmem:s8], [sflag:$0x1], $0x2800, s12, s11, $0x38;
	[tilespmem:$0xA000] =	vst v63  }
0x6b: {  	s13 =	sadd.s32 $0x1, s13;
	_ =	swait.ge [sflag:s9], $0x2800  }
0x6c: {  	p0 =	sne.s32 s13, s7;
	[sflag:s9] =	ssyncset.done $0x0  }
.Ltmp1:
0x6d: {  	[sflag:s9] =	ssyncadd.s32 $0xFFFFD800;
	(pc) =	sbr.rel @p0 .LBB2_1-.Ltmp1, $4  }
0x6e: {  	[hbm4b:s6+s11] =	stream.strided.scatter [tilespmem:s10], [sflag:$0x1], $0x2800, s12, s11, $0x38;
	[tilespmem:$0xA000] =	vst v63  }
0x6f: {  	_ =	swait.ge [sflag:s9], $0x2800  }
0x70: {  	[sflag:s9] =	ssyncset.done $0x0  }
0x71: {  	[sflag:s9] =	ssyncadd.s32 $0xFFFFD800  }
0x72: {  	_ =	sfence.sel $0x180000  }
0x73: {  	[bflag:$0x0] =	sbarrier.arrive $0xFFFF  }
0x74: {  	p0 =	sne.s32 s0, $0x0;
	_ =	strace $0x90000047  }
0x75: {  	s0 =	sadd.s32 @!p0 $0x100000, s1;
	[bflag:$0x2] =	sbarrier.arrive $0xFFFF  }
0x76: {  	[sflag:s0] =	ssyncadd.tile.s32 @!p0 $0x1;
	_ =	shalt  }
.Lfunc_end2:
_tile_overlayer_lowered:
.L_overlay_start_2:
0x77: {  	(tag) =	ssettag $0x2  }
0x78: {  	s0 =	rddreg [dreg:$0x0];
	s2 =	stileid.u32  }
0x79: {  	s1 =	rddreg [dreg:$0x1];
	p0 =	sne.s32 s2, $0x0  }
0x7a: {  	s3 =	rddreg [dreg:$0x2];
	[bflag:$0x3] =	sbarrier.arrive $0xFFFF;
	s2 =	simm.s32 @!p0 $0x1C01  }
0x7b: {  	[timem:s3], [sflag:s2] =	dma.local @!p0 [hbm:s0], s1  }
0x7c: {  	s0 =	simm.s32 @!p0 $0x1  }
0x7d: {  	_ =	swait.ge @!p0 [sflag:s0], s1  }
0x7e: {  	s1 =	ssub.s32 @!p0 $0x0, s1;
	[sflag:s0] =	ssyncset.done @!p0 $0x0  }
0x7f: {  	[sflag:s0] =	ssyncadd.s32 @!p0 s1  }
0x80: {  	[bflag:$0x3] =	sbarrier.arrive $0xFFFF  }
0x81: {  	_ =	shalt  }

</sc_bundles>
